<compile_context>
chip_gen: v7x
topology: tpu7x:2x2x1
jax: 0.10.2.dev20260603
libtpu: 0.0.44.dev20260713+nightly
codegen_flags: <defaults>
</compile_context>

<pallas_src>
import functools

import jax
import jax.numpy as jnp
from jax import lax
from jax.experimental import pallas as pl
from jax.experimental.pallas import tpu as pltpu
from jax.experimental.pallas import tpu_sc as plsc

N = 10000
IN_CH = 256
HIDDEN = 256
NUM_CLASSES = 64

NC = 2
NS = 16
B = 128
FG = 128
ACC_N = 10240
TPS = ACC_N // NS
BM = 1000


def _mesh():
    return plsc.VectorSubcoreMesh(
        core_axis_name="c", subcore_axis_name="s", num_cores=NC, num_subcores=NS
    )


def _fill_zero(ref, nrows, width):
    z = jnp.zeros((16,), jnp.float32)
    per_row = width // 16

    def row(i, carry):
        for j in range(per_row):
            ref[i, pl.ds(j * 16, 16)] = z
        return carry

    lax.fori_loop(0, nrows, row, 0)


PR_HALF = ACC_N // NC
PR_R = PR_HALF + 128
PR_T = PR_R // NS


def _prop_body(NB, NPASS, table, src, dst, out, idx_s, idx_d, idx_t,
               buf_a, buf_b, sem_a, sem_b, acc):
    c = lax.axis_index("c")
    s = lax.axis_index("s")
    t0 = s * PR_T
    rows = pl.ds(t0, PR_T)
    pltpu.sync_copy(src.at[c, s], idx_s)
    pltpu.sync_copy(dst.at[c, s], idx_d)

    for k in range(NPASS):
        r = k if NPASS == NC else c
        base = r * PR_HALF

        def xform(b, carry):
            for g in range(B // 16):
                sl = pl.ds(g * 16, 16)
                idx = idx_d[b, sl]
                local = idx - base
                inb = (local >= 0) & (local < PR_HALF)
                idx_t[b, sl] = jnp.where(inb, local,
                                         PR_HALF + (idx & 127))
            return carry

        lax.fori_loop(0, NB, xform, 0)

        _fill_zero(buf_a, B, FG)
        pltpu.sync_copy(buf_a, acc.at[pl.ds(t0, B)])
        pltpu.sync_copy(buf_a, acc.at[pl.ds(t0 + B, B)])
        pltpu.sync_copy(buf_a.at[pl.ds(0, PR_T - 2 * B)],
                        acc.at[pl.ds(t0 + 2 * B, PR_T - 2 * B)])
        plsc.subcore_barrier()

        pltpu.make_async_copy(table.at[idx_s.at[0]], buf_a, sem_a).start()

        def step(t, carry):
            b0 = 2 * t
            b1 = b0 + 1
            pltpu.make_async_copy(table.at[idx_s.at[b1]], buf_b,
                                  sem_b).start()
            pltpu.make_async_copy(table.at[idx_s.at[b0]], buf_a,
                                  sem_a).wait()
            pltpu.sync_copy(buf_a, acc.at[idx_t.at[b0]], add=True)

            @pl.when(b0 + 2 < NB)
            def _():
                pltpu.make_async_copy(table.at[idx_s.at[b0 + 2]], buf_a,
                                      sem_a).start()

            pltpu.make_async_copy(table.at[idx_s.at[b1]], buf_b,
                                  sem_b).wait()
            pltpu.sync_copy(buf_b, acc.at[idx_t.at[b1]], add=True)
            return carry

        lax.fori_loop(0, NB // 2, step, 0)
        plsc.subcore_barrier()
        pltpu.sync_copy(acc.at[rows], out.at[c, k, rows])
        plsc.subcore_barrier()


def _make_prop(NB, NPASS):
    return pl.kernel(
        functools.partial(_prop_body, NB, NPASS),
        out_type=jax.ShapeDtypeStruct((NC, NPASS, PR_R, FG), jnp.float32),
        scratch_types=[
            pltpu.VMEM((NB, B), jnp.int32),
            pltpu.VMEM((NB, B), jnp.int32),
            pltpu.VMEM((NB, B), jnp.int32),
            pltpu.VMEM((B, FG), jnp.float32),
            pltpu.VMEM((B, FG), jnp.float32),
            pltpu.SemaphoreType.DMA,
            pltpu.SemaphoreType.DMA,
            pltpu.VMEM_SHARED((PR_R, FG), jnp.float32),
        ],
        mesh=_mesh(),
    )


DEG_HALF = ACC_N // NC
DEG_R = DEG_HALF + 128
DEG_T = DEG_R // NS


def _deg_body(NB, dst, out, idx_d, idx2, ones_v, zbuf, acc):
    c = lax.axis_index("c")
    s = lax.axis_index("s")
    base = c * DEG_HALF
    pltpu.sync_copy(dst.at[s], idx_d)

    ones = jnp.ones((16,), jnp.float32)
    z = jnp.zeros((16,), jnp.float32)

    def fill(i, carry):
        ones_v[i, pl.ds(0, 16)] = ones
        zbuf[i, pl.ds(0, 16)] = z
        return carry

    lax.fori_loop(0, B, fill, 0)

    t0 = s * DEG_T
    pltpu.sync_copy(zbuf, acc.at[pl.ds(t0, B)])
    pltpu.sync_copy(zbuf, acc.at[pl.ds(t0 + B, B)])
    pltpu.sync_copy(zbuf.at[pl.ds(0, DEG_T - 2 * B)],
                    acc.at[pl.ds(t0 + 2 * B, DEG_T - 2 * B)])
    plsc.subcore_barrier()

    def step(b, carry):
        for k in range(B // 16):
            idx = idx_d[b, pl.ds(k * 16, 16)]
            local = idx - base
            inb = (local >= 0) & (local < DEG_HALF)
            idx2[0, pl.ds(k * 16, 16)] = jnp.where(inb, local, DEG_HALF)
        pltpu.sync_copy(ones_v, acc.at[idx2.at[0]], add=True)
        return carry

    lax.fori_loop(0, NB, step, 0)
    plsc.subcore_barrier()
    rows = pl.ds(t0, DEG_T)
    pltpu.sync_copy(acc.at[rows], out.at[c, rows])


def _make_deg(NB):
    return pl.kernel(
        functools.partial(_deg_body, NB),
        out_type=jax.ShapeDtypeStruct((NC, DEG_R, 16), jnp.float32),
        scratch_types=[
            pltpu.VMEM((NB, B), jnp.int32),
            pltpu.VMEM((1, B), jnp.int32),
            pltpu.VMEM((B, 16), jnp.float32),
            pltpu.VMEM((B, 16), jnp.float32),
            pltpu.VMEM_SHARED((DEG_R, 16), jnp.float32),
        ],
        mesh=_mesh(),
    )


RB = 1280


def _dinv_body(deg_ref, out_ref):
    out_ref[...] = lax.rsqrt(deg_ref[...] + 1.0)


def _dinv_kernel(deg_row):
    return pl.pallas_call(
        _dinv_body,
        grid=(ACC_N // RB,),
        in_specs=[pl.BlockSpec((1, RB), lambda i: (0, i))],
        out_specs=pl.BlockSpec((1, RB), lambda i: (0, i)),
        out_shape=jax.ShapeDtypeStruct((1, ACC_N), jnp.float32),
    )(deg_row)


def _stage_b_body(x_ref, w_ref, dinv_ref, xws_ref):
    dinv = dinv_ref[...]
    xw = jnp.dot(x_ref[...], w_ref[0], preferred_element_type=jnp.float32)
    xws_ref[0] = dinv * xw


def _stage_b(x, W1p, dinv):
    return pl.pallas_call(
        _stage_b_body,
        grid=(N // BM, NC),
        in_specs=[
            pl.BlockSpec((BM, IN_CH), lambda i, j: (i, 0)),
            pl.BlockSpec((1, IN_CH, FG), lambda i, j: (j, 0, 0)),
            pl.BlockSpec((BM, 1), lambda i, j: (i, 0)),
        ],
        out_specs=pl.BlockSpec((1, BM, FG), lambda i, j: (j, i, 0)),
        out_shape=jax.ShapeDtypeStruct((NC, N, FG), jnp.float32),
    )(x, W1p, dinv)


def _stage_d_body(s1_ref, xws_ref, dinv_ref, b1_ref, w2_ref, out_ref):
    dv = dinv_ref[...]
    h0 = jnp.maximum(dv * (s1_ref[0] + xws_ref[0]) + b1_ref[0], 0.0)
    h1 = jnp.maximum(dv * (s1_ref[1] + xws_ref[1]) + b1_ref[1], 0.0)
    hw2 = (jnp.dot(h0, w2_ref[0:FG], preferred_element_type=jnp.float32)
           + jnp.dot(h1, w2_ref[FG:HIDDEN],
                     preferred_element_type=jnp.float32))
    hws2 = dv * hw2
    out_ref[...] = jnp.concatenate(
        [hws2, jnp.zeros((BM, FG - NUM_CLASSES), jnp.float32)], axis=1)


def _stage_d(s1, xws, dinv, b1r, W2):
    return pl.pallas_call(
        _stage_d_body,
        grid=(N // BM,),
        in_specs=[
            pl.BlockSpec((NC, BM, FG), lambda i: (0, i, 0)),
            pl.BlockSpec((NC, BM, FG), lambda i: (0, i, 0)),
            pl.BlockSpec((BM, 1), lambda i: (i, 0)),
            pl.BlockSpec((NC, 1, FG), lambda i: (0, 0, 0)),
            pl.BlockSpec((HIDDEN, NUM_CLASSES), lambda i: (0, 0)),
        ],
        out_specs=pl.BlockSpec((BM, FG), lambda i: (i, 0)),
        out_shape=jax.ShapeDtypeStruct((N, FG), jnp.float32),
    )(s1, xws, dinv, b1r, W2)


def _stage_f_body(p_ref, hws_ref, dinv_ref, b2_ref, out_ref):
    dv = dinv_ref[...]
    hws = hws_ref[:, 0:NUM_CLASSES]
    out_ref[...] = dv * (p_ref[:, 0:NUM_CLASSES] + hws) + b2_ref[...]


def _stage_f(p, hws2p, dinv, b2r):
    return pl.pallas_call(
        _stage_f_body,
        grid=(N // BM,),
        in_specs=[
            pl.BlockSpec((BM, FG), lambda i: (i, 0)),
            pl.BlockSpec((BM, FG), lambda i: (i, 0)),
            pl.BlockSpec((BM, 1), lambda i: (i, 0)),
            pl.BlockSpec((1, NUM_CLASSES), lambda i: (0, 0)),
        ],
        out_specs=pl.BlockSpec((BM, NUM_CLASSES), lambda i: (i, 0)),
        out_shape=jax.ShapeDtypeStruct((N, NUM_CLASSES), jnp.float32),
    )(p, hws2p, dinv, b2r)


def kernel(x, edge_index, W1, b1, W2, b2):
    E = edge_index.shape[1]
    chunk = NC * NS * B
    PE = -(-E // chunk) * chunk
    NB2 = PE // chunk
    NB1 = PE // (NS * B)

    ei = edge_index.astype(jnp.int32)
    src = jnp.concatenate([ei[0], jnp.zeros((PE - E,), jnp.int32)])
    dst = jnp.concatenate([ei[1], jnp.full((PE - E,), N, jnp.int32)])

    offs = (jnp.arange(NC, dtype=jnp.int32) * N).reshape(NC, 1, 1, 1)
    src1 = src.reshape(1, NS, NB1, B) + offs
    src2 = jnp.broadcast_to(src.reshape(1, NS, NB1, B), (NC, NS, NB1, B))
    dst1 = jnp.broadcast_to(dst.reshape(1, NS, NB1, B), (NC, NS, NB1, B))

    dst1m = dst.reshape(NS, NB1, B)
    degp = _make_deg(NB1)(dst1m)
    deg_row = jnp.concatenate(
        [degp[0, :DEG_HALF, 0], degp[1, :DEG_HALF, 0]])[None, :]
    dinv_row = _dinv_kernel(deg_row)
    dinv = dinv_row[0, :N][:, None]

    W1p = W1.reshape(IN_CH, NC, FG).transpose(1, 0, 2)
    xws = _stage_b(x, W1p, dinv)

    table1 = xws.reshape(NC * N, FG)
    s1 = _make_prop(NB1, NC)(table1, src1, dst1)
    s1v = s1[:, :, :PR_HALF, :].reshape(NC, ACC_N, FG)

    hws2p = _stage_d(s1v, xws, dinv, b1.reshape(NC, 1, FG), W2)

    s2 = _make_prop(NB1, 1)(hws2p, src2, dst1)
    s2v = s2[:, 0, :PR_HALF, :].reshape(ACC_N, FG)

    return _stage_f(s2v, hws2p, dinv, b2.reshape(1, NUM_CLASSES))

# --- scband reference (transcript-rebuilt; emitter-appended) ---
"""Pipeline reference for scband-gcn-489626272081 (READ-ONLY COPY).

The authoritative reference and input builder live on the scoring server;
editing this copy changes nothing except your own understanding.
"""

import jax, jax.numpy as jnp
import numpy as np

N_NODES = 10000
IN_CH = 256
HIDDEN = 256
NUM_CLASSES = 64
N_EDGES = 160000


def setup_inputs(seed: int = 0) -> dict:
    key = jax.random.key(seed)
    k1, k2, k3, k4, k5, k6 = jax.random.split(key, 6)
    x = jax.random.normal(k1, (N_NODES, IN_CH), dtype=jnp.float32)
    edge_index = jax.random.randint(k2, (2, N_EDGES), 0, N_NODES, dtype=jnp.int64)
    # Glorot-init weights like PyG GCNConv
    s1 = float(np.sqrt(6.0 / (IN_CH + HIDDEN)))
    W1 = jax.random.uniform(k3, (IN_CH, HIDDEN), minval=-s1, maxval=s1, dtype=jnp.float32)
    b1 = jnp.zeros((HIDDEN,), dtype=jnp.float32)
    s2 = float(np.sqrt(6.0 / (HIDDEN + NUM_CLASSES)))
    W2 = jax.random.uniform(k4, (HIDDEN, NUM_CLASSES), minval=-s2, maxval=s2, dtype=jnp.float32)
    b2 = jnp.zeros((NUM_CLASSES,), dtype=jnp.float32)
    return {"x": x, "edge_index": edge_index, "W1": W1, "b1": b1, "W2": W2, "b2": b2}


def _gcn_conv(x, src, dst, W, b, num_nodes):
    # x' = D^{-1/2} (A + I) D^{-1/2} X W + b  (PyG GCNConv with self-loops)
    xw = x @ W
    deg = jnp.zeros((num_nodes,), dtype=x.dtype).at[dst].add(1.0)
    dinv = jnp.where(deg > 0, jax.lax.rsqrt(jnp.maximum(deg, 1e-12)), 0.0)
    norm = dinv[src] * dinv[dst]
    msg = xw[src] * norm[:, None]
    out = jnp.zeros((num_nodes, W.shape[1]), dtype=x.dtype).at[dst].add(msg)
    return out + b


def reference(x, edge_index, W1, b1, W2, b2):
    num_nodes = x.shape[0]
    loop = jnp.arange(num_nodes, dtype=edge_index.dtype)
    src = jnp.concatenate([edge_index[0], loop])
    dst = jnp.concatenate([edge_index[1], loop])
    h = _gcn_conv(x, src, dst, W1, b1, num_nodes)
    h = jax.nn.relu(h)
    # dropout is identity in eval mode
    out = _gcn_conv(h, src, dst, W2, b2, num_nodes)
    return out

if __name__ == "__main__":
    import jax
    _d = setup_inputs()
    print(jax.jit(kernel)(*tuple(_d.values())))

</pallas_src>

<mosaic_0001>
#map = affine_map<(d0, d1) -> (0, 0, 0)>
module attributes {stable_mosaic.version = 14 : i64} {
  func.func @_deg_body(%arg0: i32, %arg1: i32, %arg2: memref<16x80x128xi32, #tpu.memory_space<hbm>>, %arg3: memref<2x5248x16xf32, #tpu.memory_space<hbm>>, %arg4: memref<80x128xi32, #tpu.memory_space<vmem>>, %arg5: memref<1x128xi32, #tpu.memory_space<vmem>>, %arg6: memref<128x16xf32, #tpu.memory_space<vmem>>, %arg7: memref<128x16xf32, #tpu.memory_space<vmem>>, %arg8: memref<5248x16xf32, #tpu.memory_space<vmem_shared>>) attributes {dimension_semantics = [#tpu.dimension_semantics<core_parallel>, #tpu.dimension_semantics<subcore_parallel>], iteration_bounds = array<i64: 2, 16>, scalar_prefetch = 0 : i64, scratch_operands = 5 : i64, tpu.core_type = #tpu.core_type<sc_vector_subcore>, window_params = [{transform_indices = #map}, {transform_indices = #map}]} {
    %mul3A = arith.constant 5120 : i32
    %mul3A_0 = arith.muli %arg0, %mul3A : i32
    "tpu.region"() ({
      %run_scoped3A = tpu.sem_alloc : memref<!tpu.dma_semaphore, #tpu.memory_space<semaphore_mem>>
      %dma_start3A = arith.constant 0 : i32
      %dma_start3A_21 = arith.constant 0 : i32
      %dma_start3A_22 = tpu.memref_slice %arg2[%arg1, %dma_start3A, %dma_start3A_21] : memref<16x80x128xi32, #tpu.memory_space<hbm>> -> memref<1x80x128xi32, #tpu.memory_space<hbm>>
      %dma_start3A_23 = tpu.memref_squeeze %dma_start3A_22 : memref<1x80x128xi32, #tpu.memory_space<hbm>> -> memref<80x128xi32, #tpu.memory_space<hbm>>
      %dma_start3A_24 = arith.constant 0 : i32
      %dma_start3A_25 = arith.constant 0 : i32
      %dma_start3A_26 = tpu.memref_slice %arg2[%arg1, %dma_start3A_24, %dma_start3A_25] : memref<16x80x128xi32, #tpu.memory_space<hbm>> -> memref<1x80x128xi32, #tpu.memory_space<hbm>>
      %dma_start3A_27 = tpu.memref_squeeze %dma_start3A_26 : memref<1x80x128xi32, #tpu.memory_space<hbm>> -> memref<80x128xi32, #tpu.memory_space<hbm>>
      tpu.enqueue_dma source(%dma_start3A_27 : memref<80x128xi32, #tpu.memory_space<hbm>>) target(%arg4 : memref<80x128xi32, #tpu.memory_space<vmem>>) target_semaphore(%run_scoped3A : memref<!tpu.dma_semaphore, #tpu.memory_space<semaphore_mem>>)
      %dma_wait3A = arith.constant 0 : i32
      %dma_wait3A_28 = arith.constant 0 : i32
      %dma_wait3A_29 = tpu.memref_slice %arg2[%arg1, %dma_wait3A, %dma_wait3A_28] : memref<16x80x128xi32, #tpu.memory_space<hbm>> -> memref<1x80x128xi32, #tpu.memory_space<hbm>>
      %dma_wait3A_30 = tpu.memref_squeeze %dma_wait3A_29 : memref<1x80x128xi32, #tpu.memory_space<hbm>> -> memref<80x128xi32, #tpu.memory_space<hbm>>
      %dma_wait3A_31 = arith.constant 0 : i32
      %dma_wait3A_32 = arith.constant 0 : i32
      %dma_wait3A_33 = tpu.memref_slice %arg2[%arg1, %dma_wait3A_31, %dma_wait3A_32] : memref<16x80x128xi32, #tpu.memory_space<hbm>> -> memref<1x80x128xi32, #tpu.memory_space<hbm>>
      %dma_wait3A_34 = tpu.memref_squeeze %dma_wait3A_33 : memref<1x80x128xi32, #tpu.memory_space<hbm>> -> memref<80x128xi32, #tpu.memory_space<hbm>>
      tpu.wait_dma2 semaphore(%run_scoped3A : memref<!tpu.dma_semaphore, #tpu.memory_space<semaphore_mem>>) src(%dma_wait3A_34 : memref<80x128xi32, #tpu.memory_space<hbm>>) dst(%arg4 : memref<80x128xi32, #tpu.memory_space<vmem>>)
      tpu.yield
    }) : () -> ()
    %broadcast_in_dim3A = arith.constant 1.000000e+00 : f32
    %broadcast_in_dim3A_1 = vector.broadcast %broadcast_in_dim3A : f32 to vector<16xf32>
    %broadcast_in_dim3A_2 = arith.constant 0.000000e+00 : f32
    %broadcast_in_dim3A_3 = vector.broadcast %broadcast_in_dim3A_2 : f32 to vector<16xf32>
    %scan3A = arith.constant 0 : i32
    %scan3A_4 = arith.constant 0 : i32
    %scan3A_5 = arith.constant 128 : i32
    %scan3A_6 = arith.addi %scan3A_4, %scan3A_5 : i32
    %scan3A_7 = arith.constant 1 : i32
    scf.for %scan3A_21 = %scan3A_4 to %scan3A_6 step %scan3A_7  : i32 {
      %swap3A = arith.index_cast %scan3A_21 : i32 to index
      %swap3A_22 = arith.constant 0 : index
      %swap3A_23 = tpu.vector_load %arg6[%swap3A, %swap3A_22] {strides = array<i32>} : memref<128x16xf32, #tpu.memory_space<vmem>>, vector<1x16xf32>,
      %swap3A_24 = vector.shape_cast %swap3A_23 : vector<1x16xf32> to vector<16xf32>
      %swap3A_25 = vector.shape_cast %broadcast_in_dim3A_1 : vector<16xf32> to vector<1x16xf32>
      tpu.vector_store %arg6[%swap3A, %swap3A_22], %swap3A_25 {strides = array<i32>} : memref<128x16xf32, #tpu.memory_space<vmem>>, vector<1x16xf32>,
      %swap3A_26 = arith.index_cast %scan3A_21 : i32 to index
      %swap3A_27 = arith.constant 0 : index
      %swap3A_28 = tpu.vector_load %arg7[%swap3A_26, %swap3A_27] {strides = array<i32>} : memref<128x16xf32, #tpu.memory_space<vmem>>, vector<1x16xf32>,
      %swap3A_29 = vector.shape_cast %swap3A_28 : vector<1x16xf32> to vector<16xf32>
      %swap3A_30 = vector.shape_cast %broadcast_in_dim3A_3 : vector<16xf32> to vector<1x16xf32>
      tpu.vector_store %arg7[%swap3A_26, %swap3A_27], %swap3A_30 {strides = array<i32>} : memref<128x16xf32, #tpu.memory_space<vmem>>, vector<1x16xf32>,
    }
    %scan3A_8 = arith.constant 128 : i32
    %mul3A_9 = arith.constant 328 : i32
    %mul3A_10 = arith.muli %arg1, %mul3A_9 : i32
    "tpu.region"() ({
      %run_scoped3A = tpu.sem_alloc : memref<!tpu.dma_semaphore, #tpu.memory_space<semaphore_mem>>
      %dma_start3A = arith.constant 0 : i32
      %dma_start3A_21 = tpu.memref_slice %arg8[%mul3A_10, %dma_start3A] : memref<5248x16xf32, #tpu.memory_space<vmem_shared>> -> memref<128x16xf32, #tpu.memory_space<vmem_shared>>
      %dma_start3A_22 = arith.constant 0 : i32
      %dma_start3A_23 = tpu.memref_slice %arg8[%mul3A_10, %dma_start3A_22] : memref<5248x16xf32, #tpu.memory_space<vmem_shared>> -> memref<128x16xf32, #tpu.memory_space<vmem_shared>>
      tpu.enqueue_dma source(%arg7 : memref<128x16xf32, #tpu.memory_space<vmem>>) target(%dma_start3A_23 : memref<128x16xf32, #tpu.memory_space<vmem_shared>>) target_semaphore(%run_scoped3A : memref<!tpu.dma_semaphore, #tpu.memory_space<semaphore_mem>>)
      %dma_wait3A = arith.constant 0 : i32
      %dma_wait3A_24 = tpu.memref_slice %arg8[%mul3A_10, %dma_wait3A] : memref<5248x16xf32, #tpu.memory_space<vmem_shared>> -> memref<128x16xf32, #tpu.memory_space<vmem_shared>>
      %dma_wait3A_25 = arith.constant 0 : i32
      %dma_wait3A_26 = tpu.memref_slice %arg8[%mul3A_10, %dma_wait3A_25] : memref<5248x16xf32, #tpu.memory_space<vmem_shared>> -> memref<128x16xf32, #tpu.memory_space<vmem_shared>>
      tpu.wait_dma2 semaphore(%run_scoped3A : memref<!tpu.dma_semaphore, #tpu.memory_space<semaphore_mem>>) src(%arg7 : memref<128x16xf32, #tpu.memory_space<vmem>>) dst(%dma_wait3A_26 : memref<128x16xf32, #tpu.memory_space<vmem_shared>>)
      tpu.yield
    }) : () -> ()
    %add3A = arith.constant 128 : i32
    %add3A_11 = arith.addi %mul3A_10, %add3A : i32
    "tpu.region"() ({
      %run_scoped3A = tpu.sem_alloc : memref<!tpu.dma_semaphore, #tpu.memory_space<semaphore_mem>>
      %dma_start3A = arith.constant 0 : i32
      %dma_start3A_21 = tpu.memref_slice %arg8[%add3A_11, %dma_start3A] : memref<5248x16xf32, #tpu.memory_space<vmem_shared>> -> memref<128x16xf32, #tpu.memory_space<vmem_shared>>
      %dma_start3A_22 = arith.constant 0 : i32
      %dma_start3A_23 = tpu.memref_slice %arg8[%add3A_11, %dma_start3A_22] : memref<5248x16xf32, #tpu.memory_space<vmem_shared>> -> memref<128x16xf32, #tpu.memory_space<vmem_shared>>
      tpu.enqueue_dma source(%arg7 : memref<128x16xf32, #tpu.memory_space<vmem>>) target(%dma_start3A_23 : memref<128x16xf32, #tpu.memory_space<vmem_shared>>) target_semaphore(%run_scoped3A : memref<!tpu.dma_semaphore, #tpu.memory_space<semaphore_mem>>)
      %dma_wait3A = arith.constant 0 : i32
      %dma_wait3A_24 = tpu.memref_slice %arg8[%add3A_11, %dma_wait3A] : memref<5248x16xf32, #tpu.memory_space<vmem_shared>> -> memref<128x16xf32, #tpu.memory_space<vmem_shared>>
      %dma_wait3A_25 = arith.constant 0 : i32
      %dma_wait3A_26 = tpu.memref_slice %arg8[%add3A_11, %dma_wait3A_25] : memref<5248x16xf32, #tpu.memory_space<vmem_shared>> -> memref<128x16xf32, #tpu.memory_space<vmem_shared>>
      tpu.wait_dma2 semaphore(%run_scoped3A : memref<!tpu.dma_semaphore, #tpu.memory_space<semaphore_mem>>) src(%arg7 : memref<128x16xf32, #tpu.memory_space<vmem>>) dst(%dma_wait3A_26 : memref<128x16xf32, #tpu.memory_space<vmem_shared>>)
      tpu.yield
    }) : () -> ()
    %add3A_12 = arith.constant 256 : i32
    %add3A_13 = arith.addi %mul3A_10, %add3A_12 : i32
    "tpu.region"() ({
      %run_scoped3A = tpu.sem_alloc : memref<!tpu.dma_semaphore, #tpu.memory_space<semaphore_mem>>
      %dma_start3A = arith.constant 0 : i32
      %dma_start3A_21 = arith.constant 0 : i32
      %dma_start3A_22 = tpu.memref_slice %arg7[%dma_start3A, %dma_start3A_21] : memref<128x16xf32, #tpu.memory_space<vmem>> -> memref<72x16xf32, #tpu.memory_space<vmem>>
      %dma_start3A_23 = arith.constant 0 : i32
      %dma_start3A_24 = tpu.memref_slice %arg8[%add3A_13, %dma_start3A_23] : memref<5248x16xf32, #tpu.memory_space<vmem_shared>> -> memref<72x16xf32, #tpu.memory_space<vmem_shared>>
      %dma_start3A_25 = arith.constant 0 : i32
      %dma_start3A_26 = tpu.memref_slice %arg8[%add3A_13, %dma_start3A_25] : memref<5248x16xf32, #tpu.memory_space<vmem_shared>> -> memref<72x16xf32, #tpu.memory_space<vmem_shared>>
      %dma_start3A_27 = arith.constant 0 : i32
      %dma_start3A_28 = arith.constant 0 : i32
      %dma_start3A_29 = tpu.memref_slice %arg7[%dma_start3A_27, %dma_start3A_28] : memref<128x16xf32, #tpu.memory_space<vmem>> -> memref<72x16xf32, #tpu.memory_space<vmem>>
      tpu.enqueue_dma source(%dma_start3A_29 : memref<72x16xf32, #tpu.memory_space<vmem>>) target(%dma_start3A_26 : memref<72x16xf32, #tpu.memory_space<vmem_shared>>) target_semaphore(%run_scoped3A : memref<!tpu.dma_semaphore, #tpu.memory_space<semaphore_mem>>)
      %dma_wait3A = arith.constant 0 : i32
      %dma_wait3A_30 = arith.constant 0 : i32
      %dma_wait3A_31 = tpu.memref_slice %arg7[%dma_wait3A, %dma_wait3A_30] : memref<128x16xf32, #tpu.memory_space<vmem>> -> memref<72x16xf32, #tpu.memory_space<vmem>>
      %dma_wait3A_32 = arith.constant 0 : i32
      %dma_wait3A_33 = tpu.memref_slice %arg8[%add3A_13, %dma_wait3A_32] : memref<5248x16xf32, #tpu.memory_space<vmem_shared>> -> memref<72x16xf32, #tpu.memory_space<vmem_shared>>
      %dma_wait3A_34 = arith.constant 0 : i32
      %dma_wait3A_35 = tpu.memref_slice %arg8[%add3A_13, %dma_wait3A_34] : memref<5248x16xf32, #tpu.memory_space<vmem_shared>> -> memref<72x16xf32, #tpu.memory_space<vmem_shared>>
      %dma_wait3A_36 = arith.constant 0 : i32
      %dma_wait3A_37 = arith.constant 0 : i32
      %dma_wait3A_38 = tpu.memref_slice %arg7[%dma_wait3A_36, %dma_wait3A_37] : memref<128x16xf32, #tpu.memory_space<vmem>> -> memref<72x16xf32, #tpu.memory_space<vmem>>
      tpu.wait_dma2 semaphore(%run_scoped3A : memref<!tpu.dma_semaphore, #tpu.memory_space<semaphore_mem>>) src(%dma_wait3A_38 : memref<72x16xf32, #tpu.memory_space<vmem>>) dst(%dma_wait3A_35 : memref<72x16xf32, #tpu.memory_space<vmem_shared>>)
      tpu.yield
    }) : () -> ()
    %barrier3A = arith.constant 0 : index
    tpu.barrier barrier_id(%barrier3A)
    %scan3A_14 = arith.constant 0 : i32
    %scan3A_15 = arith.constant 0 : i32
    %scan3A_16 = arith.constant 80 : i32
    %scan3A_17 = arith.addi %scan3A_15, %scan3A_16 : i32
    %scan3A_18 = arith.constant 1 : i32
    scf.for %scan3A_21 = %scan3A_15 to %scan3A_17 step %scan3A_18  : i32 {
      %get3A = arith.index_cast %scan3A_21 : i32 to index
      %get3A_22 = arith.constant 0 : index
      %get3A_23 = tpu.vector_load %arg4[%get3A, %get3A_22] {strides = array<i32>} : memref<80x128xi32, #tpu.memory_space<vmem>>, vector<1x16xi32>,
      %get3A_24 = vector.shape_cast %get3A_23 : vector<1x16xi32> to vector<16xi32>
      %sub3A = vector.broadcast %mul3A_0 : i32 to vector<16xi32>
      %sub3A_25 = arith.subi %get3A_24, %sub3A : vector<16xi32>
      %ge3A = arith.constant 0 : i32
      %ge3A_26 = vector.broadcast %ge3A : i32 to vector<16xi32>
      %ge3A_27 = arith.cmpi sge, %sub3A_25, %ge3A_26 : vector<16xi32>
      %lt3A = arith.constant 5120 : i32
      %lt3A_28 = vector.broadcast %lt3A : i32 to vector<16xi32>
      %lt3A_29 = arith.cmpi slt, %sub3A_25, %lt3A_28 : vector<16xi32>
      %and3A = arith.andi %ge3A_27, %lt3A_29 : vector<16xi1>
      %jit3A = arith.constant 5120 : i32
      %broadcast_in_dim3A_30 = vector.broadcast %jit3A : i32 to vector<16xi32>
      %select_n3A = arith.select %and3A, %sub3A_25, %broadcast_in_dim3A_30 : vector<16xi1>, vector<16xi32>
      %swap3A = arith.constant 0 : i32
      %swap3A_31 = arith.index_cast %swap3A : i32 to index
      %swap3A_32 = arith.constant 0 : index
      %swap3A_33 = tpu.vector_load %arg5[%swap3A_31, %swap3A_32] {strides = array<i32>} : memref<1x128xi32, #tpu.memory_space<vmem>>, vector<1x16xi32>,
      %swap3A_34 = vector.shape_cast %swap3A_33 : vector<1x16xi32> to vector<16xi32>
      %swap3A_35 = vector.shape_cast %select_n3A : vector<16xi32> to vector<1x16xi32>
      tpu.vector_store %arg5[%swap3A_31, %swap3A_32], %swap3A_35 {strides = array<i32>} : memref<1x128xi32, #tpu.memory_space<vmem>>, vector<1x16xi32>,
      %get3A_36 = arith.index_cast %scan3A_21 : i32 to index
      %get3A_37 = arith.constant 16 : index
      %get3A_38 = tpu.vector_load %arg4[%get3A_36, %get3A_37] {strides = array<i32>} : memref<80x128xi32, #tpu.memory_space<vmem>>, vector<1x16xi32>,
      %get3A_39 = vector.shape_cast %get3A_38 : vector<1x16xi32> to vector<16xi32>
      %sub3A_40 = vector.broadcast %mul3A_0 : i32 to vector<16xi32>
      %sub3A_41 = arith.subi %get3A_39, %sub3A_40 : vector<16xi32>
      %ge3A_42 = arith.constant 0 : i32
      %ge3A_43 = vector.broadcast %ge3A_42 : i32 to vector<16xi32>
      %ge3A_44 = arith.cmpi sge, %sub3A_41, %ge3A_43 : vector<16xi32>
      %lt3A_45 = arith.constant 5120 : i32
      %lt3A_46 = vector.broadcast %lt3A_45 : i32 to vector<16xi32>
      %lt3A_47 = arith.cmpi slt, %sub3A_41, %lt3A_46 : vector<16xi32>
      %and3A_48 = arith.andi %ge3A_44, %lt3A_47 : vector<16xi1>
      %jit3A_49 = arith.constant 5120 : i32
      %broadcast_in_dim3A_50 = vector.broadcast %jit3A_49 : i32 to vector<16xi32>
      %select_n3A_51 = arith.select %and3A_48, %sub3A_41, %broadcast_in_dim3A_50 : vector<16xi1>, vector<16xi32>
      %swap3A_52 = arith.constant 0 : i32
      %swap3A_53 = arith.index_cast %swap3A_52 : i32 to index
      %swap3A_54 = arith.constant 16 : index
      %swap3A_55 = tpu.vector_load %arg5[%swap3A_53, %swap3A_54] {strides = array<i32>} : memref<1x128xi32, #tpu.memory_space<vmem>>, vector<1x16xi32>,
      %swap3A_56 = vector.shape_cast %swap3A_55 : vector<1x16xi32> to vector<16xi32>
      %swap3A_57 = vector.shape_cast %select_n3A_51 : vector<16xi32> to vector<1x16xi32>
      tpu.vector_store %arg5[%swap3A_53, %swap3A_54], %swap3A_57 {strides = array<i32>} : memref<1x128xi32, #tpu.memory_space<vmem>>, vector<1x16xi32>,
      %get3A_58 = arith.index_cast %scan3A_21 : i32 to index
      %get3A_59 = arith.constant 32 : index
      %get3A_60 = tpu.vector_load %arg4[%get3A_58, %get3A_59] {strides = array<i32>} : memref<80x128xi32, #tpu.memory_space<vmem>>, vector<1x16xi32>,
      %get3A_61 = vector.shape_cast %get3A_60 : vector<1x16xi32> to vector<16xi32>
      %sub3A_62 = vector.broadcast %mul3A_0 : i32 to vector<16xi32>
      %sub3A_63 = arith.subi %get3A_61, %sub3A_62 : vector<16xi32>
      %ge3A_64 = arith.constant 0 : i32
      %ge3A_65 = vector.broadcast %ge3A_64 : i32 to vector<16xi32>
      %ge3A_66 = arith.cmpi sge, %sub3A_63, %ge3A_65 : vector<16xi32>
      %lt3A_67 = arith.constant 5120 : i32
      %lt3A_68 = vector.broadcast %lt3A_67 : i32 to vector<16xi32>
      %lt3A_69 = arith.cmpi slt, %sub3A_63, %lt3A_68 : vector<16xi32>
      %and3A_70 = arith.andi %ge3A_66, %lt3A_69 : vector<16xi1>
      %jit3A_71 = arith.constant 5120 : i32
      %broadcast_in_dim3A_72 = vector.broadcast %jit3A_71 : i32 to vector<16xi32>
      %select_n3A_73 = arith.select %and3A_70, %sub3A_63, %broadcast_in_dim3A_72 : vector<16xi1>, vector<16xi32>
      %swap3A_74 = arith.constant 0 : i32
      %swap3A_75 = arith.index_cast %swap3A_74 : i32 to index
      %swap3A_76 = arith.constant 32 : index
      %swap3A_77 = tpu.vector_load %arg5[%swap3A_75, %swap3A_76] {strides = array<i32>} : memref<1x128xi32, #tpu.memory_space<vmem>>, vector<1x16xi32>,
      %swap3A_78 = vector.shape_cast %swap3A_77 : vector<1x16xi32> to vector<16xi32>
      %swap3A_79 = vector.shape_cast %select_n3A_73 : vector<16xi32> to vector<1x16xi32>
      tpu.vector_store %arg5[%swap3A_75, %swap3A_76], %swap3A_79 {strides = array<i32>} : memref<1x128xi32, #tpu.memory_space<vmem>>, vector<1x16xi32>,
      %get3A_80 = arith.index_cast %scan3A_21 : i32 to index
      %get3A_81 = arith.constant 48 : index
      %get3A_82 = tpu.vector_load %arg4[%get3A_80, %get3A_81] {strides = array<i32>} : memref<80x128xi32, #tpu.memory_space<vmem>>, vector<1x16xi32>,
      %get3A_83 = vector.shape_cast %get3A_82 : vector<1x16xi32> to vector<16xi32>
      %sub3A_84 = vector.broadcast %mul3A_0 : i32 to vector<16xi32>
      %sub3A_85 = arith.subi %get3A_83, %sub3A_84 : vector<16xi32>
      %ge3A_86 = arith.constant 0 : i32
      %ge3A_87 = vector.broadcast %ge3A_86 : i32 to vector<16xi32>
      %ge3A_88 = arith.cmpi sge, %sub3A_85, %ge3A_87 : vector<16xi32>
      %lt3A_89 = arith.constant 5120 : i32
      %lt3A_90 = vector.broadcast %lt3A_89 : i32 to vector<16xi32>
      %lt3A_91 = arith.cmpi slt, %sub3A_85, %lt3A_90 : vector<16xi32>
      %and3A_92 = arith.andi %ge3A_88, %lt3A_91 : vector<16xi1>
      %jit3A_93 = arith.constant 5120 : i32
      %broadcast_in_dim3A_94 = vector.broadcast %jit3A_93 : i32 to vector<16xi32>
      %select_n3A_95 = arith.select %and3A_92, %sub3A_85, %broadcast_in_dim3A_94 : vector<16xi1>, vector<16xi32>
      %swap3A_96 = arith.constant 0 : i32
      %swap3A_97 = arith.index_cast %swap3A_96 : i32 to index
      %swap3A_98 = arith.constant 48 : index
      %swap3A_99 = tpu.vector_load %arg5[%swap3A_97, %swap3A_98] {strides = array<i32>} : memref<1x128xi32, #tpu.memory_space<vmem>>, vector<1x16xi32>,
      %swap3A_100 = vector.shape_cast %swap3A_99 : vector<1x16xi32> to vector<16xi32>
      %swap3A_101 = vector.shape_cast %select_n3A_95 : vector<16xi32> to vector<1x16xi32>
      tpu.vector_store %arg5[%swap3A_97, %swap3A_98], %swap3A_101 {strides = array<i32>} : memref<1x128xi32, #tpu.memory_space<vmem>>, vector<1x16xi32>,
      %get3A_102 = arith.index_cast %scan3A_21 : i32 to index
      %get3A_103 = arith.constant 64 : index
      %get3A_104 = tpu.vector_load %arg4[%get3A_102, %get3A_103] {strides = array<i32>} : memref<80x128xi32, #tpu.memory_space<vmem>>, vector<1x16xi32>,
      %get3A_105 = vector.shape_cast %get3A_104 : vector<1x16xi32> to vector<16xi32>
      %sub3A_106 = vector.broadcast %mul3A_0 : i32 to vector<16xi32>
      %sub3A_107 = arith.subi %get3A_105, %sub3A_106 : vector<16xi32>
      %ge3A_108 = arith.constant 0 : i32
      %ge3A_109 = vector.broadcast %ge3A_108 : i32 to vector<16xi32>
      %ge3A_110 = arith.cmpi sge, %sub3A_107, %ge3A_109 : vector<16xi32>
      %lt3A_111 = arith.constant 5120 : i32
      %lt3A_112 = vector.broadcast %lt3A_111 : i32 to vector<16xi32>
      %lt3A_113 = arith.cmpi slt, %sub3A_107, %lt3A_112 : vector<16xi32>
      %and3A_114 = arith.andi %ge3A_110, %lt3A_113 : vector<16xi1>
      %jit3A_115 = arith.constant 5120 : i32
      %broadcast_in_dim3A_116 = vector.broadcast %jit3A_115 : i32 to vector<16xi32>
      %select_n3A_117 = arith.select %and3A_114, %sub3A_107, %broadcast_in_dim3A_116 : vector<16xi1>, vector<16xi32>
      %swap3A_118 = arith.constant 0 : i32
      %swap3A_119 = arith.index_cast %swap3A_118 : i32 to index
      %swap3A_120 = arith.constant 64 : index
      %swap3A_121 = tpu.vector_load %arg5[%swap3A_119, %swap3A_120] {strides = array<i32>} : memref<1x128xi32, #tpu.memory_space<vmem>>, vector<1x16xi32>,
      %swap3A_122 = vector.shape_cast %swap3A_121 : vector<1x16xi32> to vector<16xi32>
      %swap3A_123 = vector.shape_cast %select_n3A_117 : vector<16xi32> to vector<1x16xi32>
      tpu.vector_store %arg5[%swap3A_119, %swap3A_120], %swap3A_123 {strides = array<i32>} : memref<1x128xi32, #tpu.memory_space<vmem>>, vector<1x16xi32>,
      %get3A_124 = arith.index_cast %scan3A_21 : i32 to index
      %get3A_125 = arith.constant 80 : index
      %get3A_126 = tpu.vector_load %arg4[%get3A_124, %get3A_125] {strides = array<i32>} : memref<80x128xi32, #tpu.memory_space<vmem>>, vector<1x16xi32>,
      %get3A_127 = vector.shape_cast %get3A_126 : vector<1x16xi32> to vector<16xi32>
      %sub3A_128 = vector.broadcast %mul3A_0 : i32 to vector<16xi32>
      %sub3A_129 = arith.subi %get3A_127, %sub3A_128 : vector<16xi32>
      %ge3A_130 = arith.constant 0 : i32
      %ge3A_131 = vector.broadcast %ge3A_130 : i32 to vector<16xi32>
      %ge3A_132 = arith.cmpi sge, %sub3A_129, %ge3A_131 : vector<16xi32>
      %lt3A_133 = arith.constant 5120 : i32
      %lt3A_134 = vector.broadcast %lt3A_133 : i32 to vector<16xi32>
      %lt3A_135 = arith.cmpi slt, %sub3A_129, %lt3A_134 : vector<16xi32>
      %and3A_136 = arith.andi %ge3A_132, %lt3A_135 : vector<16xi1>
      %jit3A_137 = arith.constant 5120 : i32
      %broadcast_in_dim3A_138 = vector.broadcast %jit3A_137 : i32 to vector<16xi32>
      %select_n3A_139 = arith.select %and3A_136, %sub3A_129, %broadcast_in_dim3A_138 : vector<16xi1>, vector<16xi32>
      %swap3A_140 = arith.constant 0 : i32
      %swap3A_141 = arith.index_cast %swap3A_140 : i32 to index
      %swap3A_142 = arith.constant 80 : index
      %swap3A_143 = tpu.vector_load %arg5[%swap3A_141, %swap3A_142] {strides = array<i32>} : memref<1x128xi32, #tpu.memory_space<vmem>>, vector<1x16xi32>,
      %swap3A_144 = vector.shape_cast %swap3A_143 : vector<1x16xi32> to vector<16xi32>
      %swap3A_145 = vector.shape_cast %select_n3A_139 : vector<16xi32> to vector<1x16xi32>
      tpu.vector_store %arg5[%swap3A_141, %swap3A_142], %swap3A_145 {strides = array<i32>} : memref<1x128xi32, #tpu.memory_space<vmem>>, vector<1x16xi32>,
      %get3A_146 = arith.index_cast %scan3A_21 : i32 to index
      %get3A_147 = arith.constant 96 : index
      %get3A_148 = tpu.vector_load %arg4[%get3A_146, %get3A_147] {strides = array<i32>} : memref<80x128xi32, #tpu.memory_space<vmem>>, vector<1x16xi32>,
      %get3A_149 = vector.shape_cast %get3A_148 : vector<1x16xi32> to vector<16xi32>
      %sub3A_150 = vector.broadcast %mul3A_0 : i32 to vector<16xi32>
      %sub3A_151 = arith.subi %get3A_149, %sub3A_150 : vector<16xi32>
      %ge3A_152 = arith.constant 0 : i32
      %ge3A_153 = vector.broadcast %ge3A_152 : i32 to vector<16xi32>
      %ge3A_154 = arith.cmpi sge, %sub3A_151, %ge3A_153 : vector<16xi32>
      %lt3A_155 = arith.constant 5120 : i32
      %lt3A_156 = vector.broadcast %lt3A_155 : i32 to vector<16xi32>
      %lt3A_157 = arith.cmpi slt, %sub3A_151, %lt3A_156 : vector<16xi32>
      %and3A_158 = arith.andi %ge3A_154, %lt3A_157 : vector<16xi1>
      %jit3A_159 = arith.constant 5120 : i32
      %broadcast_in_dim3A_160 = vector.broadcast %jit3A_159 : i32 to vector<16xi32>
      %select_n3A_161 = arith.select %and3A_158, %sub3A_151, %broadcast_in_dim3A_160 : vector<16xi1>, vector<16xi32>
      %swap3A_162 = arith.constant 0 : i32
      %swap3A_163 = arith.index_cast %swap3A_162 : i32 to index
      %swap3A_164 = arith.constant 96 : index
      %swap3A_165 = tpu.vector_load %arg5[%swap3A_163, %swap3A_164] {strides = array<i32>} : memref<1x128xi32, #tpu.memory_space<vmem>>, vector<1x16xi32>,
      %swap3A_166 = vector.shape_cast %swap3A_165 : vector<1x16xi32> to vector<16xi32>
      %swap3A_167 = vector.shape_cast %select_n3A_161 : vector<16xi32> to vector<1x16xi32>
      tpu.vector_store %arg5[%swap3A_163, %swap3A_164], %swap3A_167 {strides = array<i32>} : memref<1x128xi32, #tpu.memory_space<vmem>>, vector<1x16xi32>,
      %get3A_168 = arith.index_cast %scan3A_21 : i32 to index
      %get3A_169 = arith.constant 112 : index
      %get3A_170 = tpu.vector_load %arg4[%get3A_168, %get3A_169] {strides = array<i32>} : memref<80x128xi32, #tpu.memory_space<vmem>>, vector<1x16xi32>,
      %get3A_171 = vector.shape_cast %get3A_170 : vector<1x16xi32> to vector<16xi32>
      %sub3A_172 = vector.broadcast %mul3A_0 : i32 to vector<16xi32>
      %sub3A_173 = arith.subi %get3A_171, %sub3A_172 : vector<16xi32>
      %ge3A_174 = arith.constant 0 : i32
      %ge3A_175 = vector.broadcast %ge3A_174 : i32 to vector<16xi32>
      %ge3A_176 = arith.cmpi sge, %sub3A_173, %ge3A_175 : vector<16xi32>
      %lt3A_177 = arith.constant 5120 : i32
      %lt3A_178 = vector.broadcast %lt3A_177 : i32 to vector<16xi32>
      %lt3A_179 = arith.cmpi slt, %sub3A_173, %lt3A_178 : vector<16xi32>
      %and3A_180 = arith.andi %ge3A_176, %lt3A_179 : vector<16xi1>
      %jit3A_181 = arith.constant 5120 : i32
      %broadcast_in_dim3A_182 = vector.broadcast %jit3A_181 : i32 to vector<16xi32>
      %select_n3A_183 = arith.select %and3A_180, %sub3A_173, %broadcast_in_dim3A_182 : vector<16xi1>, vector<16xi32>
      %swap3A_184 = arith.constant 0 : i32
      %swap3A_185 = arith.index_cast %swap3A_184 : i32 to index
      %swap3A_186 = arith.constant 112 : index
      %swap3A_187 = tpu.vector_load %arg5[%swap3A_185, %swap3A_186] {strides = array<i32>} : memref<1x128xi32, #tpu.memory_space<vmem>>, vector<1x16xi32>,
      %swap3A_188 = vector.shape_cast %swap3A_187 : vector<1x16xi32> to vector<16xi32>
      %swap3A_189 = vector.shape_cast %select_n3A_183 : vector<16xi32> to vector<1x16xi32>
      tpu.vector_store %arg5[%swap3A_185, %swap3A_186], %swap3A_189 {strides = array<i32>} : memref<1x128xi32, #tpu.memory_space<vmem>>, vector<1x16xi32>,
      %run_scoped3A = arith.constant 0 : i32
      "tpu.region"() ({
        %run_scoped3A_190 = tpu.sem_alloc : memref<!tpu.dma_semaphore, #tpu.memory_space<semaphore_mem>>
        %dma_start3A = arith.constant 0 : i32
        %dma_start3A_191 = tpu.memref_slice %arg5[%run_scoped3A, %dma_start3A] : memref<1x128xi32, #tpu.memory_space<vmem>> -> memref<1x128xi32, #tpu.memory_space<vmem>>
        %dma_start3A_192 = tpu.memref_squeeze %dma_start3A_191 : memref<1x128xi32, #tpu.memory_space<vmem>> -> memref<128xi32, #tpu.memory_space<vmem>>
        %dma_start3A_193 = arith.constant 0 : i32
        %dma_start3A_194 = arith.constant 0 : i32
        %dma_start3A_195 = tpu.memref_slice %arg8[%dma_start3A_193, %dma_start3A_194] : memref<5248x16xf32, #tpu.memory_space<vmem_shared>> -> memref<5248x16xf32, #tpu.memory_space<vmem_shared>>
        tpu.enqueue_indirect_dma source(%arg6 : memref<128x16xf32, #tpu.memory_space<vmem>>) target(%dma_start3A_195 : memref<5248x16xf32, #tpu.memory_space<vmem_shared>>) offsets(%dma_start3A_192 : memref<128xi32, #tpu.memory_space<vmem>>) semaphore(%run_scoped3A_190 : memref<!tpu.dma_semaphore, #tpu.memory_space<semaphore_mem>>) {add = true}
        %dma_wait3A = arith.constant 0 : i32
        %dma_wait3A_196 = tpu.memref_slice %arg5[%run_scoped3A, %dma_wait3A] : memref<1x128xi32, #tpu.memory_space<vmem>> -> memref<1x128xi32, #tpu.memory_space<vmem>>
        %dma_wait3A_197 = tpu.memref_squeeze %dma_wait3A_196 : memref<1x128xi32, #tpu.memory_space<vmem>> -> memref<128xi32, #tpu.memory_space<vmem>>
        %dma_wait3A_198 = arith.constant 0 : i32
        %dma_wait3A_199 = arith.constant 0 : i32
        %dma_wait3A_200 = tpu.memref_slice %arg8[%dma_wait3A_198, %dma_wait3A_199] : memref<5248x16xf32, #tpu.memory_space<vmem_shared>> -> memref<5248x16xf32, #tpu.memory_space<vmem_shared>>
        tpu.wait_indirect_dma semaphore(%run_scoped3A_190 : memref<!tpu.dma_semaphore, #tpu.memory_space<semaphore_mem>>) src(%arg6 : memref<128x16xf32, #tpu.memory_space<vmem>>) dst(%dma_wait3A_200 : memref<5248x16xf32, #tpu.memory_space<vmem_shared>>)
        tpu.yield
      }) : () -> ()
    }
    %scan3A_19 = arith.constant 80 : i32
    %barrier3A_20 = arith.constant 0 : index
    tpu.barrier barrier_id(%barrier3A_20)
    "tpu.region"() ({
      %run_scoped3A = tpu.sem_alloc : memref<!tpu.dma_semaphore, #tpu.memory_space<semaphore_mem>>
      %dma_start3A = arith.constant 0 : i32
      %dma_start3A_21 = tpu.memref_slice %arg3[%arg0, %mul3A_10, %dma_start3A] : memref<2x5248x16xf32, #tpu.memory_space<hbm>> -> memref<1x328x16xf32, #tpu.memory_space<hbm>>
      %dma_start3A_22 = tpu.memref_squeeze %dma_start3A_21 : memref<1x328x16xf32, #tpu.memory_space<hbm>> -> memref<328x16xf32, #tpu.memory_space<hbm>>
      %dma_start3A_23 = arith.constant 0 : i32
      %dma_start3A_24 = tpu.memref_slice %arg8[%mul3A_10, %dma_start3A_23] : memref<5248x16xf32, #tpu.memory_space<vmem_shared>> -> memref<328x16xf32, #tpu.memory_space<vmem_shared>>
      tpu.enqueue_dma source(%dma_start3A_24 : memref<328x16xf32, #tpu.memory_space<vmem_shared>>) target(%dma_start3A_22 : memref<328x16xf32, #tpu.memory_space<hbm>>) target_semaphore(%run_scoped3A : memref<!tpu.dma_semaphore, #tpu.memory_space<semaphore_mem>>)
      %dma_wait3A = arith.constant 0 : i32
      %dma_wait3A_25 = tpu.memref_slice %arg3[%arg0, %mul3A_10, %dma_wait3A] : memref<2x5248x16xf32, #tpu.memory_space<hbm>> -> memref<1x328x16xf32, #tpu.memory_space<hbm>>
      %dma_wait3A_26 = tpu.memref_squeeze %dma_wait3A_25 : memref<1x328x16xf32, #tpu.memory_space<hbm>> -> memref<328x16xf32, #tpu.memory_space<hbm>>
      %dma_wait3A_27 = arith.constant 0 : i32
      %dma_wait3A_28 = tpu.memref_slice %arg8[%mul3A_10, %dma_wait3A_27] : memref<5248x16xf32, #tpu.memory_space<vmem_shared>> -> memref<328x16xf32, #tpu.memory_space<vmem_shared>>
      tpu.wait_dma2 semaphore(%run_scoped3A : memref<!tpu.dma_semaphore, #tpu.memory_space<semaphore_mem>>) src(%dma_wait3A_28 : memref<328x16xf32, #tpu.memory_space<vmem_shared>>) dst(%dma_wait3A_26 : memref<328x16xf32, #tpu.memory_space<hbm>>)
      tpu.yield
    }) : () -> ()
    return
  }
}

#map = affine_map<(d0, d1) -> (0, 0)>
#map1 = affine_map<(d0, d1) -> (0, 0, 0, 0)>
module attributes {stable_mosaic.version = 14 : i64} {
  func.func @_prop_body(%arg0: i32, %arg1: i32, %arg2: memref<20000x128xf32, #tpu.memory_space<hbm>>, %arg3: memref<2x16x80x128xi32, #tpu.memory_space<hbm>>, %arg4: memref<2x16x80x128xi32, #tpu.memory_space<hbm>>, %arg5: memref<2x2x5248x128xf32, #tpu.memory_space<hbm>>, %arg6: memref<80x128xi32, #tpu.memory_space<vmem>>, %arg7: memref<80x128xi32, #tpu.memory_space<vmem>>, %arg8: memref<80x128xi32, #tpu.memory_space<vmem>>, %arg9: memref<128x128xf32, #tpu.memory_space<vmem>>, %arg10: memref<128x128xf32, #tpu.memory_space<vmem>>, %arg11: memref<!tpu.dma_semaphore, #tpu.memory_space<semaphore_mem>>, %arg12: memref<!tpu.dma_semaphore, #tpu.memory_space<semaphore_mem>>, %arg13: memref<5248x128xf32, #tpu.memory_space<vmem_shared>>) attributes {dimension_semantics = [#tpu.dimension_semantics<core_parallel>, #tpu.dimension_semantics<subcore_parallel>], iteration_bounds = array<i64: 2, 16>, scalar_prefetch = 0 : i64, scratch_operands = 8 : i64, tpu.core_type = #tpu.core_type<sc_vector_subcore>, window_params = [{transform_indices = #map}, {transform_indices = #map1}, {transform_indices = #map1}, {transform_indices = #map1}]} {
    %mul3A = arith.constant 328 : i32
    %mul3A_0 = arith.muli %arg1, %mul3A : i32
    "tpu.region"() ({
      %run_scoped3A_65 = tpu.sem_alloc : memref<!tpu.dma_semaphore, #tpu.memory_space<semaphore_mem>>
      %dma_start3A_66 = arith.constant 0 : i32
      %dma_start3A_67 = arith.constant 0 : i32
      %dma_start3A_68 = tpu.memref_slice %arg3[%arg0, %arg1, %dma_start3A_66, %dma_start3A_67] : memref<2x16x80x128xi32, #tpu.memory_space<hbm>> -> memref<1x1x80x128xi32, #tpu.memory_space<hbm>>
      %dma_start3A_69 = tpu.memref_squeeze %dma_start3A_68 : memref<1x1x80x128xi32, #tpu.memory_space<hbm>> -> memref<80x128xi32, #tpu.memory_space<hbm>>
      %dma_start3A_70 = arith.constant 0 : i32
      %dma_start3A_71 = arith.constant 0 : i32
      %dma_start3A_72 = tpu.memref_slice %arg3[%arg0, %arg1, %dma_start3A_70, %dma_start3A_71] : memref<2x16x80x128xi32, #tpu.memory_space<hbm>> -> memref<1x1x80x128xi32, #tpu.memory_space<hbm>>
      %dma_start3A_73 = tpu.memref_squeeze %dma_start3A_72 : memref<1x1x80x128xi32, #tpu.memory_space<hbm>> -> memref<80x128xi32, #tpu.memory_space<hbm>>
      tpu.enqueue_dma source(%dma_start3A_73 : memref<80x128xi32, #tpu.memory_space<hbm>>) target(%arg6 : memref<80x128xi32, #tpu.memory_space<vmem>>) target_semaphore(%run_scoped3A_65 : memref<!tpu.dma_semaphore, #tpu.memory_space<semaphore_mem>>)
      %dma_wait3A = arith.constant 0 : i32
      %dma_wait3A_74 = arith.constant 0 : i32
      %dma_wait3A_75 = tpu.memref_slice %arg3[%arg0, %arg1, %dma_wait3A, %dma_wait3A_74] : memref<2x16x80x128xi32, #tpu.memory_space<hbm>> -> memref<1x1x80x128xi32, #tpu.memory_space<hbm>>
      %dma_wait3A_76 = tpu.memref_squeeze %dma_wait3A_75 : memref<1x1x80x128xi32, #tpu.memory_space<hbm>> -> memref<80x128xi32, #tpu.memory_space<hbm>>
      %dma_wait3A_77 = arith.constant 0 : i32
      %dma_wait3A_78 = arith.constant 0 : i32
      %dma_wait3A_79 = tpu.memref_slice %arg3[%arg0, %arg1, %dma_wait3A_77, %dma_wait3A_78] : memref<2x16x80x128xi32, #tpu.memory_space<hbm>> -> memref<1x1x80x128xi32, #tpu.memory_space<hbm>>
      %dma_wait3A_80 = tpu.memref_squeeze %dma_wait3A_79 : memref<1x1x80x128xi32, #tpu.memory_space<hbm>> -> memref<80x128xi32, #tpu.memory_space<hbm>>
      tpu.wait_dma2 semaphore(%run_scoped3A_65 : memref<!tpu.dma_semaphore, #tpu.memory_space<semaphore_mem>>) src(%dma_wait3A_80 : memref<80x128xi32, #tpu.memory_space<hbm>>) dst(%arg6 : memref<80x128xi32, #tpu.memory_space<vmem>>)
      tpu.yield
    }) : () -> ()
    "tpu.region"() ({
      %run_scoped3A_65 = tpu.sem_alloc : memref<!tpu.dma_semaphore, #tpu.memory_space<semaphore_mem>>
      %dma_start3A_66 = arith.constant 0 : i32
      %dma_start3A_67 = arith.constant 0 : i32
      %dma_start3A_68 = tpu.memref_slice %arg4[%arg0, %arg1, %dma_start3A_66, %dma_start3A_67] : memref<2x16x80x128xi32, #tpu.memory_space<hbm>> -> memref<1x1x80x128xi32, #tpu.memory_space<hbm>>
      %dma_start3A_69 = tpu.memref_squeeze %dma_start3A_68 : memref<1x1x80x128xi32, #tpu.memory_space<hbm>> -> memref<80x128xi32, #tpu.memory_space<hbm>>
      %dma_start3A_70 = arith.constant 0 : i32
      %dma_start3A_71 = arith.constant 0 : i32
      %dma_start3A_72 = tpu.memref_slice %arg4[%arg0, %arg1, %dma_start3A_70, %dma_start3A_71] : memref<2x16x80x128xi32, #tpu.memory_space<hbm>> -> memref<1x1x80x128xi32, #tpu.memory_space<hbm>>
      %dma_start3A_73 = tpu.memref_squeeze %dma_start3A_72 : memref<1x1x80x128xi32, #tpu.memory_space<hbm>> -> memref<80x128xi32, #tpu.memory_space<hbm>>
      tpu.enqueue_dma source(%dma_start3A_73 : memref<80x128xi32, #tpu.memory_space<hbm>>) target(%arg7 : memref<80x128xi32, #tpu.memory_space<vmem>>) target_semaphore(%run_scoped3A_65 : memref<!tpu.dma_semaphore, #tpu.memory_space<semaphore_mem>>)
      %dma_wait3A = arith.constant 0 : i32
      %dma_wait3A_74 = arith.constant 0 : i32
      %dma_wait3A_75 = tpu.memref_slice %arg4[%arg0, %arg1, %dma_wait3A, %dma_wait3A_74] : memref<2x16x80x128xi32, #tpu.memory_space<hbm>> -> memref<1x1x80x128xi32, #tpu.memory_space<hbm>>
      %dma_wait3A_76 = tpu.memref_squeeze %dma_wait3A_75 : memref<1x1x80x128xi32, #tpu.memory_space<hbm>> -> memref<80x128xi32, #tpu.memory_space<hbm>>
      %dma_wait3A_77 = arith.constant 0 : i32
      %dma_wait3A_78 = arith.constant 0 : i32
      %dma_wait3A_79 = tpu.memref_slice %arg4[%arg0, %arg1, %dma_wait3A_77, %dma_wait3A_78] : memref<2x16x80x128xi32, #tpu.memory_space<hbm>> -> memref<1x1x80x128xi32, #tpu.memory_space<hbm>>
      %dma_wait3A_80 = tpu.memref_squeeze %dma_wait3A_79 : memref<1x1x80x128xi32, #tpu.memory_space<hbm>> -> memref<80x128xi32, #tpu.memory_space<hbm>>
      tpu.wait_dma2 semaphore(%run_scoped3A_65 : memref<!tpu.dma_semaphore, #tpu.memory_space<semaphore_mem>>) src(%dma_wait3A_80 : memref<80x128xi32, #tpu.memory_space<hbm>>) dst(%arg7 : memref<80x128xi32, #tpu.memory_space<vmem>>)
      tpu.yield
    }) : () -> ()
    %scan3A = arith.constant 0 : i32
    %scan3A_1 = arith.constant 0 : i32
    %scan3A_2 = arith.constant 80 : i32
    %scan3A_3 = arith.addi %scan3A_1, %scan3A_2 : i32
    %scan3A_4 = arith.constant 1 : i32
    scf.for %scan3A_65 = %scan3A_1 to %scan3A_3 step %scan3A_4  : i32 {
      %get3A = arith.index_cast %scan3A_65 : i32 to index
      %get3A_66 = arith.constant 0 : index
      %get3A_67 = tpu.vector_load %arg7[%get3A, %get3A_66] {strides = array<i32>} : memref<80x128xi32, #tpu.memory_space<vmem>>, vector<1x16xi32>,
      %get3A_68 = vector.shape_cast %get3A_67 : vector<1x16xi32> to vector<16xi32>
      %sub3A = arith.constant 0 : i32
      %sub3A_69 = vector.broadcast %sub3A : i32 to vector<16xi32>
      %sub3A_70 = arith.subi %get3A_68, %sub3A_69 : vector<16xi32>
      %ge3A = arith.constant 0 : i32
      %ge3A_71 = vector.broadcast %ge3A : i32 to vector<16xi32>
      %ge3A_72 = arith.cmpi sge, %sub3A_70, %ge3A_71 : vector<16xi32>
      %lt3A = arith.constant 5120 : i32
      %lt3A_73 = vector.broadcast %lt3A : i32 to vector<16xi32>
      %lt3A_74 = arith.cmpi slt, %sub3A_70, %lt3A_73 : vector<16xi32>
      %and3A = arith.andi %ge3A_72, %lt3A_74 : vector<16xi1>
      %and3A_75 = arith.constant 127 : i32
      %and3A_76 = vector.broadcast %and3A_75 : i32 to vector<16xi32>
      %and3A_77 = arith.andi %get3A_68, %and3A_76 : vector<16xi32>
      %add3A_78 = arith.constant 5120 : i32
      %add3A_79 = vector.broadcast %add3A_78 : i32 to vector<16xi32>
      %add3A_80 = arith.addi %add3A_79, %and3A_77 : vector<16xi32>
      %select_n3A = arith.select %and3A, %sub3A_70, %add3A_80 : vector<16xi1>, vector<16xi32>
      %swap3A = arith.index_cast %scan3A_65 : i32 to index
      %swap3A_81 = arith.constant 0 : index
      %swap3A_82 = tpu.vector_load %arg8[%swap3A, %swap3A_81] {strides = array<i32>} : memref<80x128xi32, #tpu.memory_space<vmem>>, vector<1x16xi32>,
      %swap3A_83 = vector.shape_cast %swap3A_82 : vector<1x16xi32> to vector<16xi32>
      %swap3A_84 = vector.shape_cast %select_n3A : vector<16xi32> to vector<1x16xi32>
      tpu.vector_store %arg8[%swap3A, %swap3A_81], %swap3A_84 {strides = array<i32>} : memref<80x128xi32, #tpu.memory_space<vmem>>, vector<1x16xi32>,
      %get3A_85 = arith.index_cast %scan3A_65 : i32 to index
      %get3A_86 = arith.constant 16 : index
      %get3A_87 = tpu.vector_load %arg7[%get3A_85, %get3A_86] {strides = array<i32>} : memref<80x128xi32, #tpu.memory_space<vmem>>, vector<1x16xi32>,
      %get3A_88 = vector.shape_cast %get3A_87 : vector<1x16xi32> to vector<16xi32>
      %sub3A_89 = arith.constant 0 : i32
      %sub3A_90 = vector.broadcast %sub3A_89 : i32 to vector<16xi32>
      %sub3A_91 = arith.subi %get3A_88, %sub3A_90 : vector<16xi32>
      %ge3A_92 = arith.constant 0 : i32
      %ge3A_93 = vector.broadcast %ge3A_92 : i32 to vector<16xi32>
      %ge3A_94 = arith.cmpi sge, %sub3A_91, %ge3A_93 : vector<16xi32>
      %lt3A_95 = arith.constant 5120 : i32
      %lt3A_96 = vector.broadcast %lt3A_95 : i32 to vector<16xi32>
      %lt3A_97 = arith.cmpi slt, %sub3A_91, %lt3A_96 : vector<16xi32>
      %and3A_98 = arith.andi %ge3A_94, %lt3A_97 : vector<16xi1>
      %and3A_99 = arith.constant 127 : i32
      %and3A_100 = vector.broadcast %and3A_99 : i32 to vector<16xi32>
      %and3A_101 = arith.andi %get3A_88, %and3A_100 : vector<16xi32>
      %add3A_102 = arith.constant 5120 : i32
      %add3A_103 = vector.broadcast %add3A_102 : i32 to vector<16xi32>
      %add3A_104 = arith.addi %add3A_103, %and3A_101 : vector<16xi32>
      %select_n3A_105 = arith.select %and3A_98, %sub3A_91, %add3A_104 : vector<16xi1>, vector<16xi32>
      %swap3A_106 = arith.index_cast %scan3A_65 : i32 to index
      %swap3A_107 = arith.constant 16 : index
      %swap3A_108 = tpu.vector_load %arg8[%swap3A_106, %swap3A_107] {strides = array<i32>} : memref<80x128xi32, #tpu.memory_space<vmem>>, vector<1x16xi32>,
      %swap3A_109 = vector.shape_cast %swap3A_108 : vector<1x16xi32> to vector<16xi32>
      %swap3A_110 = vector.shape_cast %select_n3A_105 : vector<16xi32> to vector<1x16xi32>
      tpu.vector_store %arg8[%swap3A_106, %swap3A_107], %swap3A_110 {strides = array<i32>} : memref<80x128xi32, #tpu.memory_space<vmem>>, vector<1x16xi32>,
      %get3A_111 = arith.index_cast %scan3A_65 : i32 to index
      %get3A_112 = arith.constant 32 : index
      %get3A_113 = tpu.vector_load %arg7[%get3A_111, %get3A_112] {strides = array<i32>} : memref<80x128xi32, #tpu.memory_space<vmem>>, vector<1x16xi32>,
      %get3A_114 = vector.shape_cast %get3A_113 : vector<1x16xi32> to vector<16xi32>
      %sub3A_115 = arith.constant 0 : i32
      %sub3A_116 = vector.broadcast %sub3A_115 : i32 to vector<16xi32>
      %sub3A_117 = arith.subi %get3A_114, %sub3A_116 : vector<16xi32>
      %ge3A_118 = arith.constant 0 : i32
      %ge3A_119 = vector.broadcast %ge3A_118 : i32 to vector<16xi32>
      %ge3A_120 = arith.cmpi sge, %sub3A_117, %ge3A_119 : vector<16xi32>
      %lt3A_121 = arith.constant 5120 : i32
      %lt3A_122 = vector.broadcast %lt3A_121 : i32 to vector<16xi32>
      %lt3A_123 = arith.cmpi slt, %sub3A_117, %lt3A_122 : vector<16xi32>
      %and3A_124 = arith.andi %ge3A_120, %lt3A_123 : vector<16xi1>
      %and3A_125 = arith.constant 127 : i32
      %and3A_126 = vector.broadcast %and3A_125 : i32 to vector<16xi32>
      %and3A_127 = arith.andi %get3A_114, %and3A_126 : vector<16xi32>
      %add3A_128 = arith.constant 5120 : i32
      %add3A_129 = vector.broadcast %add3A_128 : i32 to vector<16xi32>
      %add3A_130 = arith.addi %add3A_129, %and3A_127 : vector<16xi32>
      %select_n3A_131 = arith.select %and3A_124, %sub3A_117, %add3A_130 : vector<16xi1>, vector<16xi32>
      %swap3A_132 = arith.index_cast %scan3A_65 : i32 to index
      %swap3A_133 = arith.constant 32 : index
      %swap3A_134 = tpu.vector_load %arg8[%swap3A_132, %swap3A_133] {strides = array<i32>} : memref<80x128xi32, #tpu.memory_space<vmem>>, vector<1x16xi32>,
      %swap3A_135 = vector.shape_cast %swap3A_134 : vector<1x16xi32> to vector<16xi32>
      %swap3A_136 = vector.shape_cast %select_n3A_131 : vector<16xi32> to vector<1x16xi32>
      tpu.vector_store %arg8[%swap3A_132, %swap3A_133], %swap3A_136 {strides = array<i32>} : memref<80x128xi32, #tpu.memory_space<vmem>>, vector<1x16xi32>,
      %get3A_137 = arith.index_cast %scan3A_65 : i32 to index
      %get3A_138 = arith.constant 48 : index
      %get3A_139 = tpu.vector_load %arg7[%get3A_137, %get3A_138] {strides = array<i32>} : memref<80x128xi32, #tpu.memory_space<vmem>>, vector<1x16xi32>,
      %get3A_140 = vector.shape_cast %get3A_139 : vector<1x16xi32> to vector<16xi32>
      %sub3A_141 = arith.constant 0 : i32
      %sub3A_142 = vector.broadcast %sub3A_141 : i32 to vector<16xi32>
      %sub3A_143 = arith.subi %get3A_140, %sub3A_142 : vector<16xi32>
      %ge3A_144 = arith.constant 0 : i32
      %ge3A_145 = vector.broadcast %ge3A_144 : i32 to vector<16xi32>
      %ge3A_146 = arith.cmpi sge, %sub3A_143, %ge3A_145 : vector<16xi32>
      %lt3A_147 = arith.constant 5120 : i32
      %lt3A_148 = vector.broadcast %lt3A_147 : i32 to vector<16xi32>
      %lt3A_149 = arith.cmpi slt, %sub3A_143, %lt3A_148 : vector<16xi32>
      %and3A_150 = arith.andi %ge3A_146, %lt3A_149 : vector<16xi1>
      %and3A_151 = arith.constant 127 : i32
      %and3A_152 = vector.broadcast %and3A_151 : i32 to vector<16xi32>
      %and3A_153 = arith.andi %get3A_140, %and3A_152 : vector<16xi32>
      %add3A_154 = arith.constant 5120 : i32
      %add3A_155 = vector.broadcast %add3A_154 : i32 to vector<16xi32>
      %add3A_156 = arith.addi %add3A_155, %and3A_153 : vector<16xi32>
      %select_n3A_157 = arith.select %and3A_150, %sub3A_143, %add3A_156 : vector<16xi1>, vector<16xi32>
      %swap3A_158 = arith.index_cast %scan3A_65 : i32 to index
      %swap3A_159 = arith.constant 48 : index
      %swap3A_160 = tpu.vector_load %arg8[%swap3A_158, %swap3A_159] {strides = array<i32>} : memref<80x128xi32, #tpu.memory_space<vmem>>, vector<1x16xi32>,
      %swap3A_161 = vector.shape_cast %swap3A_160 : vector<1x16xi32> to vector<16xi32>
      %swap3A_162 = vector.shape_cast %select_n3A_157 : vector<16xi32> to vector<1x16xi32>
      tpu.vector_store %arg8[%swap3A_158, %swap3A_159], %swap3A_162 {strides = array<i32>} : memref<80x128xi32, #tpu.memory_space<vmem>>, vector<1x16xi32>,
      %get3A_163 = arith.index_cast %scan3A_65 : i32 to index
      %get3A_164 = arith.constant 64 : index
      %get3A_165 = tpu.vector_load %arg7[%get3A_163, %get3A_164] {strides = array<i32>} : memref<80x128xi32, #tpu.memory_space<vmem>>, vector<1x16xi32>,
      %get3A_166 = vector.shape_cast %get3A_165 : vector<1x16xi32> to vector<16xi32>
      %sub3A_167 = arith.constant 0 : i32
      %sub3A_168 = vector.broadcast %sub3A_167 : i32 to vector<16xi32>
      %sub3A_169 = arith.subi %get3A_166, %sub3A_168 : vector<16xi32>
      %ge3A_170 = arith.constant 0 : i32
      %ge3A_171 = vector.broadcast %ge3A_170 : i32 to vector<16xi32>
      %ge3A_172 = arith.cmpi sge, %sub3A_169, %ge3A_171 : vector<16xi32>
      %lt3A_173 = arith.constant 5120 : i32
      %lt3A_174 = vector.broadcast %lt3A_173 : i32 to vector<16xi32>
      %lt3A_175 = arith.cmpi slt, %sub3A_169, %lt3A_174 : vector<16xi32>
      %and3A_176 = arith.andi %ge3A_172, %lt3A_175 : vector<16xi1>
      %and3A_177 = arith.constant 127 : i32
      %and3A_178 = vector.broadcast %and3A_177 : i32 to vector<16xi32>
      %and3A_179 = arith.andi %get3A_166, %and3A_178 : vector<16xi32>
      %add3A_180 = arith.constant 5120 : i32
      %add3A_181 = vector.broadcast %add3A_180 : i32 to vector<16xi32>
      %add3A_182 = arith.addi %add3A_181, %and3A_179 : vector<16xi32>
      %select_n3A_183 = arith.select %and3A_176, %sub3A_169, %add3A_182 : vector<16xi1>, vector<16xi32>
      %swap3A_184 = arith.index_cast %scan3A_65 : i32 to index
      %swap3A_185 = arith.constant 64 : index
      %swap3A_186 = tpu.vector_load %arg8[%swap3A_184, %swap3A_185] {strides = array<i32>} : memref<80x128xi32, #tpu.memory_space<vmem>>, vector<1x16xi32>,
      %swap3A_187 = vector.shape_cast %swap3A_186 : vector<1x16xi32> to vector<16xi32>
      %swap3A_188 = vector.shape_cast %select_n3A_183 : vector<16xi32> to vector<1x16xi32>
      tpu.vector_store %arg8[%swap3A_184, %swap3A_185], %swap3A_188 {strides = array<i32>} : memref<80x128xi32, #tpu.memory_space<vmem>>, vector<1x16xi32>,
      %get3A_189 = arith.index_cast %scan3A_65 : i32 to index
      %get3A_190 = arith.constant 80 : index
      %get3A_191 = tpu.vector_load %arg7[%get3A_189, %get3A_190] {strides = array<i32>} : memref<80x128xi32, #tpu.memory_space<vmem>>, vector<1x16xi32>,
      %get3A_192 = vector.shape_cast %get3A_191 : vector<1x16xi32> to vector<16xi32>
      %sub3A_193 = arith.constant 0 : i32
      %sub3A_194 = vector.broadcast %sub3A_193 : i32 to vector<16xi32>
      %sub3A_195 = arith.subi %get3A_192, %sub3A_194 : vector<16xi32>
      %ge3A_196 = arith.constant 0 : i32
      %ge3A_197 = vector.broadcast %ge3A_196 : i32 to vector<16xi32>
      %ge3A_198 = arith.cmpi sge, %sub3A_195, %ge3A_197 : vector<16xi32>
      %lt3A_199 = arith.constant 5120 : i32
      %lt3A_200 = vector.broadcast %lt3A_199 : i32 to vector<16xi32>
      %lt3A_201 = arith.cmpi slt, %sub3A_195, %lt3A_200 : vector<16xi32>
      %and3A_202 = arith.andi %ge3A_198, %lt3A_201 : vector<16xi1>
      %and3A_203 = arith.constant 127 : i32
      %and3A_204 = vector.broadcast %and3A_203 : i32 to vector<16xi32>
      %and3A_205 = arith.andi %get3A_192, %and3A_204 : vector<16xi32>
      %add3A_206 = arith.constant 5120 : i32
      %add3A_207 = vector.broadcast %add3A_206 : i32 to vector<16xi32>
      %add3A_208 = arith.addi %add3A_207, %and3A_205 : vector<16xi32>
      %select_n3A_209 = arith.select %and3A_202, %sub3A_195, %add3A_208 : vector<16xi1>, vector<16xi32>
      %swap3A_210 = arith.index_cast %scan3A_65 : i32 to index
      %swap3A_211 = arith.constant 80 : index
      %swap3A_212 = tpu.vector_load %arg8[%swap3A_210, %swap3A_211] {strides = array<i32>} : memref<80x128xi32, #tpu.memory_space<vmem>>, vector<1x16xi32>,
      %swap3A_213 = vector.shape_cast %swap3A_212 : vector<1x16xi32> to vector<16xi32>
      %swap3A_214 = vector.shape_cast %select_n3A_209 : vector<16xi32> to vector<1x16xi32>
      tpu.vector_store %arg8[%swap3A_210, %swap3A_211], %swap3A_214 {strides = array<i32>} : memref<80x128xi32, #tpu.memory_space<vmem>>, vector<1x16xi32>,
      %get3A_215 = arith.index_cast %scan3A_65 : i32 to index
      %get3A_216 = arith.constant 96 : index
      %get3A_217 = tpu.vector_load %arg7[%get3A_215, %get3A_216] {strides = array<i32>} : memref<80x128xi32, #tpu.memory_space<vmem>>, vector<1x16xi32>,
      %get3A_218 = vector.shape_cast %get3A_217 : vector<1x16xi32> to vector<16xi32>
      %sub3A_219 = arith.constant 0 : i32
      %sub3A_220 = vector.broadcast %sub3A_219 : i32 to vector<16xi32>
      %sub3A_221 = arith.subi %get3A_218, %sub3A_220 : vector<16xi32>
      %ge3A_222 = arith.constant 0 : i32
      %ge3A_223 = vector.broadcast %ge3A_222 : i32 to vector<16xi32>
      %ge3A_224 = arith.cmpi sge, %sub3A_221, %ge3A_223 : vector<16xi32>
      %lt3A_225 = arith.constant 5120 : i32
      %lt3A_226 = vector.broadcast %lt3A_225 : i32 to vector<16xi32>
      %lt3A_227 = arith.cmpi slt, %sub3A_221, %lt3A_226 : vector<16xi32>
      %and3A_228 = arith.andi %ge3A_224, %lt3A_227 : vector<16xi1>
      %and3A_229 = arith.constant 127 : i32
      %and3A_230 = vector.broadcast %and3A_229 : i32 to vector<16xi32>
      %and3A_231 = arith.andi %get3A_218, %and3A_230 : vector<16xi32>
      %add3A_232 = arith.constant 5120 : i32
      %add3A_233 = vector.broadcast %add3A_232 : i32 to vector<16xi32>
      %add3A_234 = arith.addi %add3A_233, %and3A_231 : vector<16xi32>
      %select_n3A_235 = arith.select %and3A_228, %sub3A_221, %add3A_234 : vector<16xi1>, vector<16xi32>
      %swap3A_236 = arith.index_cast %scan3A_65 : i32 to index
      %swap3A_237 = arith.constant 96 : index
      %swap3A_238 = tpu.vector_load %arg8[%swap3A_236, %swap3A_237] {strides = array<i32>} : memref<80x128xi32, #tpu.memory_space<vmem>>, vector<1x16xi32>,
      %swap3A_239 = vector.shape_cast %swap3A_238 : vector<1x16xi32> to vector<16xi32>
      %swap3A_240 = vector.shape_cast %select_n3A_235 : vector<16xi32> to vector<1x16xi32>
      tpu.vector_store %arg8[%swap3A_236, %swap3A_237], %swap3A_240 {strides = array<i32>} : memref<80x128xi32, #tpu.memory_space<vmem>>, vector<1x16xi32>,
      %get3A_241 = arith.index_cast %scan3A_65 : i32 to index
      %get3A_242 = arith.constant 112 : index
      %get3A_243 = tpu.vector_load %arg7[%get3A_241, %get3A_242] {strides = array<i32>} : memref<80x128xi32, #tpu.memory_space<vmem>>, vector<1x16xi32>,
      %get3A_244 = vector.shape_cast %get3A_243 : vector<1x16xi32> to vector<16xi32>
      %sub3A_245 = arith.constant 0 : i32
      %sub3A_246 = vector.broadcast %sub3A_245 : i32 to vector<16xi32>
      %sub3A_247 = arith.subi %get3A_244, %sub3A_246 : vector<16xi32>
      %ge3A_248 = arith.constant 0 : i32
      %ge3A_249 = vector.broadcast %ge3A_248 : i32 to vector<16xi32>
      %ge3A_250 = arith.cmpi sge, %sub3A_247, %ge3A_249 : vector<16xi32>
      %lt3A_251 = arith.constant 5120 : i32
      %lt3A_252 = vector.broadcast %lt3A_251 : i32 to vector<16xi32>
      %lt3A_253 = arith.cmpi slt, %sub3A_247, %lt3A_252 : vector<16xi32>
      %and3A_254 = arith.andi %ge3A_250, %lt3A_253 : vector<16xi1>
      %and3A_255 = arith.constant 127 : i32
      %and3A_256 = vector.broadcast %and3A_255 : i32 to vector<16xi32>
      %and3A_257 = arith.andi %get3A_244, %and3A_256 : vector<16xi32>
      %add3A_258 = arith.constant 5120 : i32
      %add3A_259 = vector.broadcast %add3A_258 : i32 to vector<16xi32>
      %add3A_260 = arith.addi %add3A_259, %and3A_257 : vector<16xi32>
      %select_n3A_261 = arith.select %and3A_254, %sub3A_247, %add3A_260 : vector<16xi1>, vector<16xi32>
      %swap3A_262 = arith.index_cast %scan3A_65 : i32 to index
      %swap3A_263 = arith.constant 112 : index
      %swap3A_264 = tpu.vector_load %arg8[%swap3A_262, %swap3A_263] {strides = array<i32>} : memref<80x128xi32, #tpu.memory_space<vmem>>, vector<1x16xi32>,
      %swap3A_265 = vector.shape_cast %swap3A_264 : vector<1x16xi32> to vector<16xi32>
      %swap3A_266 = vector.shape_cast %select_n3A_261 : vector<16xi32> to vector<1x16xi32>
      tpu.vector_store %arg8[%swap3A_262, %swap3A_263], %swap3A_266 {strides = array<i32>} : memref<80x128xi32, #tpu.memory_space<vmem>>, vector<1x16xi32>,
    }
    %scan3A_5 = arith.constant 80 : i32
    %broadcast_in_dim3A = arith.constant 0.000000e+00 : f32
    %broadcast_in_dim3A_6 = vector.broadcast %broadcast_in_dim3A : f32 to vector<16xf32>
    %scan3A_7 = arith.constant 0 : i32
    %scan3A_8 = arith.constant 0 : i32
    %scan3A_9 = arith.constant 128 : i32
    %scan3A_10 = arith.addi %scan3A_8, %scan3A_9 : i32
    %scan3A_11 = arith.constant 1 : i32
    scf.for %scan3A_65 = %scan3A_8 to %scan3A_10 step %scan3A_11  : i32 {
      %swap3A = arith.index_cast %scan3A_65 : i32 to index
      %swap3A_66 = arith.constant 0 : index
      %swap3A_67 = tpu.vector_load %arg9[%swap3A, %swap3A_66] {strides = array<i32>} : memref<128x128xf32, #tpu.memory_space<vmem>>, vector<1x16xf32>,
      %swap3A_68 = vector.shape_cast %swap3A_67 : vector<1x16xf32> to vector<16xf32>
      %swap3A_69 = vector.shape_cast %broadcast_in_dim3A_6 : vector<16xf32> to vector<1x16xf32>
      tpu.vector_store %arg9[%swap3A, %swap3A_66], %swap3A_69 {strides = array<i32>} : memref<128x128xf32, #tpu.memory_space<vmem>>, vector<1x16xf32>,
      %swap3A_70 = arith.index_cast %scan3A_65 : i32 to index
      %swap3A_71 = arith.constant 16 : index
      %swap3A_72 = tpu.vector_load %arg9[%swap3A_70, %swap3A_71] {strides = array<i32>} : memref<128x128xf32, #tpu.memory_space<vmem>>, vector<1x16xf32>,
      %swap3A_73 = vector.shape_cast %swap3A_72 : vector<1x16xf32> to vector<16xf32>
      %swap3A_74 = vector.shape_cast %broadcast_in_dim3A_6 : vector<16xf32> to vector<1x16xf32>
      tpu.vector_store %arg9[%swap3A_70, %swap3A_71], %swap3A_74 {strides = array<i32>} : memref<128x128xf32, #tpu.memory_space<vmem>>, vector<1x16xf32>,
      %swap3A_75 = arith.index_cast %scan3A_65 : i32 to index
      %swap3A_76 = arith.constant 32 : index
      %swap3A_77 = tpu.vector_load %arg9[%swap3A_75, %swap3A_76] {strides = array<i32>} : memref<128x128xf32, #tpu.memory_space<vmem>>, vector<1x16xf32>,
      %swap3A_78 = vector.shape_cast %swap3A_77 : vector<1x16xf32> to vector<16xf32>
      %swap3A_79 = vector.shape_cast %broadcast_in_dim3A_6 : vector<16xf32> to vector<1x16xf32>
      tpu.vector_store %arg9[%swap3A_75, %swap3A_76], %swap3A_79 {strides = array<i32>} : memref<128x128xf32, #tpu.memory_space<vmem>>, vector<1x16xf32>,
      %swap3A_80 = arith.index_cast %scan3A_65 : i32 to index
      %swap3A_81 = arith.constant 48 : index
      %swap3A_82 = tpu.vector_load %arg9[%swap3A_80, %swap3A_81] {strides = array<i32>} : memref<128x128xf32, #tpu.memory_space<vmem>>, vector<1x16xf32>,
      %swap3A_83 = vector.shape_cast %swap3A_82 : vector<1x16xf32> to vector<16xf32>
      %swap3A_84 = vector.shape_cast %broadcast_in_dim3A_6 : vector<16xf32> to vector<1x16xf32>
      tpu.vector_store %arg9[%swap3A_80, %swap3A_81], %swap3A_84 {strides = array<i32>} : memref<128x128xf32, #tpu.memory_space<vmem>>, vector<1x16xf32>,
      %swap3A_85 = arith.index_cast %scan3A_65 : i32 to index
      %swap3A_86 = arith.constant 64 : index
      %swap3A_87 = tpu.vector_load %arg9[%swap3A_85, %swap3A_86] {strides = array<i32>} : memref<128x128xf32, #tpu.memory_space<vmem>>, vector<1x16xf32>,
      %swap3A_88 = vector.shape_cast %swap3A_87 : vector<1x16xf32> to vector<16xf32>
      %swap3A_89 = vector.shape_cast %broadcast_in_dim3A_6 : vector<16xf32> to vector<1x16xf32>
      tpu.vector_store %arg9[%swap3A_85, %swap3A_86], %swap3A_89 {strides = array<i32>} : memref<128x128xf32, #tpu.memory_space<vmem>>, vector<1x16xf32>,
      %swap3A_90 = arith.index_cast %scan3A_65 : i32 to index
      %swap3A_91 = arith.constant 80 : index
      %swap3A_92 = tpu.vector_load %arg9[%swap3A_90, %swap3A_91] {strides = array<i32>} : memref<128x128xf32, #tpu.memory_space<vmem>>, vector<1x16xf32>,
      %swap3A_93 = vector.shape_cast %swap3A_92 : vector<1x16xf32> to vector<16xf32>
      %swap3A_94 = vector.shape_cast %broadcast_in_dim3A_6 : vector<16xf32> to vector<1x16xf32>
      tpu.vector_store %arg9[%swap3A_90, %swap3A_91], %swap3A_94 {strides = array<i32>} : memref<128x128xf32, #tpu.memory_space<vmem>>, vector<1x16xf32>,
      %swap3A_95 = arith.index_cast %scan3A_65 : i32 to index
      %swap3A_96 = arith.constant 96 : index
      %swap3A_97 = tpu.vector_load %arg9[%swap3A_95, %swap3A_96] {strides = array<i32>} : memref<128x128xf32, #tpu.memory_space<vmem>>, vector<1x16xf32>,
      %swap3A_98 = vector.shape_cast %swap3A_97 : vector<1x16xf32> to vector<16xf32>
      %swap3A_99 = vector.shape_cast %broadcast_in_dim3A_6 : vector<16xf32> to vector<1x16xf32>
      tpu.vector_store %arg9[%swap3A_95, %swap3A_96], %swap3A_99 {strides = array<i32>} : memref<128x128xf32, #tpu.memory_space<vmem>>, vector<1x16xf32>,
      %swap3A_100 = arith.index_cast %scan3A_65 : i32 to index
      %swap3A_101 = arith.constant 112 : index
      %swap3A_102 = tpu.vector_load %arg9[%swap3A_100, %swap3A_101] {strides = array<i32>} : memref<128x128xf32, #tpu.memory_space<vmem>>, vector<1x16xf32>,
      %swap3A_103 = vector.shape_cast %swap3A_102 : vector<1x16xf32> to vector<16xf32>
      %swap3A_104 = vector.shape_cast %broadcast_in_dim3A_6 : vector<16xf32> to vector<1x16xf32>
      tpu.vector_store %arg9[%swap3A_100, %swap3A_101], %swap3A_104 {strides = array<i32>} : memref<128x128xf32, #tpu.memory_space<vmem>>, vector<1x16xf32>,
    }
    %scan3A_12 = arith.constant 128 : i32
    "tpu.region"() ({
      %run_scoped3A_65 = tpu.sem_alloc : memref<!tpu.dma_semaphore, #tpu.memory_space<semaphore_mem>>
      %dma_start3A_66 = arith.constant 0 : i32
      %dma_start3A_67 = tpu.memref_slice %arg13[%mul3A_0, %dma_start3A_66] : memref<5248x128xf32, #tpu.memory_space<vmem_shared>> -> memref<128x128xf32, #tpu.memory_space<vmem_shared>>
      %dma_start3A_68 = arith.constant 0 : i32
      %dma_start3A_69 = tpu.memref_slice %arg13[%mul3A_0, %dma_start3A_68] : memref<5248x128xf32, #tpu.memory_space<vmem_shared>> -> memref<128x128xf32, #tpu.memory_space<vmem_shared>>
      tpu.enqueue_dma source(%arg9 : memref<128x128xf32, #tpu.memory_space<vmem>>) target(%dma_start3A_69 : memref<128x128xf32, #tpu.memory_space<vmem_shared>>) target_semaphore(%run_scoped3A_65 : memref<!tpu.dma_semaphore, #tpu.memory_space<semaphore_mem>>)
      %dma_wait3A = arith.constant 0 : i32
      %dma_wait3A_70 = tpu.memref_slice %arg13[%mul3A_0, %dma_wait3A] : memref<5248x128xf32, #tpu.memory_space<vmem_shared>> -> memref<128x128xf32, #tpu.memory_space<vmem_shared>>
      %dma_wait3A_71 = arith.constant 0 : i32
      %dma_wait3A_72 = tpu.memref_slice %arg13[%mul3A_0, %dma_wait3A_71] : memref<5248x128xf32, #tpu.memory_space<vmem_shared>> -> memref<128x128xf32, #tpu.memory_space<vmem_shared>>
      tpu.wait_dma2 semaphore(%run_scoped3A_65 : memref<!tpu.dma_semaphore, #tpu.memory_space<semaphore_mem>>) src(%arg9 : memref<128x128xf32, #tpu.memory_space<vmem>>) dst(%dma_wait3A_72 : memref<128x128xf32, #tpu.memory_space<vmem_shared>>)
      tpu.yield
    }) : () -> ()
    %add3A = arith.constant 128 : i32
    %add3A_13 = arith.addi %mul3A_0, %add3A : i32
    "tpu.region"() ({
      %run_scoped3A_65 = tpu.sem_alloc : memref<!tpu.dma_semaphore, #tpu.memory_space<semaphore_mem>>
      %dma_start3A_66 = arith.constant 0 : i32
      %dma_start3A_67 = tpu.memref_slice %arg13[%add3A_13, %dma_start3A_66] : memref<5248x128xf32, #tpu.memory_space<vmem_shared>> -> memref<128x128xf32, #tpu.memory_space<vmem_shared>>
      %dma_start3A_68 = arith.constant 0 : i32
      %dma_start3A_69 = tpu.memref_slice %arg13[%add3A_13, %dma_start3A_68] : memref<5248x128xf32, #tpu.memory_space<vmem_shared>> -> memref<128x128xf32, #tpu.memory_space<vmem_shared>>
      tpu.enqueue_dma source(%arg9 : memref<128x128xf32, #tpu.memory_space<vmem>>) target(%dma_start3A_69 : memref<128x128xf32, #tpu.memory_space<vmem_shared>>) target_semaphore(%run_scoped3A_65 : memref<!tpu.dma_semaphore, #tpu.memory_space<semaphore_mem>>)
      %dma_wait3A = arith.constant 0 : i32
      %dma_wait3A_70 = tpu.memref_slice %arg13[%add3A_13, %dma_wait3A] : memref<5248x128xf32, #tpu.memory_space<vmem_shared>> -> memref<128x128xf32, #tpu.memory_space<vmem_shared>>
      %dma_wait3A_71 = arith.constant 0 : i32
      %dma_wait3A_72 = tpu.memref_slice %arg13[%add3A_13, %dma_wait3A_71] : memref<5248x128xf32, #tpu.memory_space<vmem_shared>> -> memref<128x128xf32, #tpu.memory_space<vmem_shared>>
      tpu.wait_dma2 semaphore(%run_scoped3A_65 : memref<!tpu.dma_semaphore, #tpu.memory_space<semaphore_mem>>) src(%arg9 : memref<128x128xf32, #tpu.memory_space<vmem>>) dst(%dma_wait3A_72 : memref<128x128xf32, #tpu.memory_space<vmem_shared>>)
      tpu.yield
    }) : () -> ()
    %add3A_14 = arith.constant 256 : i32
    %add3A_15 = arith.addi %mul3A_0, %add3A_14 : i32
    "tpu.region"() ({
      %run_scoped3A_65 = tpu.sem_alloc : memref<!tpu.dma_semaphore, #tpu.memory_space<semaphore_mem>>
      %dma_start3A_66 = arith.constant 0 : i32
      %dma_start3A_67 = arith.constant 0 : i32
      %dma_start3A_68 = tpu.memref_slice %arg9[%dma_start3A_66, %dma_start3A_67] : memref<128x128xf32, #tpu.memory_space<vmem>> -> memref<72x128xf32, #tpu.memory_space<vmem>>
      %dma_start3A_69 = arith.constant 0 : i32
      %dma_start3A_70 = tpu.memref_slice %arg13[%add3A_15, %dma_start3A_69] : memref<5248x128xf32, #tpu.memory_space<vmem_shared>> -> memref<72x128xf32, #tpu.memory_space<vmem_shared>>
      %dma_start3A_71 = arith.constant 0 : i32
      %dma_start3A_72 = tpu.memref_slice %arg13[%add3A_15, %dma_start3A_71] : memref<5248x128xf32, #tpu.memory_space<vmem_shared>> -> memref<72x128xf32, #tpu.memory_space<vmem_shared>>
      %dma_start3A_73 = arith.constant 0 : i32
      %dma_start3A_74 = arith.constant 0 : i32
      %dma_start3A_75 = tpu.memref_slice %arg9[%dma_start3A_73, %dma_start3A_74] : memref<128x128xf32, #tpu.memory_space<vmem>> -> memref<72x128xf32, #tpu.memory_space<vmem>>
      tpu.enqueue_dma source(%dma_start3A_75 : memref<72x128xf32, #tpu.memory_space<vmem>>) target(%dma_start3A_72 : memref<72x128xf32, #tpu.memory_space<vmem_shared>>) target_semaphore(%run_scoped3A_65 : memref<!tpu.dma_semaphore, #tpu.memory_space<semaphore_mem>>)
      %dma_wait3A = arith.constant 0 : i32
      %dma_wait3A_76 = arith.constant 0 : i32
      %dma_wait3A_77 = tpu.memref_slice %arg9[%dma_wait3A, %dma_wait3A_76] : memref<128x128xf32, #tpu.memory_space<vmem>> -> memref<72x128xf32, #tpu.memory_space<vmem>>
      %dma_wait3A_78 = arith.constant 0 : i32
      %dma_wait3A_79 = tpu.memref_slice %arg13[%add3A_15, %dma_wait3A_78] : memref<5248x128xf32, #tpu.memory_space<vmem_shared>> -> memref<72x128xf32, #tpu.memory_space<vmem_shared>>
      %dma_wait3A_80 = arith.constant 0 : i32
      %dma_wait3A_81 = tpu.memref_slice %arg13[%add3A_15, %dma_wait3A_80] : memref<5248x128xf32, #tpu.memory_space<vmem_shared>> -> memref<72x128xf32, #tpu.memory_space<vmem_shared>>
      %dma_wait3A_82 = arith.constant 0 : i32
      %dma_wait3A_83 = arith.constant 0 : i32
      %dma_wait3A_84 = tpu.memref_slice %arg9[%dma_wait3A_82, %dma_wait3A_83] : memref<128x128xf32, #tpu.memory_space<vmem>> -> memref<72x128xf32, #tpu.memory_space<vmem>>
      tpu.wait_dma2 semaphore(%run_scoped3A_65 : memref<!tpu.dma_semaphore, #tpu.memory_space<semaphore_mem>>) src(%dma_wait3A_84 : memref<72x128xf32, #tpu.memory_space<vmem>>) dst(%dma_wait3A_81 : memref<72x128xf32, #tpu.memory_space<vmem_shared>>)
      tpu.yield
    }) : () -> ()
    %barrier3A = arith.constant 0 : index
    tpu.barrier barrier_id(%barrier3A)
    %dma_start3A = arith.constant 0 : i32
    %dma_start3A_16 = arith.constant 0 : i32
    %dma_start3A_17 = tpu.memref_slice %arg6[%dma_start3A, %dma_start3A_16] : memref<80x128xi32, #tpu.memory_space<vmem>> -> memref<1x128xi32, #tpu.memory_space<vmem>>
    %dma_start3A_18 = tpu.memref_squeeze %dma_start3A_17 : memref<1x128xi32, #tpu.memory_space<vmem>> -> memref<128xi32, #tpu.memory_space<vmem>>
    %dma_start3A_19 = arith.constant 0 : i32
    %dma_start3A_20 = arith.constant 0 : i32
    %dma_start3A_21 = tpu.memref_slice %arg2[%dma_start3A_19, %dma_start3A_20] : memref<20000x128xf32, #tpu.memory_space<hbm>> -> memref<20000x128xf32, #tpu.memory_space<hbm>>
    tpu.enqueue_indirect_dma source(%dma_start3A_21 : memref<20000x128xf32, #tpu.memory_space<hbm>>) target(%arg9 : memref<128x128xf32, #tpu.memory_space<vmem>>) offsets(%dma_start3A_18 : memref<128xi32, #tpu.memory_space<vmem>>) semaphore(%arg11 : memref<!tpu.dma_semaphore, #tpu.memory_space<semaphore_mem>>)
    %scan3A_22 = arith.constant 0 : i32
    %scan3A_23 = arith.constant 0 : i32
    %scan3A_24 = arith.constant 40 : i32
    %scan3A_25 = arith.addi %scan3A_23, %scan3A_24 : i32
    %scan3A_26 = arith.constant 1 : i32
    scf.for %scan3A_65 = %scan3A_23 to %scan3A_25 step %scan3A_26  : i32 {
      %mul3A_66 = arith.constant 2 : i32
      %mul3A_67 = arith.muli %mul3A_66, %scan3A_65 : i32
      %add3A_68 = arith.constant 1 : i32
      %add3A_69 = arith.addi %mul3A_67, %add3A_68 : i32
      %dma_start3A_70 = arith.constant 0 : i32
      %dma_start3A_71 = tpu.memref_slice %arg6[%add3A_69, %dma_start3A_70] : memref<80x128xi32, #tpu.memory_space<vmem>> -> memref<1x128xi32, #tpu.memory_space<vmem>>
      %dma_start3A_72 = tpu.memref_squeeze %dma_start3A_71 : memref<1x128xi32, #tpu.memory_space<vmem>> -> memref<128xi32, #tpu.memory_space<vmem>>
      %dma_start3A_73 = arith.constant 0 : i32
      %dma_start3A_74 = arith.constant 0 : i32
      %dma_start3A_75 = tpu.memref_slice %arg2[%dma_start3A_73, %dma_start3A_74] : memref<20000x128xf32, #tpu.memory_space<hbm>> -> memref<20000x128xf32, #tpu.memory_space<hbm>>
      tpu.enqueue_indirect_dma source(%dma_start3A_75 : memref<20000x128xf32, #tpu.memory_space<hbm>>) target(%arg10 : memref<128x128xf32, #tpu.memory_space<vmem>>) offsets(%dma_start3A_72 : memref<128xi32, #tpu.memory_space<vmem>>) semaphore(%arg12 : memref<!tpu.dma_semaphore, #tpu.memory_space<semaphore_mem>>)
      %dma_wait3A = arith.constant 0 : i32
      %dma_wait3A_76 = tpu.memref_slice %arg6[%mul3A_67, %dma_wait3A] : memref<80x128xi32, #tpu.memory_space<vmem>> -> memref<1x128xi32, #tpu.memory_space<vmem>>
      %dma_wait3A_77 = tpu.memref_squeeze %dma_wait3A_76 : memref<1x128xi32, #tpu.memory_space<vmem>> -> memref<128xi32, #tpu.memory_space<vmem>>
      %dma_wait3A_78 = arith.constant 0 : i32
      %dma_wait3A_79 = arith.constant 0 : i32
      %dma_wait3A_80 = tpu.memref_slice %arg2[%dma_wait3A_78, %dma_wait3A_79] : memref<20000x128xf32, #tpu.memory_space<hbm>> -> memref<20000x128xf32, #tpu.memory_space<hbm>>
      tpu.wait_indirect_dma semaphore(%arg11 : memref<!tpu.dma_semaphore, #tpu.memory_space<semaphore_mem>>) src(%dma_wait3A_80 : memref<20000x128xf32, #tpu.memory_space<hbm>>) dst(%arg9 : memref<128x128xf32, #tpu.memory_space<vmem>>)
      "tpu.region"() ({
        %run_scoped3A_91 = tpu.sem_alloc : memref<!tpu.dma_semaphore, #tpu.memory_space<semaphore_mem>>
        %dma_start3A_92 = arith.constant 0 : i32
        %dma_start3A_93 = tpu.memref_slice %arg8[%mul3A_67, %dma_start3A_92] : memref<80x128xi32, #tpu.memory_space<vmem>> -> memref<1x128xi32, #tpu.memory_space<vmem>>
        %dma_start3A_94 = tpu.memref_squeeze %dma_start3A_93 : memref<1x128xi32, #tpu.memory_space<vmem>> -> memref<128xi32, #tpu.memory_space<vmem>>
        %dma_start3A_95 = arith.constant 0 : i32
        %dma_start3A_96 = arith.constant 0 : i32
        %dma_start3A_97 = tpu.memref_slice %arg13[%dma_start3A_95, %dma_start3A_96] : memref<5248x128xf32, #tpu.memory_space<vmem_shared>> -> memref<5248x128xf32, #tpu.memory_space<vmem_shared>>
        tpu.enqueue_indirect_dma source(%arg9 : memref<128x128xf32, #tpu.memory_space<vmem>>) target(%dma_start3A_97 : memref<5248x128xf32, #tpu.memory_space<vmem_shared>>) offsets(%dma_start3A_94 : memref<128xi32, #tpu.memory_space<vmem>>) semaphore(%run_scoped3A_91 : memref<!tpu.dma_semaphore, #tpu.memory_space<semaphore_mem>>) {add = true}
        %dma_wait3A_98 = arith.constant 0 : i32
        %dma_wait3A_99 = tpu.memref_slice %arg8[%mul3A_67, %dma_wait3A_98] : memref<80x128xi32, #tpu.memory_space<vmem>> -> memref<1x128xi32, #tpu.memory_space<vmem>>
        %dma_wait3A_100 = tpu.memref_squeeze %dma_wait3A_99 : memref<1x128xi32, #tpu.memory_space<vmem>> -> memref<128xi32, #tpu.memory_space<vmem>>
        %dma_wait3A_101 = arith.constant 0 : i32
        %dma_wait3A_102 = arith.constant 0 : i32
        %dma_wait3A_103 = tpu.memref_slice %arg13[%dma_wait3A_101, %dma_wait3A_102] : memref<5248x128xf32, #tpu.memory_space<vmem_shared>> -> memref<5248x128xf32, #tpu.memory_space<vmem_shared>>
        tpu.wait_indirect_dma semaphore(%run_scoped3A_91 : memref<!tpu.dma_semaphore, #tpu.memory_space<semaphore_mem>>) src(%arg9 : memref<128x128xf32, #tpu.memory_space<vmem>>) dst(%dma_wait3A_103 : memref<5248x128xf32, #tpu.memory_space<vmem_shared>>)
        tpu.yield
      }) : () -> ()
      %add3A_81 = arith.constant 2 : i32
      %add3A_82 = arith.addi %mul3A_67, %add3A_81 : i32
      %lt3A = arith.constant 80 : i32
      %lt3A_83 = arith.cmpi slt, %add3A_82, %lt3A : i32
      %convert_element_type3A = arith.extui %lt3A_83 : i1 to i32
      %cond3A = arith.constant 0 : i32
      %cond3A_84 = arith.cmpi ne, %convert_element_type3A, %cond3A : i32
      scf.if %cond3A_84 {
        %add3A_91 = arith.constant 2 : i32
        %add3A_92 = arith.addi %mul3A_67, %add3A_91 : i32
        %dma_start3A_93 = arith.constant 0 : i32
        %dma_start3A_94 = tpu.memref_slice %arg6[%add3A_92, %dma_start3A_93] : memref<80x128xi32, #tpu.memory_space<vmem>> -> memref<1x128xi32, #tpu.memory_space<vmem>>
        %dma_start3A_95 = tpu.memref_squeeze %dma_start3A_94 : memref<1x128xi32, #tpu.memory_space<vmem>> -> memref<128xi32, #tpu.memory_space<vmem>>
        %dma_start3A_96 = arith.constant 0 : i32
        %dma_start3A_97 = arith.constant 0 : i32
        %dma_start3A_98 = tpu.memref_slice %arg2[%dma_start3A_96, %dma_start3A_97] : memref<20000x128xf32, #tpu.memory_space<hbm>> -> memref<20000x128xf32, #tpu.memory_space<hbm>>
        tpu.enqueue_indirect_dma source(%dma_start3A_98 : memref<20000x128xf32, #tpu.memory_space<hbm>>) target(%arg9 : memref<128x128xf32, #tpu.memory_space<vmem>>) offsets(%dma_start3A_95 : memref<128xi32, #tpu.memory_space<vmem>>) semaphore(%arg11 : memref<!tpu.dma_semaphore, #tpu.memory_space<semaphore_mem>>)
      } else {
      }
      %dma_wait3A_85 = arith.constant 0 : i32
      %dma_wait3A_86 = tpu.memref_slice %arg6[%add3A_69, %dma_wait3A_85] : memref<80x128xi32, #tpu.memory_space<vmem>> -> memref<1x128xi32, #tpu.memory_space<vmem>>
      %dma_wait3A_87 = tpu.memref_squeeze %dma_wait3A_86 : memref<1x128xi32, #tpu.memory_space<vmem>> -> memref<128xi32, #tpu.memory_space<vmem>>
      %dma_wait3A_88 = arith.constant 0 : i32
      %dma_wait3A_89 = arith.constant 0 : i32
      %dma_wait3A_90 = tpu.memref_slice %arg2[%dma_wait3A_88, %dma_wait3A_89] : memref<20000x128xf32, #tpu.memory_space<hbm>> -> memref<20000x128xf32, #tpu.memory_space<hbm>>
      tpu.wait_indirect_dma semaphore(%arg12 : memref<!tpu.dma_semaphore, #tpu.memory_space<semaphore_mem>>) src(%dma_wait3A_90 : memref<20000x128xf32, #tpu.memory_space<hbm>>) dst(%arg10 : memref<128x128xf32, #tpu.memory_space<vmem>>)
      "tpu.region"() ({
        %run_scoped3A_91 = tpu.sem_alloc : memref<!tpu.dma_semaphore, #tpu.memory_space<semaphore_mem>>
        %dma_start3A_92 = arith.constant 0 : i32
        %dma_start3A_93 = tpu.memref_slice %arg8[%add3A_69, %dma_start3A_92] : memref<80x128xi32, #tpu.memory_space<vmem>> -> memref<1x128xi32, #tpu.memory_space<vmem>>
        %dma_start3A_94 = tpu.memref_squeeze %dma_start3A_93 : memref<1x128xi32, #tpu.memory_space<vmem>> -> memref<128xi32, #tpu.memory_space<vmem>>
        %dma_start3A_95 = arith.constant 0 : i32
        %dma_start3A_96 = arith.constant 0 : i32
        %dma_start3A_97 = tpu.memref_slice %arg13[%dma_start3A_95, %dma_start3A_96] : memref<5248x128xf32, #tpu.memory_space<vmem_shared>> -> memref<5248x128xf32, #tpu.memory_space<vmem_shared>>
        tpu.enqueue_indirect_dma source(%arg10 : memref<128x128xf32, #tpu.memory_space<vmem>>) target(%dma_start3A_97 : memref<5248x128xf32, #tpu.memory_space<vmem_shared>>) offsets(%dma_start3A_94 : memref<128xi32, #tpu.memory_space<vmem>>) semaphore(%run_scoped3A_91 : memref<!tpu.dma_semaphore, #tpu.memory_space<semaphore_mem>>) {add = true}
        %dma_wait3A_98 = arith.constant 0 : i32
        %dma_wait3A_99 = tpu.memref_slice %arg8[%add3A_69, %dma_wait3A_98] : memref<80x128xi32, #tpu.memory_space<vmem>> -> memref<1x128xi32, #tpu.memory_space<vmem>>
        %dma_wait3A_100 = tpu.memref_squeeze %dma_wait3A_99 : memref<1x128xi32, #tpu.memory_space<vmem>> -> memref<128xi32, #tpu.memory_space<vmem>>
        %dma_wait3A_101 = arith.constant 0 : i32
        %dma_wait3A_102 = arith.constant 0 : i32
        %dma_wait3A_103 = tpu.memref_slice %arg13[%dma_wait3A_101, %dma_wait3A_102] : memref<5248x128xf32, #tpu.memory_space<vmem_shared>> -> memref<5248x128xf32, #tpu.memory_space<vmem_shared>>
        tpu.wait_indirect_dma semaphore(%run_scoped3A_91 : memref<!tpu.dma_semaphore, #tpu.memory_space<semaphore_mem>>) src(%arg10 : memref<128x128xf32, #tpu.memory_space<vmem>>) dst(%dma_wait3A_103 : memref<5248x128xf32, #tpu.memory_space<vmem_shared>>)
        tpu.yield
      }) : () -> ()
    }
    %scan3A_27 = arith.constant 40 : i32
    %barrier3A_28 = arith.constant 0 : index
    tpu.barrier barrier_id(%barrier3A_28)
    %run_scoped3A = arith.constant 0 : i32
    "tpu.region"() ({
      %run_scoped3A_65 = tpu.sem_alloc : memref<!tpu.dma_semaphore, #tpu.memory_space<semaphore_mem>>
      %dma_start3A_66 = arith.constant 0 : i32
      %dma_start3A_67 = tpu.memref_slice %arg5[%arg0, %run_scoped3A, %mul3A_0, %dma_start3A_66] : memref<2x2x5248x128xf32, #tpu.memory_space<hbm>> -> memref<1x1x328x128xf32, #tpu.memory_space<hbm>>
      %dma_start3A_68 = tpu.memref_squeeze %dma_start3A_67 : memref<1x1x328x128xf32, #tpu.memory_space<hbm>> -> memref<328x128xf32, #tpu.memory_space<hbm>>
      %dma_start3A_69 = arith.constant 0 : i32
      %dma_start3A_70 = tpu.memref_slice %arg13[%mul3A_0, %dma_start3A_69] : memref<5248x128xf32, #tpu.memory_space<vmem_shared>> -> memref<328x128xf32, #tpu.memory_space<vmem_shared>>
      tpu.enqueue_dma source(%dma_start3A_70 : memref<328x128xf32, #tpu.memory_space<vmem_shared>>) target(%dma_start3A_68 : memref<328x128xf32, #tpu.memory_space<hbm>>) target_semaphore(%run_scoped3A_65 : memref<!tpu.dma_semaphore, #tpu.memory_space<semaphore_mem>>)
      %dma_wait3A = arith.constant 0 : i32
      %dma_wait3A_71 = tpu.memref_slice %arg5[%arg0, %run_scoped3A, %mul3A_0, %dma_wait3A] : memref<2x2x5248x128xf32, #tpu.memory_space<hbm>> -> memref<1x1x328x128xf32, #tpu.memory_space<hbm>>
      %dma_wait3A_72 = tpu.memref_squeeze %dma_wait3A_71 : memref<1x1x328x128xf32, #tpu.memory_space<hbm>> -> memref<328x128xf32, #tpu.memory_space<hbm>>
      %dma_wait3A_73 = arith.constant 0 : i32
      %dma_wait3A_74 = tpu.memref_slice %arg13[%mul3A_0, %dma_wait3A_73] : memref<5248x128xf32, #tpu.memory_space<vmem_shared>> -> memref<328x128xf32, #tpu.memory_space<vmem_shared>>
      tpu.wait_dma2 semaphore(%run_scoped3A_65 : memref<!tpu.dma_semaphore, #tpu.memory_space<semaphore_mem>>) src(%dma_wait3A_74 : memref<328x128xf32, #tpu.memory_space<vmem_shared>>) dst(%dma_wait3A_72 : memref<328x128xf32, #tpu.memory_space<hbm>>)
      tpu.yield
    }) : () -> ()
    %barrier3A_29 = arith.constant 0 : index
    tpu.barrier barrier_id(%barrier3A_29)
    %scan3A_30 = arith.constant 0 : i32
    %scan3A_31 = arith.constant 0 : i32
    %scan3A_32 = arith.constant 80 : i32
    %scan3A_33 = arith.addi %scan3A_31, %scan3A_32 : i32
    %scan3A_34 = arith.constant 1 : i32
    scf.for %scan3A_65 = %scan3A_31 to %scan3A_33 step %scan3A_34  : i32 {
      %get3A = arith.index_cast %scan3A_65 : i32 to index
      %get3A_66 = arith.constant 0 : index
      %get3A_67 = tpu.vector_load %arg7[%get3A, %get3A_66] {strides = array<i32>} : memref<80x128xi32, #tpu.memory_space<vmem>>, vector<1x16xi32>,
      %get3A_68 = vector.shape_cast %get3A_67 : vector<1x16xi32> to vector<16xi32>
      %sub3A = arith.constant 5120 : i32
      %sub3A_69 = vector.broadcast %sub3A : i32 to vector<16xi32>
      %sub3A_70 = arith.subi %get3A_68, %sub3A_69 : vector<16xi32>
      %ge3A = arith.constant 0 : i32
      %ge3A_71 = vector.broadcast %ge3A : i32 to vector<16xi32>
      %ge3A_72 = arith.cmpi sge, %sub3A_70, %ge3A_71 : vector<16xi32>
      %lt3A = arith.constant 5120 : i32
      %lt3A_73 = vector.broadcast %lt3A : i32 to vector<16xi32>
      %lt3A_74 = arith.cmpi slt, %sub3A_70, %lt3A_73 : vector<16xi32>
      %and3A = arith.andi %ge3A_72, %lt3A_74 : vector<16xi1>
      %and3A_75 = arith.constant 127 : i32
      %and3A_76 = vector.broadcast %and3A_75 : i32 to vector<16xi32>
      %and3A_77 = arith.andi %get3A_68, %and3A_76 : vector<16xi32>
      %add3A_78 = arith.constant 5120 : i32
      %add3A_79 = vector.broadcast %add3A_78 : i32 to vector<16xi32>
      %add3A_80 = arith.addi %add3A_79, %and3A_77 : vector<16xi32>
      %select_n3A = arith.select %and3A, %sub3A_70, %add3A_80 : vector<16xi1>, vector<16xi32>
      %swap3A = arith.index_cast %scan3A_65 : i32 to index
      %swap3A_81 = arith.constant 0 : index
      %swap3A_82 = tpu.vector_load %arg8[%swap3A, %swap3A_81] {strides = array<i32>} : memref<80x128xi32, #tpu.memory_space<vmem>>, vector<1x16xi32>,
      %swap3A_83 = vector.shape_cast %swap3A_82 : vector<1x16xi32> to vector<16xi32>
      %swap3A_84 = vector.shape_cast %select_n3A : vector<16xi32> to vector<1x16xi32>
      tpu.vector_store %arg8[%swap3A, %swap3A_81], %swap3A_84 {strides = array<i32>} : memref<80x128xi32, #tpu.memory_space<vmem>>, vector<1x16xi32>,
      %get3A_85 = arith.index_cast %scan3A_65 : i32 to index
      %get3A_86 = arith.constant 16 : index
      %get3A_87 = tpu.vector_load %arg7[%get3A_85, %get3A_86] {strides = array<i32>} : memref<80x128xi32, #tpu.memory_space<vmem>>, vector<1x16xi32>,
      %get3A_88 = vector.shape_cast %get3A_87 : vector<1x16xi32> to vector<16xi32>
      %sub3A_89 = arith.constant 5120 : i32
      %sub3A_90 = vector.broadcast %sub3A_89 : i32 to vector<16xi32>
      %sub3A_91 = arith.subi %get3A_88, %sub3A_90 : vector<16xi32>
      %ge3A_92 = arith.constant 0 : i32
      %ge3A_93 = vector.broadcast %ge3A_92 : i32 to vector<16xi32>
      %ge3A_94 = arith.cmpi sge, %sub3A_91, %ge3A_93 : vector<16xi32>
      %lt3A_95 = arith.constant 5120 : i32
      %lt3A_96 = vector.broadcast %lt3A_95 : i32 to vector<16xi32>
      %lt3A_97 = arith.cmpi slt, %sub3A_91, %lt3A_96 : vector<16xi32>
      %and3A_98 = arith.andi %ge3A_94, %lt3A_97 : vector<16xi1>
      %and3A_99 = arith.constant 127 : i32
      %and3A_100 = vector.broadcast %and3A_99 : i32 to vector<16xi32>
      %and3A_101 = arith.andi %get3A_88, %and3A_100 : vector<16xi32>
      %add3A_102 = arith.constant 5120 : i32
      %add3A_103 = vector.broadcast %add3A_102 : i32 to vector<16xi32>
      %add3A_104 = arith.addi %add3A_103, %and3A_101 : vector<16xi32>
      %select_n3A_105 = arith.select %and3A_98, %sub3A_91, %add3A_104 : vector<16xi1>, vector<16xi32>
      %swap3A_106 = arith.index_cast %scan3A_65 : i32 to index
      %swap3A_107 = arith.constant 16 : index
      %swap3A_108 = tpu.vector_load %arg8[%swap3A_106, %swap3A_107] {strides = array<i32>} : memref<80x128xi32, #tpu.memory_space<vmem>>, vector<1x16xi32>,
      %swap3A_109 = vector.shape_cast %swap3A_108 : vector<1x16xi32> to vector<16xi32>
      %swap3A_110 = vector.shape_cast %select_n3A_105 : vector<16xi32> to vector<1x16xi32>
      tpu.vector_store %arg8[%swap3A_106, %swap3A_107], %swap3A_110 {strides = array<i32>} : memref<80x128xi32, #tpu.memory_space<vmem>>, vector<1x16xi32>,
      %get3A_111 = arith.index_cast %scan3A_65 : i32 to index
      %get3A_112 = arith.constant 32 : index
      %get3A_113 = tpu.vector_load %arg7[%get3A_111, %get3A_112] {strides = array<i32>} : memref<80x128xi32, #tpu.memory_space<vmem>>, vector<1x16xi32>,
      %get3A_114 = vector.shape_cast %get3A_113 : vector<1x16xi32> to vector<16xi32>
      %sub3A_115 = arith.constant 5120 : i32
      %sub3A_116 = vector.broadcast %sub3A_115 : i32 to vector<16xi32>
      %sub3A_117 = arith.subi %get3A_114, %sub3A_116 : vector<16xi32>
      %ge3A_118 = arith.constant 0 : i32
      %ge3A_119 = vector.broadcast %ge3A_118 : i32 to vector<16xi32>
      %ge3A_120 = arith.cmpi sge, %sub3A_117, %ge3A_119 : vector<16xi32>
      %lt3A_121 = arith.constant 5120 : i32
      %lt3A_122 = vector.broadcast %lt3A_121 : i32 to vector<16xi32>
      %lt3A_123 = arith.cmpi slt, %sub3A_117, %lt3A_122 : vector<16xi32>
      %and3A_124 = arith.andi %ge3A_120, %lt3A_123 : vector<16xi1>
      %and3A_125 = arith.constant 127 : i32
      %and3A_126 = vector.broadcast %and3A_125 : i32 to vector<16xi32>
      %and3A_127 = arith.andi %get3A_114, %and3A_126 : vector<16xi32>
      %add3A_128 = arith.constant 5120 : i32
      %add3A_129 = vector.broadcast %add3A_128 : i32 to vector<16xi32>
      %add3A_130 = arith.addi %add3A_129, %and3A_127 : vector<16xi32>
      %select_n3A_131 = arith.select %and3A_124, %sub3A_117, %add3A_130 : vector<16xi1>, vector<16xi32>
      %swap3A_132 = arith.index_cast %scan3A_65 : i32 to index
      %swap3A_133 = arith.constant 32 : index
      %swap3A_134 = tpu.vector_load %arg8[%swap3A_132, %swap3A_133] {strides = array<i32>} : memref<80x128xi32, #tpu.memory_space<vmem>>, vector<1x16xi32>,
      %swap3A_135 = vector.shape_cast %swap3A_134 : vector<1x16xi32> to vector<16xi32>
      %swap3A_136 = vector.shape_cast %select_n3A_131 : vector<16xi32> to vector<1x16xi32>
      tpu.vector_store %arg8[%swap3A_132, %swap3A_133], %swap3A_136 {strides = array<i32>} : memref<80x128xi32, #tpu.memory_space<vmem>>, vector<1x16xi32>,
      %get3A_137 = arith.index_cast %scan3A_65 : i32 to index
      %get3A_138 = arith.constant 48 : index
      %get3A_139 = tpu.vector_load %arg7[%get3A_137, %get3A_138] {strides = array<i32>} : memref<80x128xi32, #tpu.memory_space<vmem>>, vector<1x16xi32>,
      %get3A_140 = vector.shape_cast %get3A_139 : vector<1x16xi32> to vector<16xi32>
      %sub3A_141 = arith.constant 5120 : i32
      %sub3A_142 = vector.broadcast %sub3A_141 : i32 to vector<16xi32>
      %sub3A_143 = arith.subi %get3A_140, %sub3A_142 : vector<16xi32>
      %ge3A_144 = arith.constant 0 : i32
      %ge3A_145 = vector.broadcast %ge3A_144 : i32 to vector<16xi32>
      %ge3A_146 = arith.cmpi sge, %sub3A_143, %ge3A_145 : vector<16xi32>
      %lt3A_147 = arith.constant 5120 : i32
      %lt3A_148 = vector.broadcast %lt3A_147 : i32 to vector<16xi32>
      %lt3A_149 = arith.cmpi slt, %sub3A_143, %lt3A_148 : vector<16xi32>
      %and3A_150 = arith.andi %ge3A_146, %lt3A_149 : vector<16xi1>
      %and3A_151 = arith.constant 127 : i32
      %and3A_152 = vector.broadcast %and3A_151 : i32 to vector<16xi32>
      %and3A_153 = arith.andi %get3A_140, %and3A_152 : vector<16xi32>
      %add3A_154 = arith.constant 5120 : i32
      %add3A_155 = vector.broadcast %add3A_154 : i32 to vector<16xi32>
      %add3A_156 = arith.addi %add3A_155, %and3A_153 : vector<16xi32>
      %select_n3A_157 = arith.select %and3A_150, %sub3A_143, %add3A_156 : vector<16xi1>, vector<16xi32>
      %swap3A_158 = arith.index_cast %scan3A_65 : i32 to index
      %swap3A_159 = arith.constant 48 : index
      %swap3A_160 = tpu.vector_load %arg8[%swap3A_158, %swap3A_159] {strides = array<i32>} : memref<80x128xi32, #tpu.memory_space<vmem>>, vector<1x16xi32>,
      %swap3A_161 = vector.shape_cast %swap3A_160 : vector<1x16xi32> to vector<16xi32>
      %swap3A_162 = vector.shape_cast %select_n3A_157 : vector<16xi32> to vector<1x16xi32>
      tpu.vector_store %arg8[%swap3A_158, %swap3A_159], %swap3A_162 {strides = array<i32>} : memref<80x128xi32, #tpu.memory_space<vmem>>, vector<1x16xi32>,
      %get3A_163 = arith.index_cast %scan3A_65 : i32 to index
      %get3A_164 = arith.constant 64 : index
      %get3A_165 = tpu.vector_load %arg7[%get3A_163, %get3A_164] {strides = array<i32>} : memref<80x128xi32, #tpu.memory_space<vmem>>, vector<1x16xi32>,
      %get3A_166 = vector.shape_cast %get3A_165 : vector<1x16xi32> to vector<16xi32>
      %sub3A_167 = arith.constant 5120 : i32
      %sub3A_168 = vector.broadcast %sub3A_167 : i32 to vector<16xi32>
      %sub3A_169 = arith.subi %get3A_166, %sub3A_168 : vector<16xi32>
      %ge3A_170 = arith.constant 0 : i32
      %ge3A_171 = vector.broadcast %ge3A_170 : i32 to vector<16xi32>
      %ge3A_172 = arith.cmpi sge, %sub3A_169, %ge3A_171 : vector<16xi32>
      %lt3A_173 = arith.constant 5120 : i32
      %lt3A_174 = vector.broadcast %lt3A_173 : i32 to vector<16xi32>
      %lt3A_175 = arith.cmpi slt, %sub3A_169, %lt3A_174 : vector<16xi32>
      %and3A_176 = arith.andi %ge3A_172, %lt3A_175 : vector<16xi1>
      %and3A_177 = arith.constant 127 : i32
      %and3A_178 = vector.broadcast %and3A_177 : i32 to vector<16xi32>
      %and3A_179 = arith.andi %get3A_166, %and3A_178 : vector<16xi32>
      %add3A_180 = arith.constant 5120 : i32
      %add3A_181 = vector.broadcast %add3A_180 : i32 to vector<16xi32>
      %add3A_182 = arith.addi %add3A_181, %and3A_179 : vector<16xi32>
      %select_n3A_183 = arith.select %and3A_176, %sub3A_169, %add3A_182 : vector<16xi1>, vector<16xi32>
      %swap3A_184 = arith.index_cast %scan3A_65 : i32 to index
      %swap3A_185 = arith.constant 64 : index
      %swap3A_186 = tpu.vector_load %arg8[%swap3A_184, %swap3A_185] {strides = array<i32>} : memref<80x128xi32, #tpu.memory_space<vmem>>, vector<1x16xi32>,
      %swap3A_187 = vector.shape_cast %swap3A_186 : vector<1x16xi32> to vector<16xi32>
      %swap3A_188 = vector.shape_cast %select_n3A_183 : vector<16xi32> to vector<1x16xi32>
      tpu.vector_store %arg8[%swap3A_184, %swap3A_185], %swap3A_188 {strides = array<i32>} : memref<80x128xi32, #tpu.memory_space<vmem>>, vector<1x16xi32>,
      %get3A_189 = arith.index_cast %scan3A_65 : i32 to index
      %get3A_190 = arith.constant 80 : index
      %get3A_191 = tpu.vector_load %arg7[%get3A_189, %get3A_190] {strides = array<i32>} : memref<80x128xi32, #tpu.memory_space<vmem>>, vector<1x16xi32>,
      %get3A_192 = vector.shape_cast %get3A_191 : vector<1x16xi32> to vector<16xi32>
      %sub3A_193 = arith.constant 5120 : i32
      %sub3A_194 = vector.broadcast %sub3A_193 : i32 to vector<16xi32>
      %sub3A_195 = arith.subi %get3A_192, %sub3A_194 : vector<16xi32>
      %ge3A_196 = arith.constant 0 : i32
      %ge3A_197 = vector.broadcast %ge3A_196 : i32 to vector<16xi32>
      %ge3A_198 = arith.cmpi sge, %sub3A_195, %ge3A_197 : vector<16xi32>
      %lt3A_199 = arith.constant 5120 : i32
      %lt3A_200 = vector.broadcast %lt3A_199 : i32 to vector<16xi32>
      %lt3A_201 = arith.cmpi slt, %sub3A_195, %lt3A_200 : vector<16xi32>
      %and3A_202 = arith.andi %ge3A_198, %lt3A_201 : vector<16xi1>
      %and3A_203 = arith.constant 127 : i32
      %and3A_204 = vector.broadcast %and3A_203 : i32 to vector<16xi32>
      %and3A_205 = arith.andi %get3A_192, %and3A_204 : vector<16xi32>
      %add3A_206 = arith.constant 5120 : i32
      %add3A_207 = vector.broadcast %add3A_206 : i32 to vector<16xi32>
      %add3A_208 = arith.addi %add3A_207, %and3A_205 : vector<16xi32>
      %select_n3A_209 = arith.select %and3A_202, %sub3A_195, %add3A_208 : vector<16xi1>, vector<16xi32>
      %swap3A_210 = arith.index_cast %scan3A_65 : i32 to index
      %swap3A_211 = arith.constant 80 : index
      %swap3A_212 = tpu.vector_load %arg8[%swap3A_210, %swap3A_211] {strides = array<i32>} : memref<80x128xi32, #tpu.memory_space<vmem>>, vector<1x16xi32>,
      %swap3A_213 = vector.shape_cast %swap3A_212 : vector<1x16xi32> to vector<16xi32>
      %swap3A_214 = vector.shape_cast %select_n3A_209 : vector<16xi32> to vector<1x16xi32>
      tpu.vector_store %arg8[%swap3A_210, %swap3A_211], %swap3A_214 {strides = array<i32>} : memref<80x128xi32, #tpu.memory_space<vmem>>, vector<1x16xi32>,
      %get3A_215 = arith.index_cast %scan3A_65 : i32 to index
      %get3A_216 = arith.constant 96 : index
      %get3A_217 = tpu.vector_load %arg7[%get3A_215, %get3A_216] {strides = array<i32>} : memref<80x128xi32, #tpu.memory_space<vmem>>, vector<1x16xi32>,
      %get3A_218 = vector.shape_cast %get3A_217 : vector<1x16xi32> to vector<16xi32>
      %sub3A_219 = arith.constant 5120 : i32
      %sub3A_220 = vector.broadcast %sub3A_219 : i32 to vector<16xi32>
      %sub3A_221 = arith.subi %get3A_218, %sub3A_220 : vector<16xi32>
      %ge3A_222 = arith.constant 0 : i32
      %ge3A_223 = vector.broadcast %ge3A_222 : i32 to vector<16xi32>
      %ge3A_224 = arith.cmpi sge, %sub3A_221, %ge3A_223 : vector<16xi32>
      %lt3A_225 = arith.constant 5120 : i32
      %lt3A_226 = vector.broadcast %lt3A_225 : i32 to vector<16xi32>
      %lt3A_227 = arith.cmpi slt, %sub3A_221, %lt3A_226 : vector<16xi32>
      %and3A_228 = arith.andi %ge3A_224, %lt3A_227 : vector<16xi1>
      %and3A_229 = arith.constant 127 : i32
      %and3A_230 = vector.broadcast %and3A_229 : i32 to vector<16xi32>
      %and3A_231 = arith.andi %get3A_218, %and3A_230 : vector<16xi32>
      %add3A_232 = arith.constant 5120 : i32
      %add3A_233 = vector.broadcast %add3A_232 : i32 to vector<16xi32>
      %add3A_234 = arith.addi %add3A_233, %and3A_231 : vector<16xi32>
      %select_n3A_235 = arith.select %and3A_228, %sub3A_221, %add3A_234 : vector<16xi1>, vector<16xi32>
      %swap3A_236 = arith.index_cast %scan3A_65 : i32 to index
      %swap3A_237 = arith.constant 96 : index
      %swap3A_238 = tpu.vector_load %arg8[%swap3A_236, %swap3A_237] {strides = array<i32>} : memref<80x128xi32, #tpu.memory_space<vmem>>, vector<1x16xi32>,
      %swap3A_239 = vector.shape_cast %swap3A_238 : vector<1x16xi32> to vector<16xi32>
      %swap3A_240 = vector.shape_cast %select_n3A_235 : vector<16xi32> to vector<1x16xi32>
      tpu.vector_store %arg8[%swap3A_236, %swap3A_237], %swap3A_240 {strides = array<i32>} : memref<80x128xi32, #tpu.memory_space<vmem>>, vector<1x16xi32>,
      %get3A_241 = arith.index_cast %scan3A_65 : i32 to index
      %get3A_242 = arith.constant 112 : index
      %get3A_243 = tpu.vector_load %arg7[%get3A_241, %get3A_242] {strides = array<i32>} : memref<80x128xi32, #tpu.memory_space<vmem>>, vector<1x16xi32>,
      %get3A_244 = vector.shape_cast %get3A_243 : vector<1x16xi32> to vector<16xi32>
      %sub3A_245 = arith.constant 5120 : i32
      %sub3A_246 = vector.broadcast %sub3A_245 : i32 to vector<16xi32>
      %sub3A_247 = arith.subi %get3A_244, %sub3A_246 : vector<16xi32>
      %ge3A_248 = arith.constant 0 : i32
      %ge3A_249 = vector.broadcast %ge3A_248 : i32 to vector<16xi32>
      %ge3A_250 = arith.cmpi sge, %sub3A_247, %ge3A_249 : vector<16xi32>
      %lt3A_251 = arith.constant 5120 : i32
      %lt3A_252 = vector.broadcast %lt3A_251 : i32 to vector<16xi32>
      %lt3A_253 = arith.cmpi slt, %sub3A_247, %lt3A_252 : vector<16xi32>
      %and3A_254 = arith.andi %ge3A_250, %lt3A_253 : vector<16xi1>
      %and3A_255 = arith.constant 127 : i32
      %and3A_256 = vector.broadcast %and3A_255 : i32 to vector<16xi32>
      %and3A_257 = arith.andi %get3A_244, %and3A_256 : vector<16xi32>
      %add3A_258 = arith.constant 5120 : i32
      %add3A_259 = vector.broadcast %add3A_258 : i32 to vector<16xi32>
      %add3A_260 = arith.addi %add3A_259, %and3A_257 : vector<16xi32>
      %select_n3A_261 = arith.select %and3A_254, %sub3A_247, %add3A_260 : vector<16xi1>, vector<16xi32>
      %swap3A_262 = arith.index_cast %scan3A_65 : i32 to index
      %swap3A_263 = arith.constant 112 : index
      %swap3A_264 = tpu.vector_load %arg8[%swap3A_262, %swap3A_263] {strides = array<i32>} : memref<80x128xi32, #tpu.memory_space<vmem>>, vector<1x16xi32>,
      %swap3A_265 = vector.shape_cast %swap3A_264 : vector<1x16xi32> to vector<16xi32>
      %swap3A_266 = vector.shape_cast %select_n3A_261 : vector<16xi32> to vector<1x16xi32>
      tpu.vector_store %arg8[%swap3A_262, %swap3A_263], %swap3A_266 {strides = array<i32>} : memref<80x128xi32, #tpu.memory_space<vmem>>, vector<1x16xi32>,
    }
    %scan3A_35 = arith.constant 80 : i32
    %broadcast_in_dim3A_36 = arith.constant 0.000000e+00 : f32
    %broadcast_in_dim3A_37 = vector.broadcast %broadcast_in_dim3A_36 : f32 to vector<16xf32>
    %scan3A_38 = arith.constant 0 : i32
    %scan3A_39 = arith.constant 0 : i32
    %scan3A_40 = arith.constant 128 : i32
    %scan3A_41 = arith.addi %scan3A_39, %scan3A_40 : i32
    %scan3A_42 = arith.constant 1 : i32
    scf.for %scan3A_65 = %scan3A_39 to %scan3A_41 step %scan3A_42  : i32 {
      %swap3A = arith.index_cast %scan3A_65 : i32 to index
      %swap3A_66 = arith.constant 0 : index
      %swap3A_67 = tpu.vector_load %arg9[%swap3A, %swap3A_66] {strides = array<i32>} : memref<128x128xf32, #tpu.memory_space<vmem>>, vector<1x16xf32>,
      %swap3A_68 = vector.shape_cast %swap3A_67 : vector<1x16xf32> to vector<16xf32>
      %swap3A_69 = vector.shape_cast %broadcast_in_dim3A_37 : vector<16xf32> to vector<1x16xf32>
      tpu.vector_store %arg9[%swap3A, %swap3A_66], %swap3A_69 {strides = array<i32>} : memref<128x128xf32, #tpu.memory_space<vmem>>, vector<1x16xf32>,
      %swap3A_70 = arith.index_cast %scan3A_65 : i32 to index
      %swap3A_71 = arith.constant 16 : index
      %swap3A_72 = tpu.vector_load %arg9[%swap3A_70, %swap3A_71] {strides = array<i32>} : memref<128x128xf32, #tpu.memory_space<vmem>>, vector<1x16xf32>,
      %swap3A_73 = vector.shape_cast %swap3A_72 : vector<1x16xf32> to vector<16xf32>
      %swap3A_74 = vector.shape_cast %broadcast_in_dim3A_37 : vector<16xf32> to vector<1x16xf32>
      tpu.vector_store %arg9[%swap3A_70, %swap3A_71], %swap3A_74 {strides = array<i32>} : memref<128x128xf32, #tpu.memory_space<vmem>>, vector<1x16xf32>,
      %swap3A_75 = arith.index_cast %scan3A_65 : i32 to index
      %swap3A_76 = arith.constant 32 : index
      %swap3A_77 = tpu.vector_load %arg9[%swap3A_75, %swap3A_76] {strides = array<i32>} : memref<128x128xf32, #tpu.memory_space<vmem>>, vector<1x16xf32>,
      %swap3A_78 = vector.shape_cast %swap3A_77 : vector<1x16xf32> to vector<16xf32>
      %swap3A_79 = vector.shape_cast %broadcast_in_dim3A_37 : vector<16xf32> to vector<1x16xf32>
      tpu.vector_store %arg9[%swap3A_75, %swap3A_76], %swap3A_79 {strides = array<i32>} : memref<128x128xf32, #tpu.memory_space<vmem>>, vector<1x16xf32>,
      %swap3A_80 = arith.index_cast %scan3A_65 : i32 to index
      %swap3A_81 = arith.constant 48 : index
      %swap3A_82 = tpu.vector_load %arg9[%swap3A_80, %swap3A_81] {strides = array<i32>} : memref<128x128xf32, #tpu.memory_space<vmem>>, vector<1x16xf32>,
      %swap3A_83 = vector.shape_cast %swap3A_82 : vector<1x16xf32> to vector<16xf32>
      %swap3A_84 = vector.shape_cast %broadcast_in_dim3A_37 : vector<16xf32> to vector<1x16xf32>
      tpu.vector_store %arg9[%swap3A_80, %swap3A_81], %swap3A_84 {strides = array<i32>} : memref<128x128xf32, #tpu.memory_space<vmem>>, vector<1x16xf32>,
      %swap3A_85 = arith.index_cast %scan3A_65 : i32 to index
      %swap3A_86 = arith.constant 64 : index
      %swap3A_87 = tpu.vector_load %arg9[%swap3A_85, %swap3A_86] {strides = array<i32>} : memref<128x128xf32, #tpu.memory_space<vmem>>, vector<1x16xf32>,
      %swap3A_88 = vector.shape_cast %swap3A_87 : vector<1x16xf32> to vector<16xf32>
      %swap3A_89 = vector.shape_cast %broadcast_in_dim3A_37 : vector<16xf32> to vector<1x16xf32>
      tpu.vector_store %arg9[%swap3A_85, %swap3A_86], %swap3A_89 {strides = array<i32>} : memref<128x128xf32, #tpu.memory_space<vmem>>, vector<1x16xf32>,
      %swap3A_90 = arith.index_cast %scan3A_65 : i32 to index
      %swap3A_91 = arith.constant 80 : index
      %swap3A_92 = tpu.vector_load %arg9[%swap3A_90, %swap3A_91] {strides = array<i32>} : memref<128x128xf32, #tpu.memory_space<vmem>>, vector<1x16xf32>,
      %swap3A_93 = vector.shape_cast %swap3A_92 : vector<1x16xf32> to vector<16xf32>
      %swap3A_94 = vector.shape_cast %broadcast_in_dim3A_37 : vector<16xf32> to vector<1x16xf32>
      tpu.vector_store %arg9[%swap3A_90, %swap3A_91], %swap3A_94 {strides = array<i32>} : memref<128x128xf32, #tpu.memory_space<vmem>>, vector<1x16xf32>,
      %swap3A_95 = arith.index_cast %scan3A_65 : i32 to index
      %swap3A_96 = arith.constant 96 : index
      %swap3A_97 = tpu.vector_load %arg9[%swap3A_95, %swap3A_96] {strides = array<i32>} : memref<128x128xf32, #tpu.memory_space<vmem>>, vector<1x16xf32>,
      %swap3A_98 = vector.shape_cast %swap3A_97 : vector<1x16xf32> to vector<16xf32>
      %swap3A_99 = vector.shape_cast %broadcast_in_dim3A_37 : vector<16xf32> to vector<1x16xf32>
      tpu.vector_store %arg9[%swap3A_95, %swap3A_96], %swap3A_99 {strides = array<i32>} : memref<128x128xf32, #tpu.memory_space<vmem>>, vector<1x16xf32>,
      %swap3A_100 = arith.index_cast %scan3A_65 : i32 to index
      %swap3A_101 = arith.constant 112 : index
      %swap3A_102 = tpu.vector_load %arg9[%swap3A_100, %swap3A_101] {strides = array<i32>} : memref<128x128xf32, #tpu.memory_space<vmem>>, vector<1x16xf32>,
      %swap3A_103 = vector.shape_cast %swap3A_102 : vector<1x16xf32> to vector<16xf32>
      %swap3A_104 = vector.shape_cast %broadcast_in_dim3A_37 : vector<16xf32> to vector<1x16xf32>
      tpu.vector_store %arg9[%swap3A_100, %swap3A_101], %swap3A_104 {strides = array<i32>} : memref<128x128xf32, #tpu.memory_space<vmem>>, vector<1x16xf32>,
    }
    %scan3A_43 = arith.constant 128 : i32
    "tpu.region"() ({
      %run_scoped3A_65 = tpu.sem_alloc : memref<!tpu.dma_semaphore, #tpu.memory_space<semaphore_mem>>
      %dma_start3A_66 = arith.constant 0 : i32
      %dma_start3A_67 = tpu.memref_slice %arg13[%mul3A_0, %dma_start3A_66] : memref<5248x128xf32, #tpu.memory_space<vmem_shared>> -> memref<128x128xf32, #tpu.memory_space<vmem_shared>>
      %dma_start3A_68 = arith.constant 0 : i32
      %dma_start3A_69 = tpu.memref_slice %arg13[%mul3A_0, %dma_start3A_68] : memref<5248x128xf32, #tpu.memory_space<vmem_shared>> -> memref<128x128xf32, #tpu.memory_space<vmem_shared>>
      tpu.enqueue_dma source(%arg9 : memref<128x128xf32, #tpu.memory_space<vmem>>) target(%dma_start3A_69 : memref<128x128xf32, #tpu.memory_space<vmem_shared>>) target_semaphore(%run_scoped3A_65 : memref<!tpu.dma_semaphore, #tpu.memory_space<semaphore_mem>>)
      %dma_wait3A = arith.constant 0 : i32
      %dma_wait3A_70 = tpu.memref_slice %arg13[%mul3A_0, %dma_wait3A] : memref<5248x128xf32, #tpu.memory_space<vmem_shared>> -> memref<128x128xf32, #tpu.memory_space<vmem_shared>>
      %dma_wait3A_71 = arith.constant 0 : i32
      %dma_wait3A_72 = tpu.memref_slice %arg13[%mul3A_0, %dma_wait3A_71] : memref<5248x128xf32, #tpu.memory_space<vmem_shared>> -> memref<128x128xf32, #tpu.memory_space<vmem_shared>>
      tpu.wait_dma2 semaphore(%run_scoped3A_65 : memref<!tpu.dma_semaphore, #tpu.memory_space<semaphore_mem>>) src(%arg9 : memref<128x128xf32, #tpu.memory_space<vmem>>) dst(%dma_wait3A_72 : memref<128x128xf32, #tpu.memory_space<vmem_shared>>)
      tpu.yield
    }) : () -> ()
    %add3A_44 = arith.constant 128 : i32
    %add3A_45 = arith.addi %mul3A_0, %add3A_44 : i32
    "tpu.region"() ({
      %run_scoped3A_65 = tpu.sem_alloc : memref<!tpu.dma_semaphore, #tpu.memory_space<semaphore_mem>>
      %dma_start3A_66 = arith.constant 0 : i32
      %dma_start3A_67 = tpu.memref_slice %arg13[%add3A_45, %dma_start3A_66] : memref<5248x128xf32, #tpu.memory_space<vmem_shared>> -> memref<128x128xf32, #tpu.memory_space<vmem_shared>>
      %dma_start3A_68 = arith.constant 0 : i32
      %dma_start3A_69 = tpu.memref_slice %arg13[%add3A_45, %dma_start3A_68] : memref<5248x128xf32, #tpu.memory_space<vmem_shared>> -> memref<128x128xf32, #tpu.memory_space<vmem_shared>>
      tpu.enqueue_dma source(%arg9 : memref<128x128xf32, #tpu.memory_space<vmem>>) target(%dma_start3A_69 : memref<128x128xf32, #tpu.memory_space<vmem_shared>>) target_semaphore(%run_scoped3A_65 : memref<!tpu.dma_semaphore, #tpu.memory_space<semaphore_mem>>)
      %dma_wait3A = arith.constant 0 : i32
      %dma_wait3A_70 = tpu.memref_slice %arg13[%add3A_45, %dma_wait3A] : memref<5248x128xf32, #tpu.memory_space<vmem_shared>> -> memref<128x128xf32, #tpu.memory_space<vmem_shared>>
      %dma_wait3A_71 = arith.constant 0 : i32
      %dma_wait3A_72 = tpu.memref_slice %arg13[%add3A_45, %dma_wait3A_71] : memref<5248x128xf32, #tpu.memory_space<vmem_shared>> -> memref<128x128xf32, #tpu.memory_space<vmem_shared>>
      tpu.wait_dma2 semaphore(%run_scoped3A_65 : memref<!tpu.dma_semaphore, #tpu.memory_space<semaphore_mem>>) src(%arg9 : memref<128x128xf32, #tpu.memory_space<vmem>>) dst(%dma_wait3A_72 : memref<128x128xf32, #tpu.memory_space<vmem_shared>>)
      tpu.yield
    }) : () -> ()
    %add3A_46 = arith.constant 256 : i32
    %add3A_47 = arith.addi %mul3A_0, %add3A_46 : i32
    "tpu.region"() ({
      %run_scoped3A_65 = tpu.sem_alloc : memref<!tpu.dma_semaphore, #tpu.memory_space<semaphore_mem>>
      %dma_start3A_66 = arith.constant 0 : i32
      %dma_start3A_67 = arith.constant 0 : i32
      %dma_start3A_68 = tpu.memref_slice %arg9[%dma_start3A_66, %dma_start3A_67] : memref<128x128xf32, #tpu.memory_space<vmem>> -> memref<72x128xf32, #tpu.memory_space<vmem>>
      %dma_start3A_69 = arith.constant 0 : i32
      %dma_start3A_70 = tpu.memref_slice %arg13[%add3A_47, %dma_start3A_69] : memref<5248x128xf32, #tpu.memory_space<vmem_shared>> -> memref<72x128xf32, #tpu.memory_space<vmem_shared>>
      %dma_start3A_71 = arith.constant 0 : i32
      %dma_start3A_72 = tpu.memref_slice %arg13[%add3A_47, %dma_start3A_71] : memref<5248x128xf32, #tpu.memory_space<vmem_shared>> -> memref<72x128xf32, #tpu.memory_space<vmem_shared>>
      %dma_start3A_73 = arith.constant 0 : i32
      %dma_start3A_74 = arith.constant 0 : i32
      %dma_start3A_75 = tpu.memref_slice %arg9[%dma_start3A_73, %dma_start3A_74] : memref<128x128xf32, #tpu.memory_space<vmem>> -> memref<72x128xf32, #tpu.memory_space<vmem>>
      tpu.enqueue_dma source(%dma_start3A_75 : memref<72x128xf32, #tpu.memory_space<vmem>>) target(%dma_start3A_72 : memref<72x128xf32, #tpu.memory_space<vmem_shared>>) target_semaphore(%run_scoped3A_65 : memref<!tpu.dma_semaphore, #tpu.memory_space<semaphore_mem>>)
      %dma_wait3A = arith.constant 0 : i32
      %dma_wait3A_76 = arith.constant 0 : i32
      %dma_wait3A_77 = tpu.memref_slice %arg9[%dma_wait3A, %dma_wait3A_76] : memref<128x128xf32, #tpu.memory_space<vmem>> -> memref<72x128xf32, #tpu.memory_space<vmem>>
      %dma_wait3A_78 = arith.constant 0 : i32
      %dma_wait3A_79 = tpu.memref_slice %arg13[%add3A_47, %dma_wait3A_78] : memref<5248x128xf32, #tpu.memory_space<vmem_shared>> -> memref<72x128xf32, #tpu.memory_space<vmem_shared>>
      %dma_wait3A_80 = arith.constant 0 : i32
      %dma_wait3A_81 = tpu.memref_slice %arg13[%add3A_47, %dma_wait3A_80] : memref<5248x128xf32, #tpu.memory_space<vmem_shared>> -> memref<72x128xf32, #tpu.memory_space<vmem_shared>>
      %dma_wait3A_82 = arith.constant 0 : i32
      %dma_wait3A_83 = arith.constant 0 : i32
      %dma_wait3A_84 = tpu.memref_slice %arg9[%dma_wait3A_82, %dma_wait3A_83] : memref<128x128xf32, #tpu.memory_space<vmem>> -> memref<72x128xf32, #tpu.memory_space<vmem>>
      tpu.wait_dma2 semaphore(%run_scoped3A_65 : memref<!tpu.dma_semaphore, #tpu.memory_space<semaphore_mem>>) src(%dma_wait3A_84 : memref<72x128xf32, #tpu.memory_space<vmem>>) dst(%dma_wait3A_81 : memref<72x128xf32, #tpu.memory_space<vmem_shared>>)
      tpu.yield
    }) : () -> ()
    %barrier3A_48 = arith.constant 0 : index
    tpu.barrier barrier_id(%barrier3A_48)
    %dma_start3A_49 = arith.constant 0 : i32
    %dma_start3A_50 = arith.constant 0 : i32
    %dma_start3A_51 = tpu.memref_slice %arg6[%dma_start3A_49, %dma_start3A_50] : memref<80x128xi32, #tpu.memory_space<vmem>> -> memref<1x128xi32, #tpu.memory_space<vmem>>
    %dma_start3A_52 = tpu.memref_squeeze %dma_start3A_51 : memref<1x128xi32, #tpu.memory_space<vmem>> -> memref<128xi32, #tpu.memory_space<vmem>>
    %dma_start3A_53 = arith.constant 0 : i32
    %dma_start3A_54 = arith.constant 0 : i32
    %dma_start3A_55 = tpu.memref_slice %arg2[%dma_start3A_53, %dma_start3A_54] : memref<20000x128xf32, #tpu.memory_space<hbm>> -> memref<20000x128xf32, #tpu.memory_space<hbm>>
    tpu.enqueue_indirect_dma source(%dma_start3A_55 : memref<20000x128xf32, #tpu.memory_space<hbm>>) target(%arg9 : memref<128x128xf32, #tpu.memory_space<vmem>>) offsets(%dma_start3A_52 : memref<128xi32, #tpu.memory_space<vmem>>) semaphore(%arg11 : memref<!tpu.dma_semaphore, #tpu.memory_space<semaphore_mem>>)
    %scan3A_56 = arith.constant 0 : i32
    %scan3A_57 = arith.constant 0 : i32
    %scan3A_58 = arith.constant 40 : i32
    %scan3A_59 = arith.addi %scan3A_57, %scan3A_58 : i32
    %scan3A_60 = arith.constant 1 : i32
    scf.for %scan3A_65 = %scan3A_57 to %scan3A_59 step %scan3A_60  : i32 {
      %mul3A_66 = arith.constant 2 : i32
      %mul3A_67 = arith.muli %mul3A_66, %scan3A_65 : i32
      %add3A_68 = arith.constant 1 : i32
      %add3A_69 = arith.addi %mul3A_67, %add3A_68 : i32
      %dma_start3A_70 = arith.constant 0 : i32
      %dma_start3A_71 = tpu.memref_slice %arg6[%add3A_69, %dma_start3A_70] : memref<80x128xi32, #tpu.memory_space<vmem>> -> memref<1x128xi32, #tpu.memory_space<vmem>>
      %dma_start3A_72 = tpu.memref_squeeze %dma_start3A_71 : memref<1x128xi32, #tpu.memory_space<vmem>> -> memref<128xi32, #tpu.memory_space<vmem>>
      %dma_start3A_73 = arith.constant 0 : i32
      %dma_start3A_74 = arith.constant 0 : i32
      %dma_start3A_75 = tpu.memref_slice %arg2[%dma_start3A_73, %dma_start3A_74] : memref<20000x128xf32, #tpu.memory_space<hbm>> -> memref<20000x128xf32, #tpu.memory_space<hbm>>
      tpu.enqueue_indirect_dma source(%dma_start3A_75 : memref<20000x128xf32, #tpu.memory_space<hbm>>) target(%arg10 : memref<128x128xf32, #tpu.memory_space<vmem>>) offsets(%dma_start3A_72 : memref<128xi32, #tpu.memory_space<vmem>>) semaphore(%arg12 : memref<!tpu.dma_semaphore, #tpu.memory_space<semaphore_mem>>)
      %dma_wait3A = arith.constant 0 : i32
      %dma_wait3A_76 = tpu.memref_slice %arg6[%mul3A_67, %dma_wait3A] : memref<80x128xi32, #tpu.memory_space<vmem>> -> memref<1x128xi32, #tpu.memory_space<vmem>>
      %dma_wait3A_77 = tpu.memref_squeeze %dma_wait3A_76 : memref<1x128xi32, #tpu.memory_space<vmem>> -> memref<128xi32, #tpu.memory_space<vmem>>
      %dma_wait3A_78 = arith.constant 0 : i32
      %dma_wait3A_79 = arith.constant 0 : i32
      %dma_wait3A_80 = tpu.memref_slice %arg2[%dma_wait3A_78, %dma_wait3A_79] : memref<20000x128xf32, #tpu.memory_space<hbm>> -> memref<20000x128xf32, #tpu.memory_space<hbm>>
      tpu.wait_indirect_dma semaphore(%arg11 : memref<!tpu.dma_semaphore, #tpu.memory_space<semaphore_mem>>) src(%dma_wait3A_80 : memref<20000x128xf32, #tpu.memory_space<hbm>>) dst(%arg9 : memref<128x128xf32, #tpu.memory_space<vmem>>)
      "tpu.region"() ({
        %run_scoped3A_91 = tpu.sem_alloc : memref<!tpu.dma_semaphore, #tpu.memory_space<semaphore_mem>>
        %dma_start3A_92 = arith.constant 0 : i32
        %dma_start3A_93 = tpu.memref_slice %arg8[%mul3A_67, %dma_start3A_92] : memref<80x128xi32, #tpu.memory_space<vmem>> -> memref<1x128xi32, #tpu.memory_space<vmem>>
        %dma_start3A_94 = tpu.memref_squeeze %dma_start3A_93 : memref<1x128xi32, #tpu.memory_space<vmem>> -> memref<128xi32, #tpu.memory_space<vmem>>
        %dma_start3A_95 = arith.constant 0 : i32
        %dma_start3A_96 = arith.constant 0 : i32
        %dma_start3A_97 = tpu.memref_slice %arg13[%dma_start3A_95, %dma_start3A_96] : memref<5248x128xf32, #tpu.memory_space<vmem_shared>> -> memref<5248x128xf32, #tpu.memory_space<vmem_shared>>
        tpu.enqueue_indirect_dma source(%arg9 : memref<128x128xf32, #tpu.memory_space<vmem>>) target(%dma_start3A_97 : memref<5248x128xf32, #tpu.memory_space<vmem_shared>>) offsets(%dma_start3A_94 : memref<128xi32, #tpu.memory_space<vmem>>) semaphore(%run_scoped3A_91 : memref<!tpu.dma_semaphore, #tpu.memory_space<semaphore_mem>>) {add = true}
        %dma_wait3A_98 = arith.constant 0 : i32
        %dma_wait3A_99 = tpu.memref_slice %arg8[%mul3A_67, %dma_wait3A_98] : memref<80x128xi32, #tpu.memory_space<vmem>> -> memref<1x128xi32, #tpu.memory_space<vmem>>
        %dma_wait3A_100 = tpu.memref_squeeze %dma_wait3A_99 : memref<1x128xi32, #tpu.memory_space<vmem>> -> memref<128xi32, #tpu.memory_space<vmem>>
        %dma_wait3A_101 = arith.constant 0 : i32
        %dma_wait3A_102 = arith.constant 0 : i32
        %dma_wait3A_103 = tpu.memref_slice %arg13[%dma_wait3A_101, %dma_wait3A_102] : memref<5248x128xf32, #tpu.memory_space<vmem_shared>> -> memref<5248x128xf32, #tpu.memory_space<vmem_shared>>
        tpu.wait_indirect_dma semaphore(%run_scoped3A_91 : memref<!tpu.dma_semaphore, #tpu.memory_space<semaphore_mem>>) src(%arg9 : memref<128x128xf32, #tpu.memory_space<vmem>>) dst(%dma_wait3A_103 : memref<5248x128xf32, #tpu.memory_space<vmem_shared>>)
        tpu.yield
      }) : () -> ()
      %add3A_81 = arith.constant 2 : i32
      %add3A_82 = arith.addi %mul3A_67, %add3A_81 : i32
      %lt3A = arith.constant 80 : i32
      %lt3A_83 = arith.cmpi slt, %add3A_82, %lt3A : i32
      %convert_element_type3A = arith.extui %lt3A_83 : i1 to i32
      %cond3A = arith.constant 0 : i32
      %cond3A_84 = arith.cmpi ne, %convert_element_type3A, %cond3A : i32
      scf.if %cond3A_84 {
        %add3A_91 = arith.constant 2 : i32
        %add3A_92 = arith.addi %mul3A_67, %add3A_91 : i32
        %dma_start3A_93 = arith.constant 0 : i32
        %dma_start3A_94 = tpu.memref_slice %arg6[%add3A_92, %dma_start3A_93] : memref<80x128xi32, #tpu.memory_space<vmem>> -> memref<1x128xi32, #tpu.memory_space<vmem>>
        %dma_start3A_95 = tpu.memref_squeeze %dma_start3A_94 : memref<1x128xi32, #tpu.memory_space<vmem>> -> memref<128xi32, #tpu.memory_space<vmem>>
        %dma_start3A_96 = arith.constant 0 : i32
        %dma_start3A_97 = arith.constant 0 : i32
        %dma_start3A_98 = tpu.memref_slice %arg2[%dma_start3A_96, %dma_start3A_97] : memref<20000x128xf32, #tpu.memory_space<hbm>> -> memref<20000x128xf32, #tpu.memory_space<hbm>>
        tpu.enqueue_indirect_dma source(%dma_start3A_98 : memref<20000x128xf32, #tpu.memory_space<hbm>>) target(%arg9 : memref<128x128xf32, #tpu.memory_space<vmem>>) offsets(%dma_start3A_95 : memref<128xi32, #tpu.memory_space<vmem>>) semaphore(%arg11 : memref<!tpu.dma_semaphore, #tpu.memory_space<semaphore_mem>>)
      } else {
      }
      %dma_wait3A_85 = arith.constant 0 : i32
      %dma_wait3A_86 = tpu.memref_slice %arg6[%add3A_69, %dma_wait3A_85] : memref<80x128xi32, #tpu.memory_space<vmem>> -> memref<1x128xi32, #tpu.memory_space<vmem>>
      %dma_wait3A_87 = tpu.memref_squeeze %dma_wait3A_86 : memref<1x128xi32, #tpu.memory_space<vmem>> -> memref<128xi32, #tpu.memory_space<vmem>>
      %dma_wait3A_88 = arith.constant 0 : i32
      %dma_wait3A_89 = arith.constant 0 : i32
      %dma_wait3A_90 = tpu.memref_slice %arg2[%dma_wait3A_88, %dma_wait3A_89] : memref<20000x128xf32, #tpu.memory_space<hbm>> -> memref<20000x128xf32, #tpu.memory_space<hbm>>
      tpu.wait_indirect_dma semaphore(%arg12 : memref<!tpu.dma_semaphore, #tpu.memory_space<semaphore_mem>>) src(%dma_wait3A_90 : memref<20000x128xf32, #tpu.memory_space<hbm>>) dst(%arg10 : memref<128x128xf32, #tpu.memory_space<vmem>>)
      "tpu.region"() ({
        %run_scoped3A_91 = tpu.sem_alloc : memref<!tpu.dma_semaphore, #tpu.memory_space<semaphore_mem>>
        %dma_start3A_92 = arith.constant 0 : i32
        %dma_start3A_93 = tpu.memref_slice %arg8[%add3A_69, %dma_start3A_92] : memref<80x128xi32, #tpu.memory_space<vmem>> -> memref<1x128xi32, #tpu.memory_space<vmem>>
        %dma_start3A_94 = tpu.memref_squeeze %dma_start3A_93 : memref<1x128xi32, #tpu.memory_space<vmem>> -> memref<128xi32, #tpu.memory_space<vmem>>
        %dma_start3A_95 = arith.constant 0 : i32
        %dma_start3A_96 = arith.constant 0 : i32
        %dma_start3A_97 = tpu.memref_slice %arg13[%dma_start3A_95, %dma_start3A_96] : memref<5248x128xf32, #tpu.memory_space<vmem_shared>> -> memref<5248x128xf32, #tpu.memory_space<vmem_shared>>
        tpu.enqueue_indirect_dma source(%arg10 : memref<128x128xf32, #tpu.memory_space<vmem>>) target(%dma_start3A_97 : memref<5248x128xf32, #tpu.memory_space<vmem_shared>>) offsets(%dma_start3A_94 : memref<128xi32, #tpu.memory_space<vmem>>) semaphore(%run_scoped3A_91 : memref<!tpu.dma_semaphore, #tpu.memory_space<semaphore_mem>>) {add = true}
        %dma_wait3A_98 = arith.constant 0 : i32
        %dma_wait3A_99 = tpu.memref_slice %arg8[%add3A_69, %dma_wait3A_98] : memref<80x128xi32, #tpu.memory_space<vmem>> -> memref<1x128xi32, #tpu.memory_space<vmem>>
        %dma_wait3A_100 = tpu.memref_squeeze %dma_wait3A_99 : memref<1x128xi32, #tpu.memory_space<vmem>> -> memref<128xi32, #tpu.memory_space<vmem>>
        %dma_wait3A_101 = arith.constant 0 : i32
        %dma_wait3A_102 = arith.constant 0 : i32
        %dma_wait3A_103 = tpu.memref_slice %arg13[%dma_wait3A_101, %dma_wait3A_102] : memref<5248x128xf32, #tpu.memory_space<vmem_shared>> -> memref<5248x128xf32, #tpu.memory_space<vmem_shared>>
        tpu.wait_indirect_dma semaphore(%run_scoped3A_91 : memref<!tpu.dma_semaphore, #tpu.memory_space<semaphore_mem>>) src(%arg10 : memref<128x128xf32, #tpu.memory_space<vmem>>) dst(%dma_wait3A_103 : memref<5248x128xf32, #tpu.memory_space<vmem_shared>>)
        tpu.yield
      }) : () -> ()
    }
    %scan3A_61 = arith.constant 40 : i32
    %barrier3A_62 = arith.constant 0 : index
    tpu.barrier barrier_id(%barrier3A_62)
    %run_scoped3A_63 = arith.constant 1 : i32
    "tpu.region"() ({
      %run_scoped3A_65 = tpu.sem_alloc : memref<!tpu.dma_semaphore, #tpu.memory_space<semaphore_mem>>
      %dma_start3A_66 = arith.constant 0 : i32
      %dma_start3A_67 = tpu.memref_slice %arg5[%arg0, %run_scoped3A_63, %mul3A_0, %dma_start3A_66] : memref<2x2x5248x128xf32, #tpu.memory_space<hbm>> -> memref<1x1x328x128xf32, #tpu.memory_space<hbm>>
      %dma_start3A_68 = tpu.memref_squeeze %dma_start3A_67 : memref<1x1x328x128xf32, #tpu.memory_space<hbm>> -> memref<328x128xf32, #tpu.memory_space<hbm>>
      %dma_start3A_69 = arith.constant 0 : i32
      %dma_start3A_70 = tpu.memref_slice %arg13[%mul3A_0, %dma_start3A_69] : memref<5248x128xf32, #tpu.memory_space<vmem_shared>> -> memref<328x128xf32, #tpu.memory_space<vmem_shared>>
      tpu.enqueue_dma source(%dma_start3A_70 : memref<328x128xf32, #tpu.memory_space<vmem_shared>>) target(%dma_start3A_68 : memref<328x128xf32, #tpu.memory_space<hbm>>) target_semaphore(%run_scoped3A_65 : memref<!tpu.dma_semaphore, #tpu.memory_space<semaphore_mem>>)
      %dma_wait3A = arith.constant 0 : i32
      %dma_wait3A_71 = tpu.memref_slice %arg5[%arg0, %run_scoped3A_63, %mul3A_0, %dma_wait3A] : memref<2x2x5248x128xf32, #tpu.memory_space<hbm>> -> memref<1x1x328x128xf32, #tpu.memory_space<hbm>>
      %dma_wait3A_72 = tpu.memref_squeeze %dma_wait3A_71 : memref<1x1x328x128xf32, #tpu.memory_space<hbm>> -> memref<328x128xf32, #tpu.memory_space<hbm>>
      %dma_wait3A_73 = arith.constant 0 : i32
      %dma_wait3A_74 = tpu.memref_slice %arg13[%mul3A_0, %dma_wait3A_73] : memref<5248x128xf32, #tpu.memory_space<vmem_shared>> -> memref<328x128xf32, #tpu.memory_space<vmem_shared>>
      tpu.wait_dma2 semaphore(%run_scoped3A_65 : memref<!tpu.dma_semaphore, #tpu.memory_space<semaphore_mem>>) src(%dma_wait3A_74 : memref<328x128xf32, #tpu.memory_space<vmem_shared>>) dst(%dma_wait3A_72 : memref<328x128xf32, #tpu.memory_space<hbm>>)
      tpu.yield
    }) : () -> ()
    %barrier3A_64 = arith.constant 0 : index
    tpu.barrier barrier_id(%barrier3A_64)
    return
  }
}

#map = affine_map<(d0, d1) -> (0, 0)>
#map1 = affine_map<(d0, d1) -> (0, 0, 0, 0)>
module attributes {stable_mosaic.version = 14 : i64} {
  func.func @_prop_body(%arg0: i32, %arg1: i32, %arg2: memref<10000x128xf32, #tpu.memory_space<hbm>>, %arg3: memref<2x16x80x128xi32, #tpu.memory_space<hbm>>, %arg4: memref<2x16x80x128xi32, #tpu.memory_space<hbm>>, %arg5: memref<2x1x5248x128xf32, #tpu.memory_space<hbm>>, %arg6: memref<80x128xi32, #tpu.memory_space<vmem>>, %arg7: memref<80x128xi32, #tpu.memory_space<vmem>>, %arg8: memref<80x128xi32, #tpu.memory_space<vmem>>, %arg9: memref<128x128xf32, #tpu.memory_space<vmem>>, %arg10: memref<128x128xf32, #tpu.memory_space<vmem>>, %arg11: memref<!tpu.dma_semaphore, #tpu.memory_space<semaphore_mem>>, %arg12: memref<!tpu.dma_semaphore, #tpu.memory_space<semaphore_mem>>, %arg13: memref<5248x128xf32, #tpu.memory_space<vmem_shared>>) attributes {dimension_semantics = [#tpu.dimension_semantics<core_parallel>, #tpu.dimension_semantics<subcore_parallel>], iteration_bounds = array<i64: 2, 16>, scalar_prefetch = 0 : i64, scratch_operands = 8 : i64, tpu.core_type = #tpu.core_type<sc_vector_subcore>, window_params = [{transform_indices = #map}, {transform_indices = #map1}, {transform_indices = #map1}, {transform_indices = #map1}]} {
    %mul3A = arith.constant 328 : i32
    %mul3A_0 = arith.muli %arg1, %mul3A : i32
    "tpu.region"() ({
      %run_scoped3A_32 = tpu.sem_alloc : memref<!tpu.dma_semaphore, #tpu.memory_space<semaphore_mem>>
      %dma_start3A_33 = arith.constant 0 : i32
      %dma_start3A_34 = arith.constant 0 : i32
      %dma_start3A_35 = tpu.memref_slice %arg3[%arg0, %arg1, %dma_start3A_33, %dma_start3A_34] : memref<2x16x80x128xi32, #tpu.memory_space<hbm>> -> memref<1x1x80x128xi32, #tpu.memory_space<hbm>>
      %dma_start3A_36 = tpu.memref_squeeze %dma_start3A_35 : memref<1x1x80x128xi32, #tpu.memory_space<hbm>> -> memref<80x128xi32, #tpu.memory_space<hbm>>
      %dma_start3A_37 = arith.constant 0 : i32
      %dma_start3A_38 = arith.constant 0 : i32
      %dma_start3A_39 = tpu.memref_slice %arg3[%arg0, %arg1, %dma_start3A_37, %dma_start3A_38] : memref<2x16x80x128xi32, #tpu.memory_space<hbm>> -> memref<1x1x80x128xi32, #tpu.memory_space<hbm>>
      %dma_start3A_40 = tpu.memref_squeeze %dma_start3A_39 : memref<1x1x80x128xi32, #tpu.memory_space<hbm>> -> memref<80x128xi32, #tpu.memory_space<hbm>>
      tpu.enqueue_dma source(%dma_start3A_40 : memref<80x128xi32, #tpu.memory_space<hbm>>) target(%arg6 : memref<80x128xi32, #tpu.memory_space<vmem>>) target_semaphore(%run_scoped3A_32 : memref<!tpu.dma_semaphore, #tpu.memory_space<semaphore_mem>>)
      %dma_wait3A = arith.constant 0 : i32
      %dma_wait3A_41 = arith.constant 0 : i32
      %dma_wait3A_42 = tpu.memref_slice %arg3[%arg0, %arg1, %dma_wait3A, %dma_wait3A_41] : memref<2x16x80x128xi32, #tpu.memory_space<hbm>> -> memref<1x1x80x128xi32, #tpu.memory_space<hbm>>
      %dma_wait3A_43 = tpu.memref_squeeze %dma_wait3A_42 : memref<1x1x80x128xi32, #tpu.memory_space<hbm>> -> memref<80x128xi32, #tpu.memory_space<hbm>>
      %dma_wait3A_44 = arith.constant 0 : i32
      %dma_wait3A_45 = arith.constant 0 : i32
      %dma_wait3A_46 = tpu.memref_slice %arg3[%arg0, %arg1, %dma_wait3A_44, %dma_wait3A_45] : memref<2x16x80x128xi32, #tpu.memory_space<hbm>> -> memref<1x1x80x128xi32, #tpu.memory_space<hbm>>
      %dma_wait3A_47 = tpu.memref_squeeze %dma_wait3A_46 : memref<1x1x80x128xi32, #tpu.memory_space<hbm>> -> memref<80x128xi32, #tpu.memory_space<hbm>>
      tpu.wait_dma2 semaphore(%run_scoped3A_32 : memref<!tpu.dma_semaphore, #tpu.memory_space<semaphore_mem>>) src(%dma_wait3A_47 : memref<80x128xi32, #tpu.memory_space<hbm>>) dst(%arg6 : memref<80x128xi32, #tpu.memory_space<vmem>>)
      tpu.yield
    }) : () -> ()
    "tpu.region"() ({
      %run_scoped3A_32 = tpu.sem_alloc : memref<!tpu.dma_semaphore, #tpu.memory_space<semaphore_mem>>
      %dma_start3A_33 = arith.constant 0 : i32
      %dma_start3A_34 = arith.constant 0 : i32
      %dma_start3A_35 = tpu.memref_slice %arg4[%arg0, %arg1, %dma_start3A_33, %dma_start3A_34] : memref<2x16x80x128xi32, #tpu.memory_space<hbm>> -> memref<1x1x80x128xi32, #tpu.memory_space<hbm>>
      %dma_start3A_36 = tpu.memref_squeeze %dma_start3A_35 : memref<1x1x80x128xi32, #tpu.memory_space<hbm>> -> memref<80x128xi32, #tpu.memory_space<hbm>>
      %dma_start3A_37 = arith.constant 0 : i32
      %dma_start3A_38 = arith.constant 0 : i32
      %dma_start3A_39 = tpu.memref_slice %arg4[%arg0, %arg1, %dma_start3A_37, %dma_start3A_38] : memref<2x16x80x128xi32, #tpu.memory_space<hbm>> -> memref<1x1x80x128xi32, #tpu.memory_space<hbm>>
      %dma_start3A_40 = tpu.memref_squeeze %dma_start3A_39 : memref<1x1x80x128xi32, #tpu.memory_space<hbm>> -> memref<80x128xi32, #tpu.memory_space<hbm>>
      tpu.enqueue_dma source(%dma_start3A_40 : memref<80x128xi32, #tpu.memory_space<hbm>>) target(%arg7 : memref<80x128xi32, #tpu.memory_space<vmem>>) target_semaphore(%run_scoped3A_32 : memref<!tpu.dma_semaphore, #tpu.memory_space<semaphore_mem>>)
      %dma_wait3A = arith.constant 0 : i32
      %dma_wait3A_41 = arith.constant 0 : i32
      %dma_wait3A_42 = tpu.memref_slice %arg4[%arg0, %arg1, %dma_wait3A, %dma_wait3A_41] : memref<2x16x80x128xi32, #tpu.memory_space<hbm>> -> memref<1x1x80x128xi32, #tpu.memory_space<hbm>>
      %dma_wait3A_43 = tpu.memref_squeeze %dma_wait3A_42 : memref<1x1x80x128xi32, #tpu.memory_space<hbm>> -> memref<80x128xi32, #tpu.memory_space<hbm>>
      %dma_wait3A_44 = arith.constant 0 : i32
      %dma_wait3A_45 = arith.constant 0 : i32
      %dma_wait3A_46 = tpu.memref_slice %arg4[%arg0, %arg1, %dma_wait3A_44, %dma_wait3A_45] : memref<2x16x80x128xi32, #tpu.memory_space<hbm>> -> memref<1x1x80x128xi32, #tpu.memory_space<hbm>>
      %dma_wait3A_47 = tpu.memref_squeeze %dma_wait3A_46 : memref<1x1x80x128xi32, #tpu.memory_space<hbm>> -> memref<80x128xi32, #tpu.memory_space<hbm>>
      tpu.wait_dma2 semaphore(%run_scoped3A_32 : memref<!tpu.dma_semaphore, #tpu.memory_space<semaphore_mem>>) src(%dma_wait3A_47 : memref<80x128xi32, #tpu.memory_space<hbm>>) dst(%arg7 : memref<80x128xi32, #tpu.memory_space<vmem>>)
      tpu.yield
    }) : () -> ()
    %mul3A_1 = arith.constant 5120 : i32
    %mul3A_2 = arith.muli %arg0, %mul3A_1 : i32
    %scan3A = arith.constant 0 : i32
    %scan3A_3 = arith.constant 0 : i32
    %scan3A_4 = arith.constant 80 : i32
    %scan3A_5 = arith.addi %scan3A_3, %scan3A_4 : i32
    %scan3A_6 = arith.constant 1 : i32
    scf.for %scan3A_32 = %scan3A_3 to %scan3A_5 step %scan3A_6  : i32 {
      %get3A = arith.index_cast %scan3A_32 : i32 to index
      %get3A_33 = arith.constant 0 : index
      %get3A_34 = tpu.vector_load %arg7[%get3A, %get3A_33] {strides = array<i32>} : memref<80x128xi32, #tpu.memory_space<vmem>>, vector<1x16xi32>,
      %get3A_35 = vector.shape_cast %get3A_34 : vector<1x16xi32> to vector<16xi32>
      %sub3A = vector.broadcast %mul3A_2 : i32 to vector<16xi32>
      %sub3A_36 = arith.subi %get3A_35, %sub3A : vector<16xi32>
      %ge3A = arith.constant 0 : i32
      %ge3A_37 = vector.broadcast %ge3A : i32 to vector<16xi32>
      %ge3A_38 = arith.cmpi sge, %sub3A_36, %ge3A_37 : vector<16xi32>
      %lt3A = arith.constant 5120 : i32
      %lt3A_39 = vector.broadcast %lt3A : i32 to vector<16xi32>
      %lt3A_40 = arith.cmpi slt, %sub3A_36, %lt3A_39 : vector<16xi32>
      %and3A = arith.andi %ge3A_38, %lt3A_40 : vector<16xi1>
      %and3A_41 = arith.constant 127 : i32
      %and3A_42 = vector.broadcast %and3A_41 : i32 to vector<16xi32>
      %and3A_43 = arith.andi %get3A_35, %and3A_42 : vector<16xi32>
      %add3A_44 = arith.constant 5120 : i32
      %add3A_45 = vector.broadcast %add3A_44 : i32 to vector<16xi32>
      %add3A_46 = arith.addi %add3A_45, %and3A_43 : vector<16xi32>
      %select_n3A = arith.select %and3A, %sub3A_36, %add3A_46 : vector<16xi1>, vector<16xi32>
      %swap3A = arith.index_cast %scan3A_32 : i32 to index
      %swap3A_47 = arith.constant 0 : index
      %swap3A_48 = tpu.vector_load %arg8[%swap3A, %swap3A_47] {strides = array<i32>} : memref<80x128xi32, #tpu.memory_space<vmem>>, vector<1x16xi32>,
      %swap3A_49 = vector.shape_cast %swap3A_48 : vector<1x16xi32> to vector<16xi32>
      %swap3A_50 = vector.shape_cast %select_n3A : vector<16xi32> to vector<1x16xi32>
      tpu.vector_store %arg8[%swap3A, %swap3A_47], %swap3A_50 {strides = array<i32>} : memref<80x128xi32, #tpu.memory_space<vmem>>, vector<1x16xi32>,
      %get3A_51 = arith.index_cast %scan3A_32 : i32 to index
      %get3A_52 = arith.constant 16 : index
      %get3A_53 = tpu.vector_load %arg7[%get3A_51, %get3A_52] {strides = array<i32>} : memref<80x128xi32, #tpu.memory_space<vmem>>, vector<1x16xi32>,
      %get3A_54 = vector.shape_cast %get3A_53 : vector<1x16xi32> to vector<16xi32>
      %sub3A_55 = vector.broadcast %mul3A_2 : i32 to vector<16xi32>
      %sub3A_56 = arith.subi %get3A_54, %sub3A_55 : vector<16xi32>
      %ge3A_57 = arith.constant 0 : i32
      %ge3A_58 = vector.broadcast %ge3A_57 : i32 to vector<16xi32>
      %ge3A_59 = arith.cmpi sge, %sub3A_56, %ge3A_58 : vector<16xi32>
      %lt3A_60 = arith.constant 5120 : i32
      %lt3A_61 = vector.broadcast %lt3A_60 : i32 to vector<16xi32>
      %lt3A_62 = arith.cmpi slt, %sub3A_56, %lt3A_61 : vector<16xi32>
      %and3A_63 = arith.andi %ge3A_59, %lt3A_62 : vector<16xi1>
      %and3A_64 = arith.constant 127 : i32
      %and3A_65 = vector.broadcast %and3A_64 : i32 to vector<16xi32>
      %and3A_66 = arith.andi %get3A_54, %and3A_65 : vector<16xi32>
      %add3A_67 = arith.constant 5120 : i32
      %add3A_68 = vector.broadcast %add3A_67 : i32 to vector<16xi32>
      %add3A_69 = arith.addi %add3A_68, %and3A_66 : vector<16xi32>
      %select_n3A_70 = arith.select %and3A_63, %sub3A_56, %add3A_69 : vector<16xi1>, vector<16xi32>
      %swap3A_71 = arith.index_cast %scan3A_32 : i32 to index
      %swap3A_72 = arith.constant 16 : index
      %swap3A_73 = tpu.vector_load %arg8[%swap3A_71, %swap3A_72] {strides = array<i32>} : memref<80x128xi32, #tpu.memory_space<vmem>>, vector<1x16xi32>,
      %swap3A_74 = vector.shape_cast %swap3A_73 : vector<1x16xi32> to vector<16xi32>
      %swap3A_75 = vector.shape_cast %select_n3A_70 : vector<16xi32> to vector<1x16xi32>
      tpu.vector_store %arg8[%swap3A_71, %swap3A_72], %swap3A_75 {strides = array<i32>} : memref<80x128xi32, #tpu.memory_space<vmem>>, vector<1x16xi32>,
      %get3A_76 = arith.index_cast %scan3A_32 : i32 to index
      %get3A_77 = arith.constant 32 : index
      %get3A_78 = tpu.vector_load %arg7[%get3A_76, %get3A_77] {strides = array<i32>} : memref<80x128xi32, #tpu.memory_space<vmem>>, vector<1x16xi32>,
      %get3A_79 = vector.shape_cast %get3A_78 : vector<1x16xi32> to vector<16xi32>
      %sub3A_80 = vector.broadcast %mul3A_2 : i32 to vector<16xi32>
      %sub3A_81 = arith.subi %get3A_79, %sub3A_80 : vector<16xi32>
      %ge3A_82 = arith.constant 0 : i32
      %ge3A_83 = vector.broadcast %ge3A_82 : i32 to vector<16xi32>
      %ge3A_84 = arith.cmpi sge, %sub3A_81, %ge3A_83 : vector<16xi32>
      %lt3A_85 = arith.constant 5120 : i32
      %lt3A_86 = vector.broadcast %lt3A_85 : i32 to vector<16xi32>
      %lt3A_87 = arith.cmpi slt, %sub3A_81, %lt3A_86 : vector<16xi32>
      %and3A_88 = arith.andi %ge3A_84, %lt3A_87 : vector<16xi1>
      %and3A_89 = arith.constant 127 : i32
      %and3A_90 = vector.broadcast %and3A_89 : i32 to vector<16xi32>
      %and3A_91 = arith.andi %get3A_79, %and3A_90 : vector<16xi32>
      %add3A_92 = arith.constant 5120 : i32
      %add3A_93 = vector.broadcast %add3A_92 : i32 to vector<16xi32>
      %add3A_94 = arith.addi %add3A_93, %and3A_91 : vector<16xi32>
      %select_n3A_95 = arith.select %and3A_88, %sub3A_81, %add3A_94 : vector<16xi1>, vector<16xi32>
      %swap3A_96 = arith.index_cast %scan3A_32 : i32 to index
      %swap3A_97 = arith.constant 32 : index
      %swap3A_98 = tpu.vector_load %arg8[%swap3A_96, %swap3A_97] {strides = array<i32>} : memref<80x128xi32, #tpu.memory_space<vmem>>, vector<1x16xi32>,
      %swap3A_99 = vector.shape_cast %swap3A_98 : vector<1x16xi32> to vector<16xi32>
      %swap3A_100 = vector.shape_cast %select_n3A_95 : vector<16xi32> to vector<1x16xi32>
      tpu.vector_store %arg8[%swap3A_96, %swap3A_97], %swap3A_100 {strides = array<i32>} : memref<80x128xi32, #tpu.memory_space<vmem>>, vector<1x16xi32>,
      %get3A_101 = arith.index_cast %scan3A_32 : i32 to index
      %get3A_102 = arith.constant 48 : index
      %get3A_103 = tpu.vector_load %arg7[%get3A_101, %get3A_102] {strides = array<i32>} : memref<80x128xi32, #tpu.memory_space<vmem>>, vector<1x16xi32>,
      %get3A_104 = vector.shape_cast %get3A_103 : vector<1x16xi32> to vector<16xi32>
      %sub3A_105 = vector.broadcast %mul3A_2 : i32 to vector<16xi32>
      %sub3A_106 = arith.subi %get3A_104, %sub3A_105 : vector<16xi32>
      %ge3A_107 = arith.constant 0 : i32
      %ge3A_108 = vector.broadcast %ge3A_107 : i32 to vector<16xi32>
      %ge3A_109 = arith.cmpi sge, %sub3A_106, %ge3A_108 : vector<16xi32>
      %lt3A_110 = arith.constant 5120 : i32
      %lt3A_111 = vector.broadcast %lt3A_110 : i32 to vector<16xi32>
      %lt3A_112 = arith.cmpi slt, %sub3A_106, %lt3A_111 : vector<16xi32>
      %and3A_113 = arith.andi %ge3A_109, %lt3A_112 : vector<16xi1>
      %and3A_114 = arith.constant 127 : i32
      %and3A_115 = vector.broadcast %and3A_114 : i32 to vector<16xi32>
      %and3A_116 = arith.andi %get3A_104, %and3A_115 : vector<16xi32>
      %add3A_117 = arith.constant 5120 : i32
      %add3A_118 = vector.broadcast %add3A_117 : i32 to vector<16xi32>
      %add3A_119 = arith.addi %add3A_118, %and3A_116 : vector<16xi32>
      %select_n3A_120 = arith.select %and3A_113, %sub3A_106, %add3A_119 : vector<16xi1>, vector<16xi32>
      %swap3A_121 = arith.index_cast %scan3A_32 : i32 to index
      %swap3A_122 = arith.constant 48 : index
      %swap3A_123 = tpu.vector_load %arg8[%swap3A_121, %swap3A_122] {strides = array<i32>} : memref<80x128xi32, #tpu.memory_space<vmem>>, vector<1x16xi32>,
      %swap3A_124 = vector.shape_cast %swap3A_123 : vector<1x16xi32> to vector<16xi32>
      %swap3A_125 = vector.shape_cast %select_n3A_120 : vector<16xi32> to vector<1x16xi32>
      tpu.vector_store %arg8[%swap3A_121, %swap3A_122], %swap3A_125 {strides = array<i32>} : memref<80x128xi32, #tpu.memory_space<vmem>>, vector<1x16xi32>,
      %get3A_126 = arith.index_cast %scan3A_32 : i32 to index
      %get3A_127 = arith.constant 64 : index
      %get3A_128 = tpu.vector_load %arg7[%get3A_126, %get3A_127] {strides = array<i32>} : memref<80x128xi32, #tpu.memory_space<vmem>>, vector<1x16xi32>,
      %get3A_129 = vector.shape_cast %get3A_128 : vector<1x16xi32> to vector<16xi32>
      %sub3A_130 = vector.broadcast %mul3A_2 : i32 to vector<16xi32>
      %sub3A_131 = arith.subi %get3A_129, %sub3A_130 : vector<16xi32>
      %ge3A_132 = arith.constant 0 : i32
      %ge3A_133 = vector.broadcast %ge3A_132 : i32 to vector<16xi32>
      %ge3A_134 = arith.cmpi sge, %sub3A_131, %ge3A_133 : vector<16xi32>
      %lt3A_135 = arith.constant 5120 : i32
      %lt3A_136 = vector.broadcast %lt3A_135 : i32 to vector<16xi32>
      %lt3A_137 = arith.cmpi slt, %sub3A_131, %lt3A_136 : vector<16xi32>
      %and3A_138 = arith.andi %ge3A_134, %lt3A_137 : vector<16xi1>
      %and3A_139 = arith.constant 127 : i32
      %and3A_140 = vector.broadcast %and3A_139 : i32 to vector<16xi32>
      %and3A_141 = arith.andi %get3A_129, %and3A_140 : vector<16xi32>
      %add3A_142 = arith.constant 5120 : i32
      %add3A_143 = vector.broadcast %add3A_142 : i32 to vector<16xi32>
      %add3A_144 = arith.addi %add3A_143, %and3A_141 : vector<16xi32>
      %select_n3A_145 = arith.select %and3A_138, %sub3A_131, %add3A_144 : vector<16xi1>, vector<16xi32>
      %swap3A_146 = arith.index_cast %scan3A_32 : i32 to index
      %swap3A_147 = arith.constant 64 : index
      %swap3A_148 = tpu.vector_load %arg8[%swap3A_146, %swap3A_147] {strides = array<i32>} : memref<80x128xi32, #tpu.memory_space<vmem>>, vector<1x16xi32>,
      %swap3A_149 = vector.shape_cast %swap3A_148 : vector<1x16xi32> to vector<16xi32>
      %swap3A_150 = vector.shape_cast %select_n3A_145 : vector<16xi32> to vector<1x16xi32>
      tpu.vector_store %arg8[%swap3A_146, %swap3A_147], %swap3A_150 {strides = array<i32>} : memref<80x128xi32, #tpu.memory_space<vmem>>, vector<1x16xi32>,
      %get3A_151 = arith.index_cast %scan3A_32 : i32 to index
      %get3A_152 = arith.constant 80 : index
      %get3A_153 = tpu.vector_load %arg7[%get3A_151, %get3A_152] {strides = array<i32>} : memref<80x128xi32, #tpu.memory_space<vmem>>, vector<1x16xi32>,
      %get3A_154 = vector.shape_cast %get3A_153 : vector<1x16xi32> to vector<16xi32>
      %sub3A_155 = vector.broadcast %mul3A_2 : i32 to vector<16xi32>
      %sub3A_156 = arith.subi %get3A_154, %sub3A_155 : vector<16xi32>
      %ge3A_157 = arith.constant 0 : i32
      %ge3A_158 = vector.broadcast %ge3A_157 : i32 to vector<16xi32>
      %ge3A_159 = arith.cmpi sge, %sub3A_156, %ge3A_158 : vector<16xi32>
      %lt3A_160 = arith.constant 5120 : i32
      %lt3A_161 = vector.broadcast %lt3A_160 : i32 to vector<16xi32>
      %lt3A_162 = arith.cmpi slt, %sub3A_156, %lt3A_161 : vector<16xi32>
      %and3A_163 = arith.andi %ge3A_159, %lt3A_162 : vector<16xi1>
      %and3A_164 = arith.constant 127 : i32
      %and3A_165 = vector.broadcast %and3A_164 : i32 to vector<16xi32>
      %and3A_166 = arith.andi %get3A_154, %and3A_165 : vector<16xi32>
      %add3A_167 = arith.constant 5120 : i32
      %add3A_168 = vector.broadcast %add3A_167 : i32 to vector<16xi32>
      %add3A_169 = arith.addi %add3A_168, %and3A_166 : vector<16xi32>
      %select_n3A_170 = arith.select %and3A_163, %sub3A_156, %add3A_169 : vector<16xi1>, vector<16xi32>
      %swap3A_171 = arith.index_cast %scan3A_32 : i32 to index
      %swap3A_172 = arith.constant 80 : index
      %swap3A_173 = tpu.vector_load %arg8[%swap3A_171, %swap3A_172] {strides = array<i32>} : memref<80x128xi32, #tpu.memory_space<vmem>>, vector<1x16xi32>,
      %swap3A_174 = vector.shape_cast %swap3A_173 : vector<1x16xi32> to vector<16xi32>
      %swap3A_175 = vector.shape_cast %select_n3A_170 : vector<16xi32> to vector<1x16xi32>
      tpu.vector_store %arg8[%swap3A_171, %swap3A_172], %swap3A_175 {strides = array<i32>} : memref<80x128xi32, #tpu.memory_space<vmem>>, vector<1x16xi32>,
      %get3A_176 = arith.index_cast %scan3A_32 : i32 to index
      %get3A_177 = arith.constant 96 : index
      %get3A_178 = tpu.vector_load %arg7[%get3A_176, %get3A_177] {strides = array<i32>} : memref<80x128xi32, #tpu.memory_space<vmem>>, vector<1x16xi32>,
      %get3A_179 = vector.shape_cast %get3A_178 : vector<1x16xi32> to vector<16xi32>
      %sub3A_180 = vector.broadcast %mul3A_2 : i32 to vector<16xi32>
      %sub3A_181 = arith.subi %get3A_179, %sub3A_180 : vector<16xi32>
      %ge3A_182 = arith.constant 0 : i32
      %ge3A_183 = vector.broadcast %ge3A_182 : i32 to vector<16xi32>
      %ge3A_184 = arith.cmpi sge, %sub3A_181, %ge3A_183 : vector<16xi32>
      %lt3A_185 = arith.constant 5120 : i32
      %lt3A_186 = vector.broadcast %lt3A_185 : i32 to vector<16xi32>
      %lt3A_187 = arith.cmpi slt, %sub3A_181, %lt3A_186 : vector<16xi32>
      %and3A_188 = arith.andi %ge3A_184, %lt3A_187 : vector<16xi1>
      %and3A_189 = arith.constant 127 : i32
      %and3A_190 = vector.broadcast %and3A_189 : i32 to vector<16xi32>
      %and3A_191 = arith.andi %get3A_179, %and3A_190 : vector<16xi32>
      %add3A_192 = arith.constant 5120 : i32
      %add3A_193 = vector.broadcast %add3A_192 : i32 to vector<16xi32>
      %add3A_194 = arith.addi %add3A_193, %and3A_191 : vector<16xi32>
      %select_n3A_195 = arith.select %and3A_188, %sub3A_181, %add3A_194 : vector<16xi1>, vector<16xi32>
      %swap3A_196 = arith.index_cast %scan3A_32 : i32 to index
      %swap3A_197 = arith.constant 96 : index
      %swap3A_198 = tpu.vector_load %arg8[%swap3A_196, %swap3A_197] {strides = array<i32>} : memref<80x128xi32, #tpu.memory_space<vmem>>, vector<1x16xi32>,
      %swap3A_199 = vector.shape_cast %swap3A_198 : vector<1x16xi32> to vector<16xi32>
      %swap3A_200 = vector.shape_cast %select_n3A_195 : vector<16xi32> to vector<1x16xi32>
      tpu.vector_store %arg8[%swap3A_196, %swap3A_197], %swap3A_200 {strides = array<i32>} : memref<80x128xi32, #tpu.memory_space<vmem>>, vector<1x16xi32>,
      %get3A_201 = arith.index_cast %scan3A_32 : i32 to index
      %get3A_202 = arith.constant 112 : index
      %get3A_203 = tpu.vector_load %arg7[%get3A_201, %get3A_202] {strides = array<i32>} : memref<80x128xi32, #tpu.memory_space<vmem>>, vector<1x16xi32>,
      %get3A_204 = vector.shape_cast %get3A_203 : vector<1x16xi32> to vector<16xi32>
      %sub3A_205 = vector.broadcast %mul3A_2 : i32 to vector<16xi32>
      %sub3A_206 = arith.subi %get3A_204, %sub3A_205 : vector<16xi32>
      %ge3A_207 = arith.constant 0 : i32
      %ge3A_208 = vector.broadcast %ge3A_207 : i32 to vector<16xi32>
      %ge3A_209 = arith.cmpi sge, %sub3A_206, %ge3A_208 : vector<16xi32>
      %lt3A_210 = arith.constant 5120 : i32
      %lt3A_211 = vector.broadcast %lt3A_210 : i32 to vector<16xi32>
      %lt3A_212 = arith.cmpi slt, %sub3A_206, %lt3A_211 : vector<16xi32>
      %and3A_213 = arith.andi %ge3A_209, %lt3A_212 : vector<16xi1>
      %and3A_214 = arith.constant 127 : i32
      %and3A_215 = vector.broadcast %and3A_214 : i32 to vector<16xi32>
      %and3A_216 = arith.andi %get3A_204, %and3A_215 : vector<16xi32>
      %add3A_217 = arith.constant 5120 : i32
      %add3A_218 = vector.broadcast %add3A_217 : i32 to vector<16xi32>
      %add3A_219 = arith.addi %add3A_218, %and3A_216 : vector<16xi32>
      %select_n3A_220 = arith.select %and3A_213, %sub3A_206, %add3A_219 : vector<16xi1>, vector<16xi32>
      %swap3A_221 = arith.index_cast %scan3A_32 : i32 to index
      %swap3A_222 = arith.constant 112 : index
      %swap3A_223 = tpu.vector_load %arg8[%swap3A_221, %swap3A_222] {strides = array<i32>} : memref<80x128xi32, #tpu.memory_space<vmem>>, vector<1x16xi32>,
      %swap3A_224 = vector.shape_cast %swap3A_223 : vector<1x16xi32> to vector<16xi32>
      %swap3A_225 = vector.shape_cast %select_n3A_220 : vector<16xi32> to vector<1x16xi32>
      tpu.vector_store %arg8[%swap3A_221, %swap3A_222], %swap3A_225 {strides = array<i32>} : memref<80x128xi32, #tpu.memory_space<vmem>>, vector<1x16xi32>,
    }
    %scan3A_7 = arith.constant 80 : i32
    %broadcast_in_dim3A = arith.constant 0.000000e+00 : f32
    %broadcast_in_dim3A_8 = vector.broadcast %broadcast_in_dim3A : f32 to vector<16xf32>
    %scan3A_9 = arith.constant 0 : i32
    %scan3A_10 = arith.constant 0 : i32
    %scan3A_11 = arith.constant 128 : i32
    %scan3A_12 = arith.addi %scan3A_10, %scan3A_11 : i32
    %scan3A_13 = arith.constant 1 : i32
    scf.for %scan3A_32 = %scan3A_10 to %scan3A_12 step %scan3A_13  : i32 {
      %swap3A = arith.index_cast %scan3A_32 : i32 to index
      %swap3A_33 = arith.constant 0 : index
      %swap3A_34 = tpu.vector_load %arg9[%swap3A, %swap3A_33] {strides = array<i32>} : memref<128x128xf32, #tpu.memory_space<vmem>>, vector<1x16xf32>,
      %swap3A_35 = vector.shape_cast %swap3A_34 : vector<1x16xf32> to vector<16xf32>
      %swap3A_36 = vector.shape_cast %broadcast_in_dim3A_8 : vector<16xf32> to vector<1x16xf32>
      tpu.vector_store %arg9[%swap3A, %swap3A_33], %swap3A_36 {strides = array<i32>} : memref<128x128xf32, #tpu.memory_space<vmem>>, vector<1x16xf32>,
      %swap3A_37 = arith.index_cast %scan3A_32 : i32 to index
      %swap3A_38 = arith.constant 16 : index
      %swap3A_39 = tpu.vector_load %arg9[%swap3A_37, %swap3A_38] {strides = array<i32>} : memref<128x128xf32, #tpu.memory_space<vmem>>, vector<1x16xf32>,
      %swap3A_40 = vector.shape_cast %swap3A_39 : vector<1x16xf32> to vector<16xf32>
      %swap3A_41 = vector.shape_cast %broadcast_in_dim3A_8 : vector<16xf32> to vector<1x16xf32>
      tpu.vector_store %arg9[%swap3A_37, %swap3A_38], %swap3A_41 {strides = array<i32>} : memref<128x128xf32, #tpu.memory_space<vmem>>, vector<1x16xf32>,
      %swap3A_42 = arith.index_cast %scan3A_32 : i32 to index
      %swap3A_43 = arith.constant 32 : index
      %swap3A_44 = tpu.vector_load %arg9[%swap3A_42, %swap3A_43] {strides = array<i32>} : memref<128x128xf32, #tpu.memory_space<vmem>>, vector<1x16xf32>,
      %swap3A_45 = vector.shape_cast %swap3A_44 : vector<1x16xf32> to vector<16xf32>
      %swap3A_46 = vector.shape_cast %broadcast_in_dim3A_8 : vector<16xf32> to vector<1x16xf32>
      tpu.vector_store %arg9[%swap3A_42, %swap3A_43], %swap3A_46 {strides = array<i32>} : memref<128x128xf32, #tpu.memory_space<vmem>>, vector<1x16xf32>,
      %swap3A_47 = arith.index_cast %scan3A_32 : i32 to index
      %swap3A_48 = arith.constant 48 : index
      %swap3A_49 = tpu.vector_load %arg9[%swap3A_47, %swap3A_48] {strides = array<i32>} : memref<128x128xf32, #tpu.memory_space<vmem>>, vector<1x16xf32>,
      %swap3A_50 = vector.shape_cast %swap3A_49 : vector<1x16xf32> to vector<16xf32>
      %swap3A_51 = vector.shape_cast %broadcast_in_dim3A_8 : vector<16xf32> to vector<1x16xf32>
      tpu.vector_store %arg9[%swap3A_47, %swap3A_48], %swap3A_51 {strides = array<i32>} : memref<128x128xf32, #tpu.memory_space<vmem>>, vector<1x16xf32>,
      %swap3A_52 = arith.index_cast %scan3A_32 : i32 to index
      %swap3A_53 = arith.constant 64 : index
      %swap3A_54 = tpu.vector_load %arg9[%swap3A_52, %swap3A_53] {strides = array<i32>} : memref<128x128xf32, #tpu.memory_space<vmem>>, vector<1x16xf32>,
      %swap3A_55 = vector.shape_cast %swap3A_54 : vector<1x16xf32> to vector<16xf32>
      %swap3A_56 = vector.shape_cast %broadcast_in_dim3A_8 : vector<16xf32> to vector<1x16xf32>
      tpu.vector_store %arg9[%swap3A_52, %swap3A_53], %swap3A_56 {strides = array<i32>} : memref<128x128xf32, #tpu.memory_space<vmem>>, vector<1x16xf32>,
      %swap3A_57 = arith.index_cast %scan3A_32 : i32 to index
      %swap3A_58 = arith.constant 80 : index
      %swap3A_59 = tpu.vector_load %arg9[%swap3A_57, %swap3A_58] {strides = array<i32>} : memref<128x128xf32, #tpu.memory_space<vmem>>, vector<1x16xf32>,
      %swap3A_60 = vector.shape_cast %swap3A_59 : vector<1x16xf32> to vector<16xf32>
      %swap3A_61 = vector.shape_cast %broadcast_in_dim3A_8 : vector<16xf32> to vector<1x16xf32>
      tpu.vector_store %arg9[%swap3A_57, %swap3A_58], %swap3A_61 {strides = array<i32>} : memref<128x128xf32, #tpu.memory_space<vmem>>, vector<1x16xf32>,
      %swap3A_62 = arith.index_cast %scan3A_32 : i32 to index
      %swap3A_63 = arith.constant 96 : index
      %swap3A_64 = tpu.vector_load %arg9[%swap3A_62, %swap3A_63] {strides = array<i32>} : memref<128x128xf32, #tpu.memory_space<vmem>>, vector<1x16xf32>,
      %swap3A_65 = vector.shape_cast %swap3A_64 : vector<1x16xf32> to vector<16xf32>
      %swap3A_66 = vector.shape_cast %broadcast_in_dim3A_8 : vector<16xf32> to vector<1x16xf32>
      tpu.vector_store %arg9[%swap3A_62, %swap3A_63], %swap3A_66 {strides = array<i32>} : memref<128x128xf32, #tpu.memory_space<vmem>>, vector<1x16xf32>,
      %swap3A_67 = arith.index_cast %scan3A_32 : i32 to index
      %swap3A_68 = arith.constant 112 : index
      %swap3A_69 = tpu.vector_load %arg9[%swap3A_67, %swap3A_68] {strides = array<i32>} : memref<128x128xf32, #tpu.memory_space<vmem>>, vector<1x16xf32>,
      %swap3A_70 = vector.shape_cast %swap3A_69 : vector<1x16xf32> to vector<16xf32>
      %swap3A_71 = vector.shape_cast %broadcast_in_dim3A_8 : vector<16xf32> to vector<1x16xf32>
      tpu.vector_store %arg9[%swap3A_67, %swap3A_68], %swap3A_71 {strides = array<i32>} : memref<128x128xf32, #tpu.memory_space<vmem>>, vector<1x16xf32>,
    }
    %scan3A_14 = arith.constant 128 : i32
    "tpu.region"() ({
      %run_scoped3A_32 = tpu.sem_alloc : memref<!tpu.dma_semaphore, #tpu.memory_space<semaphore_mem>>
      %dma_start3A_33 = arith.constant 0 : i32
      %dma_start3A_34 = tpu.memref_slice %arg13[%mul3A_0, %dma_start3A_33] : memref<5248x128xf32, #tpu.memory_space<vmem_shared>> -> memref<128x128xf32, #tpu.memory_space<vmem_shared>>
      %dma_start3A_35 = arith.constant 0 : i32
      %dma_start3A_36 = tpu.memref_slice %arg13[%mul3A_0, %dma_start3A_35] : memref<5248x128xf32, #tpu.memory_space<vmem_shared>> -> memref<128x128xf32, #tpu.memory_space<vmem_shared>>
      tpu.enqueue_dma source(%arg9 : memref<128x128xf32, #tpu.memory_space<vmem>>) target(%dma_start3A_36 : memref<128x128xf32, #tpu.memory_space<vmem_shared>>) target_semaphore(%run_scoped3A_32 : memref<!tpu.dma_semaphore, #tpu.memory_space<semaphore_mem>>)
      %dma_wait3A = arith.constant 0 : i32
      %dma_wait3A_37 = tpu.memref_slice %arg13[%mul3A_0, %dma_wait3A] : memref<5248x128xf32, #tpu.memory_space<vmem_shared>> -> memref<128x128xf32, #tpu.memory_space<vmem_shared>>
      %dma_wait3A_38 = arith.constant 0 : i32
      %dma_wait3A_39 = tpu.memref_slice %arg13[%mul3A_0, %dma_wait3A_38] : memref<5248x128xf32, #tpu.memory_space<vmem_shared>> -> memref<128x128xf32, #tpu.memory_space<vmem_shared>>
      tpu.wait_dma2 semaphore(%run_scoped3A_32 : memref<!tpu.dma_semaphore, #tpu.memory_space<semaphore_mem>>) src(%arg9 : memref<128x128xf32, #tpu.memory_space<vmem>>) dst(%dma_wait3A_39 : memref<128x128xf32, #tpu.memory_space<vmem_shared>>)
      tpu.yield
    }) : () -> ()
    %add3A = arith.constant 128 : i32
    %add3A_15 = arith.addi %mul3A_0, %add3A : i32
    "tpu.region"() ({
      %run_scoped3A_32 = tpu.sem_alloc : memref<!tpu.dma_semaphore, #tpu.memory_space<semaphore_mem>>
      %dma_start3A_33 = arith.constant 0 : i32
      %dma_start3A_34 = tpu.memref_slice %arg13[%add3A_15, %dma_start3A_33] : memref<5248x128xf32, #tpu.memory_space<vmem_shared>> -> memref<128x128xf32, #tpu.memory_space<vmem_shared>>
      %dma_start3A_35 = arith.constant 0 : i32
      %dma_start3A_36 = tpu.memref_slice %arg13[%add3A_15, %dma_start3A_35] : memref<5248x128xf32, #tpu.memory_space<vmem_shared>> -> memref<128x128xf32, #tpu.memory_space<vmem_shared>>
      tpu.enqueue_dma source(%arg9 : memref<128x128xf32, #tpu.memory_space<vmem>>) target(%dma_start3A_36 : memref<128x128xf32, #tpu.memory_space<vmem_shared>>) target_semaphore(%run_scoped3A_32 : memref<!tpu.dma_semaphore, #tpu.memory_space<semaphore_mem>>)
      %dma_wait3A = arith.constant 0 : i32
      %dma_wait3A_37 = tpu.memref_slice %arg13[%add3A_15, %dma_wait3A] : memref<5248x128xf32, #tpu.memory_space<vmem_shared>> -> memref<128x128xf32, #tpu.memory_space<vmem_shared>>
      %dma_wait3A_38 = arith.constant 0 : i32
      %dma_wait3A_39 = tpu.memref_slice %arg13[%add3A_15, %dma_wait3A_38] : memref<5248x128xf32, #tpu.memory_space<vmem_shared>> -> memref<128x128xf32, #tpu.memory_space<vmem_shared>>
      tpu.wait_dma2 semaphore(%run_scoped3A_32 : memref<!tpu.dma_semaphore, #tpu.memory_space<semaphore_mem>>) src(%arg9 : memref<128x128xf32, #tpu.memory_space<vmem>>) dst(%dma_wait3A_39 : memref<128x128xf32, #tpu.memory_space<vmem_shared>>)
      tpu.yield
    }) : () -> ()
    %add3A_16 = arith.constant 256 : i32
    %add3A_17 = arith.addi %mul3A_0, %add3A_16 : i32
    "tpu.region"() ({
      %run_scoped3A_32 = tpu.sem_alloc : memref<!tpu.dma_semaphore, #tpu.memory_space<semaphore_mem>>
      %dma_start3A_33 = arith.constant 0 : i32
      %dma_start3A_34 = arith.constant 0 : i32
      %dma_start3A_35 = tpu.memref_slice %arg9[%dma_start3A_33, %dma_start3A_34] : memref<128x128xf32, #tpu.memory_space<vmem>> -> memref<72x128xf32, #tpu.memory_space<vmem>>
      %dma_start3A_36 = arith.constant 0 : i32
      %dma_start3A_37 = tpu.memref_slice %arg13[%add3A_17, %dma_start3A_36] : memref<5248x128xf32, #tpu.memory_space<vmem_shared>> -> memref<72x128xf32, #tpu.memory_space<vmem_shared>>
      %dma_start3A_38 = arith.constant 0 : i32
      %dma_start3A_39 = tpu.memref_slice %arg13[%add3A_17, %dma_start3A_38] : memref<5248x128xf32, #tpu.memory_space<vmem_shared>> -> memref<72x128xf32, #tpu.memory_space<vmem_shared>>
      %dma_start3A_40 = arith.constant 0 : i32
      %dma_start3A_41 = arith.constant 0 : i32
      %dma_start3A_42 = tpu.memref_slice %arg9[%dma_start3A_40, %dma_start3A_41] : memref<128x128xf32, #tpu.memory_space<vmem>> -> memref<72x128xf32, #tpu.memory_space<vmem>>
      tpu.enqueue_dma source(%dma_start3A_42 : memref<72x128xf32, #tpu.memory_space<vmem>>) target(%dma_start3A_39 : memref<72x128xf32, #tpu.memory_space<vmem_shared>>) target_semaphore(%run_scoped3A_32 : memref<!tpu.dma_semaphore, #tpu.memory_space<semaphore_mem>>)
      %dma_wait3A = arith.constant 0 : i32
      %dma_wait3A_43 = arith.constant 0 : i32
      %dma_wait3A_44 = tpu.memref_slice %arg9[%dma_wait3A, %dma_wait3A_43] : memref<128x128xf32, #tpu.memory_space<vmem>> -> memref<72x128xf32, #tpu.memory_space<vmem>>
      %dma_wait3A_45 = arith.constant 0 : i32
      %dma_wait3A_46 = tpu.memref_slice %arg13[%add3A_17, %dma_wait3A_45] : memref<5248x128xf32, #tpu.memory_space<vmem_shared>> -> memref<72x128xf32, #tpu.memory_space<vmem_shared>>
      %dma_wait3A_47 = arith.constant 0 : i32
      %dma_wait3A_48 = tpu.memref_slice %arg13[%add3A_17, %dma_wait3A_47] : memref<5248x128xf32, #tpu.memory_space<vmem_shared>> -> memref<72x128xf32, #tpu.memory_space<vmem_shared>>
      %dma_wait3A_49 = arith.constant 0 : i32
      %dma_wait3A_50 = arith.constant 0 : i32
      %dma_wait3A_51 = tpu.memref_slice %arg9[%dma_wait3A_49, %dma_wait3A_50] : memref<128x128xf32, #tpu.memory_space<vmem>> -> memref<72x128xf32, #tpu.memory_space<vmem>>
      tpu.wait_dma2 semaphore(%run_scoped3A_32 : memref<!tpu.dma_semaphore, #tpu.memory_space<semaphore_mem>>) src(%dma_wait3A_51 : memref<72x128xf32, #tpu.memory_space<vmem>>) dst(%dma_wait3A_48 : memref<72x128xf32, #tpu.memory_space<vmem_shared>>)
      tpu.yield
    }) : () -> ()
    %barrier3A = arith.constant 0 : index
    tpu.barrier barrier_id(%barrier3A)
    %dma_start3A = arith.constant 0 : i32
    %dma_start3A_18 = arith.constant 0 : i32
    %dma_start3A_19 = tpu.memref_slice %arg6[%dma_start3A, %dma_start3A_18] : memref<80x128xi32, #tpu.memory_space<vmem>> -> memref<1x128xi32, #tpu.memory_space<vmem>>
    %dma_start3A_20 = tpu.memref_squeeze %dma_start3A_19 : memref<1x128xi32, #tpu.memory_space<vmem>> -> memref<128xi32, #tpu.memory_space<vmem>>
    %dma_start3A_21 = arith.constant 0 : i32
    %dma_start3A_22 = arith.constant 0 : i32
    %dma_start3A_23 = tpu.memref_slice %arg2[%dma_start3A_21, %dma_start3A_22] : memref<10000x128xf32, #tpu.memory_space<hbm>> -> memref<10000x128xf32, #tpu.memory_space<hbm>>
    tpu.enqueue_indirect_dma source(%dma_start3A_23 : memref<10000x128xf32, #tpu.memory_space<hbm>>) target(%arg9 : memref<128x128xf32, #tpu.memory_space<vmem>>) offsets(%dma_start3A_20 : memref<128xi32, #tpu.memory_space<vmem>>) semaphore(%arg11 : memref<!tpu.dma_semaphore, #tpu.memory_space<semaphore_mem>>)
    %scan3A_24 = arith.constant 0 : i32
    %scan3A_25 = arith.constant 0 : i32
    %scan3A_26 = arith.constant 40 : i32
    %scan3A_27 = arith.addi %scan3A_25, %scan3A_26 : i32
    %scan3A_28 = arith.constant 1 : i32
    scf.for %scan3A_32 = %scan3A_25 to %scan3A_27 step %scan3A_28  : i32 {
      %mul3A_33 = arith.constant 2 : i32
      %mul3A_34 = arith.muli %mul3A_33, %scan3A_32 : i32
      %add3A_35 = arith.constant 1 : i32
      %add3A_36 = arith.addi %mul3A_34, %add3A_35 : i32
      %dma_start3A_37 = arith.constant 0 : i32
      %dma_start3A_38 = tpu.memref_slice %arg6[%add3A_36, %dma_start3A_37] : memref<80x128xi32, #tpu.memory_space<vmem>> -> memref<1x128xi32, #tpu.memory_space<vmem>>
      %dma_start3A_39 = tpu.memref_squeeze %dma_start3A_38 : memref<1x128xi32, #tpu.memory_space<vmem>> -> memref<128xi32, #tpu.memory_space<vmem>>
      %dma_start3A_40 = arith.constant 0 : i32
      %dma_start3A_41 = arith.constant 0 : i32
      %dma_start3A_42 = tpu.memref_slice %arg2[%dma_start3A_40, %dma_start3A_41] : memref<10000x128xf32, #tpu.memory_space<hbm>> -> memref<10000x128xf32, #tpu.memory_space<hbm>>
      tpu.enqueue_indirect_dma source(%dma_start3A_42 : memref<10000x128xf32, #tpu.memory_space<hbm>>) target(%arg10 : memref<128x128xf32, #tpu.memory_space<vmem>>) offsets(%dma_start3A_39 : memref<128xi32, #tpu.memory_space<vmem>>) semaphore(%arg12 : memref<!tpu.dma_semaphore, #tpu.memory_space<semaphore_mem>>)
      %dma_wait3A = arith.constant 0 : i32
      %dma_wait3A_43 = tpu.memref_slice %arg6[%mul3A_34, %dma_wait3A] : memref<80x128xi32, #tpu.memory_space<vmem>> -> memref<1x128xi32, #tpu.memory_space<vmem>>
      %dma_wait3A_44 = tpu.memref_squeeze %dma_wait3A_43 : memref<1x128xi32, #tpu.memory_space<vmem>> -> memref<128xi32, #tpu.memory_space<vmem>>
      %dma_wait3A_45 = arith.constant 0 : i32
      %dma_wait3A_46 = arith.constant 0 : i32
      %dma_wait3A_47 = tpu.memref_slice %arg2[%dma_wait3A_45, %dma_wait3A_46] : memref<10000x128xf32, #tpu.memory_space<hbm>> -> memref<10000x128xf32, #tpu.memory_space<hbm>>
      tpu.wait_indirect_dma semaphore(%arg11 : memref<!tpu.dma_semaphore, #tpu.memory_space<semaphore_mem>>) src(%dma_wait3A_47 : memref<10000x128xf32, #tpu.memory_space<hbm>>) dst(%arg9 : memref<128x128xf32, #tpu.memory_space<vmem>>)
      "tpu.region"() ({
        %run_scoped3A_58 = tpu.sem_alloc : memref<!tpu.dma_semaphore, #tpu.memory_space<semaphore_mem>>
        %dma_start3A_59 = arith.constant 0 : i32
        %dma_start3A_60 = tpu.memref_slice %arg8[%mul3A_34, %dma_start3A_59] : memref<80x128xi32, #tpu.memory_space<vmem>> -> memref<1x128xi32, #tpu.memory_space<vmem>>
        %dma_start3A_61 = tpu.memref_squeeze %dma_start3A_60 : memref<1x128xi32, #tpu.memory_space<vmem>> -> memref<128xi32, #tpu.memory_space<vmem>>
        %dma_start3A_62 = arith.constant 0 : i32
        %dma_start3A_63 = arith.constant 0 : i32
        %dma_start3A_64 = tpu.memref_slice %arg13[%dma_start3A_62, %dma_start3A_63] : memref<5248x128xf32, #tpu.memory_space<vmem_shared>> -> memref<5248x128xf32, #tpu.memory_space<vmem_shared>>
        tpu.enqueue_indirect_dma source(%arg9 : memref<128x128xf32, #tpu.memory_space<vmem>>) target(%dma_start3A_64 : memref<5248x128xf32, #tpu.memory_space<vmem_shared>>) offsets(%dma_start3A_61 : memref<128xi32, #tpu.memory_space<vmem>>) semaphore(%run_scoped3A_58 : memref<!tpu.dma_semaphore, #tpu.memory_space<semaphore_mem>>) {add = true}
        %dma_wait3A_65 = arith.constant 0 : i32
        %dma_wait3A_66 = tpu.memref_slice %arg8[%mul3A_34, %dma_wait3A_65] : memref<80x128xi32, #tpu.memory_space<vmem>> -> memref<1x128xi32, #tpu.memory_space<vmem>>
        %dma_wait3A_67 = tpu.memref_squeeze %dma_wait3A_66 : memref<1x128xi32, #tpu.memory_space<vmem>> -> memref<128xi32, #tpu.memory_space<vmem>>
        %dma_wait3A_68 = arith.constant 0 : i32
        %dma_wait3A_69 = arith.constant 0 : i32
        %dma_wait3A_70 = tpu.memref_slice %arg13[%dma_wait3A_68, %dma_wait3A_69] : memref<5248x128xf32, #tpu.memory_space<vmem_shared>> -> memref<5248x128xf32, #tpu.memory_space<vmem_shared>>
        tpu.wait_indirect_dma semaphore(%run_scoped3A_58 : memref<!tpu.dma_semaphore, #tpu.memory_space<semaphore_mem>>) src(%arg9 : memref<128x128xf32, #tpu.memory_space<vmem>>) dst(%dma_wait3A_70 : memref<5248x128xf32, #tpu.memory_space<vmem_shared>>)
        tpu.yield
      }) : () -> ()
      %add3A_48 = arith.constant 2 : i32
      %add3A_49 = arith.addi %mul3A_34, %add3A_48 : i32
      %lt3A = arith.constant 80 : i32
      %lt3A_50 = arith.cmpi slt, %add3A_49, %lt3A : i32
      %convert_element_type3A = arith.extui %lt3A_50 : i1 to i32
      %cond3A = arith.constant 0 : i32
      %cond3A_51 = arith.cmpi ne, %convert_element_type3A, %cond3A : i32
      scf.if %cond3A_51 {
        %add3A_58 = arith.constant 2 : i32
        %add3A_59 = arith.addi %mul3A_34, %add3A_58 : i32
        %dma_start3A_60 = arith.constant 0 : i32
        %dma_start3A_61 = tpu.memref_slice %arg6[%add3A_59, %dma_start3A_60] : memref<80x128xi32, #tpu.memory_space<vmem>> -> memref<1x128xi32, #tpu.memory_space<vmem>>
        %dma_start3A_62 = tpu.memref_squeeze %dma_start3A_61 : memref<1x128xi32, #tpu.memory_space<vmem>> -> memref<128xi32, #tpu.memory_space<vmem>>
        %dma_start3A_63 = arith.constant 0 : i32
        %dma_start3A_64 = arith.constant 0 : i32
        %dma_start3A_65 = tpu.memref_slice %arg2[%dma_start3A_63, %dma_start3A_64] : memref<10000x128xf32, #tpu.memory_space<hbm>> -> memref<10000x128xf32, #tpu.memory_space<hbm>>
        tpu.enqueue_indirect_dma source(%dma_start3A_65 : memref<10000x128xf32, #tpu.memory_space<hbm>>) target(%arg9 : memref<128x128xf32, #tpu.memory_space<vmem>>) offsets(%dma_start3A_62 : memref<128xi32, #tpu.memory_space<vmem>>) semaphore(%arg11 : memref<!tpu.dma_semaphore, #tpu.memory_space<semaphore_mem>>)
      } else {
      }
      %dma_wait3A_52 = arith.constant 0 : i32
      %dma_wait3A_53 = tpu.memref_slice %arg6[%add3A_36, %dma_wait3A_52] : memref<80x128xi32, #tpu.memory_space<vmem>> -> memref<1x128xi32, #tpu.memory_space<vmem>>
      %dma_wait3A_54 = tpu.memref_squeeze %dma_wait3A_53 : memref<1x128xi32, #tpu.memory_space<vmem>> -> memref<128xi32, #tpu.memory_space<vmem>>
      %dma_wait3A_55 = arith.constant 0 : i32
      %dma_wait3A_56 = arith.constant 0 : i32
      %dma_wait3A_57 = tpu.memref_slice %arg2[%dma_wait3A_55, %dma_wait3A_56] : memref<10000x128xf32, #tpu.memory_space<hbm>> -> memref<10000x128xf32, #tpu.memory_space<hbm>>
      tpu.wait_indirect_dma semaphore(%arg12 : memref<!tpu.dma_semaphore, #tpu.memory_space<semaphore_mem>>) src(%dma_wait3A_57 : memref<10000x128xf32, #tpu.memory_space<hbm>>) dst(%arg10 : memref<128x128xf32, #tpu.memory_space<vmem>>)
      "tpu.region"() ({
        %run_scoped3A_58 = tpu.sem_alloc : memref<!tpu.dma_semaphore, #tpu.memory_space<semaphore_mem>>
        %dma_start3A_59 = arith.constant 0 : i32
        %dma_start3A_60 = tpu.memref_slice %arg8[%add3A_36, %dma_start3A_59] : memref<80x128xi32, #tpu.memory_space<vmem>> -> memref<1x128xi32, #tpu.memory_space<vmem>>
        %dma_start3A_61 = tpu.memref_squeeze %dma_start3A_60 : memref<1x128xi32, #tpu.memory_space<vmem>> -> memref<128xi32, #tpu.memory_space<vmem>>
        %dma_start3A_62 = arith.constant 0 : i32
        %dma_start3A_63 = arith.constant 0 : i32
        %dma_start3A_64 = tpu.memref_slice %arg13[%dma_start3A_62, %dma_start3A_63] : memref<5248x128xf32, #tpu.memory_space<vmem_shared>> -> memref<5248x128xf32, #tpu.memory_space<vmem_shared>>
        tpu.enqueue_indirect_dma source(%arg10 : memref<128x128xf32, #tpu.memory_space<vmem>>) target(%dma_start3A_64 : memref<5248x128xf32, #tpu.memory_space<vmem_shared>>) offsets(%dma_start3A_61 : memref<128xi32, #tpu.memory_space<vmem>>) semaphore(%run_scoped3A_58 : memref<!tpu.dma_semaphore, #tpu.memory_space<semaphore_mem>>) {add = true}
        %dma_wait3A_65 = arith.constant 0 : i32
        %dma_wait3A_66 = tpu.memref_slice %arg8[%add3A_36, %dma_wait3A_65] : memref<80x128xi32, #tpu.memory_space<vmem>> -> memref<1x128xi32, #tpu.memory_space<vmem>>
        %dma_wait3A_67 = tpu.memref_squeeze %dma_wait3A_66 : memref<1x128xi32, #tpu.memory_space<vmem>> -> memref<128xi32, #tpu.memory_space<vmem>>
        %dma_wait3A_68 = arith.constant 0 : i32
        %dma_wait3A_69 = arith.constant 0 : i32
        %dma_wait3A_70 = tpu.memref_slice %arg13[%dma_wait3A_68, %dma_wait3A_69] : memref<5248x128xf32, #tpu.memory_space<vmem_shared>> -> memref<5248x128xf32, #tpu.memory_space<vmem_shared>>
        tpu.wait_indirect_dma semaphore(%run_scoped3A_58 : memref<!tpu.dma_semaphore, #tpu.memory_space<semaphore_mem>>) src(%arg10 : memref<128x128xf32, #tpu.memory_space<vmem>>) dst(%dma_wait3A_70 : memref<5248x128xf32, #tpu.memory_space<vmem_shared>>)
        tpu.yield
      }) : () -> ()
    }
    %scan3A_29 = arith.constant 40 : i32
    %barrier3A_30 = arith.constant 0 : index
    tpu.barrier barrier_id(%barrier3A_30)
    %run_scoped3A = arith.constant 0 : i32
    "tpu.region"() ({
      %run_scoped3A_32 = tpu.sem_alloc : memref<!tpu.dma_semaphore, #tpu.memory_space<semaphore_mem>>
      %dma_start3A_33 = arith.constant 0 : i32
      %dma_start3A_34 = tpu.memref_slice %arg5[%arg0, %run_scoped3A, %mul3A_0, %dma_start3A_33] : memref<2x1x5248x128xf32, #tpu.memory_space<hbm>> -> memref<1x1x328x128xf32, #tpu.memory_space<hbm>>
      %dma_start3A_35 = tpu.memref_squeeze %dma_start3A_34 : memref<1x1x328x128xf32, #tpu.memory_space<hbm>> -> memref<328x128xf32, #tpu.memory_space<hbm>>
      %dma_start3A_36 = arith.constant 0 : i32
      %dma_start3A_37 = tpu.memref_slice %arg13[%mul3A_0, %dma_start3A_36] : memref<5248x128xf32, #tpu.memory_space<vmem_shared>> -> memref<328x128xf32, #tpu.memory_space<vmem_shared>>
      tpu.enqueue_dma source(%dma_start3A_37 : memref<328x128xf32, #tpu.memory_space<vmem_shared>>) target(%dma_start3A_35 : memref<328x128xf32, #tpu.memory_space<hbm>>) target_semaphore(%run_scoped3A_32 : memref<!tpu.dma_semaphore, #tpu.memory_space<semaphore_mem>>)
      %dma_wait3A = arith.constant 0 : i32
      %dma_wait3A_38 = tpu.memref_slice %arg5[%arg0, %run_scoped3A, %mul3A_0, %dma_wait3A] : memref<2x1x5248x128xf32, #tpu.memory_space<hbm>> -> memref<1x1x328x128xf32, #tpu.memory_space<hbm>>
      %dma_wait3A_39 = tpu.memref_squeeze %dma_wait3A_38 : memref<1x1x328x128xf32, #tpu.memory_space<hbm>> -> memref<328x128xf32, #tpu.memory_space<hbm>>
      %dma_wait3A_40 = arith.constant 0 : i32
      %dma_wait3A_41 = tpu.memref_slice %arg13[%mul3A_0, %dma_wait3A_40] : memref<5248x128xf32, #tpu.memory_space<vmem_shared>> -> memref<328x128xf32, #tpu.memory_space<vmem_shared>>
      tpu.wait_dma2 semaphore(%run_scoped3A_32 : memref<!tpu.dma_semaphore, #tpu.memory_space<semaphore_mem>>) src(%dma_wait3A_41 : memref<328x128xf32, #tpu.memory_space<vmem_shared>>) dst(%dma_wait3A_39 : memref<328x128xf32, #tpu.memory_space<hbm>>)
      tpu.yield
    }) : () -> ()
    %barrier3A_31 = arith.constant 0 : index
    tpu.barrier barrier_id(%barrier3A_31)
    return
  }
}

module attributes {stable_mosaic.version = 14 : i64} {
  func.func @_dinv_body(%arg0: i32, %arg1: memref<1x1280xf32, #tpu.memory_space<vmem>>, %arg2: memref<1x1280xf32, #tpu.memory_space<vmem>>) attributes {dimension_semantics = [#tpu.dimension_semantics<arbitrary>], iteration_bounds = array<i64: 8>, scalar_prefetch = 0 : i64, scratch_operands = 0 : i64, tpu.core_type = #tpu.core_type<tc>, window_params = [{transform_indices = @transform_0, window_bounds = array<i64: 1, 1280>}, {transform_indices = @transform_1, window_bounds = array<i64: 1, 1280>}]} {
    %get3A = arith.constant 0 : index
    %get3A_0 = arith.constant 0 : index
    %get3A_1 = vector.load %arg1[%get3A, %get3A_0] : memref<1x1280xf32, #tpu.memory_space<vmem>>, vector<1x1280xf32>
    %add3A = arith.constant 1.000000e+00 : f32
    %add3A_2 = vector.broadcast %add3A : f32 to vector<1x1280xf32>
    %add3A_3 = arith.addf %get3A_1, %add3A_2 : vector<1x1280xf32>
    %rsqrt3A = math.rsqrt %add3A_3 : vector<1x1280xf32>
    %swap3A = arith.constant 0 : index
    %swap3A_4 = arith.constant 0 : index
    %swap3A_5 = vector.load %arg2[%swap3A, %swap3A_4] : memref<1x1280xf32, #tpu.memory_space<vmem>>, vector<1x1280xf32>
    tpu.vector_store %arg2[%swap3A, %swap3A_4], %rsqrt3A {strides = array<i32>} : memref<1x1280xf32, #tpu.memory_space<vmem>>, vector<1x1280xf32>,
    return
  }
  func.func @transform_0(%arg0: i32) -> (i32, i32) {
    %c0_i32 = arith.constant 0 : i32
    %c0_i32_0 = arith.constant 0 : i32
    return %c0_i32, %arg0 : i32, i32
  }
  func.func @transform_1(%arg0: i32) -> (i32, i32) {
    %c0_i32 = arith.constant 0 : i32
    %c0_i32_0 = arith.constant 0 : i32
    return %c0_i32, %arg0 : i32, i32
  }
}

module attributes {stable_mosaic.version = 14 : i64} {
  func.func @_stage_b_body(%arg0: i32, %arg1: i32, %arg2: memref<1000x256xf32, #tpu.memory_space<vmem>>, %arg3: memref<1x256x128xf32, #tpu.memory_space<vmem>>, %arg4: memref<1000x1xf32, #tpu.memory_space<vmem>>, %arg5: memref<1x1000x128xf32, #tpu.memory_space<vmem>>) attributes {dimension_semantics = [#tpu.dimension_semantics<arbitrary>, #tpu.dimension_semantics<arbitrary>], iteration_bounds = array<i64: 10, 2>, scalar_prefetch = 0 : i64, scratch_operands = 0 : i64, tpu.core_type = #tpu.core_type<tc>, window_params = [{transform_indices = @transform_0, window_bounds = array<i64: 1000, 256>}, {transform_indices = @transform_1, window_bounds = array<i64: 1, 256, 128>}, {transform_indices = @transform_2, window_bounds = array<i64: 1000, 1>}, {transform_indices = @transform_3, window_bounds = array<i64: 1, 1000, 128>}]} {
    %get3A = arith.constant 0 : index
    %get3A_0 = arith.constant 0 : index
    %get3A_1 = vector.load %arg4[%get3A, %get3A_0] : memref<1000x1xf32, #tpu.memory_space<vmem>>, vector<1000x1xf32>
    %get3A_2 = arith.constant 0 : index
    %get3A_3 = arith.constant 0 : index
    %get3A_4 = vector.load %arg2[%get3A_2, %get3A_3] : memref<1000x256xf32, #tpu.memory_space<vmem>>, vector<1000x256xf32>
    %get3A_5 = arith.constant 0 : index
    %get3A_6 = arith.constant 0 : index
    %get3A_7 = arith.constant 0 : index
    %get3A_8 = vector.load %arg3[%get3A_5, %get3A_6, %get3A_7] : memref<1x256x128xf32, #tpu.memory_space<vmem>>, vector<1x256x128xf32>
    %get3A_9 = vector.shape_cast %get3A_8 : vector<1x256x128xf32> to vector<256x128xf32>
    %dot_general3A = arith.constant dense<0.000000e+00> : vector<1000x128xf32>
    %dot_general3A_10 = tpu.matmul %get3A_4, %get3A_9, %dot_general3A {dimension_numbers = #tpu.dot_dimension_numbers<[1], [0], [0], [1], [0, 0, 1, 1], [], []>, transpose_lhs_hint = false} : vector<1000x256xf32>, vector<256x128xf32>, vector<1000x128xf32> -> vector<1000x128xf32>
    %mul3A = vector.broadcast %get3A_1 : vector<1000x1xf32> to vector<1000x128xf32>
    %mul3A_11 = arith.mulf %mul3A, %dot_general3A_10 : vector<1000x128xf32>
    %swap3A = arith.constant 0 : index
    %swap3A_12 = arith.constant 0 : index
    %swap3A_13 = arith.constant 0 : index
    %swap3A_14 = vector.load %arg5[%swap3A, %swap3A_12, %swap3A_13] : memref<1x1000x128xf32, #tpu.memory_space<vmem>>, vector<1x1000x128xf32>
    %swap3A_15 = vector.shape_cast %swap3A_14 : vector<1x1000x128xf32> to vector<1000x128xf32>
    %swap3A_16 = vector.shape_cast %mul3A_11 : vector<1000x128xf32> to vector<1x1000x128xf32>
    tpu.vector_store %arg5[%swap3A, %swap3A_12, %swap3A_13], %swap3A_16 {strides = array<i32>} : memref<1x1000x128xf32, #tpu.memory_space<vmem>>, vector<1x1000x128xf32>,
    return
  }
  func.func @transform_0(%arg0: i32, %arg1: i32) -> (i32, i32) {
    %c0_i32 = arith.constant 0 : i32
    %c0_i32_0 = arith.constant 0 : i32
    return %arg0, %c0_i32 : i32, i32
  }
  func.func @transform_1(%arg0: i32, %arg1: i32) -> (i32, i32, i32) {
    %c0_i32 = arith.constant 0 : i32
    %c0_i32_0 = arith.constant 0 : i32
    %c0_i32_1 = arith.constant 0 : i32
    return %arg1, %c0_i32, %c0_i32_0 : i32, i32, i32
  }
  func.func @transform_2(%arg0: i32, %arg1: i32) -> (i32, i32) {
    %c0_i32 = arith.constant 0 : i32
    %c0_i32_0 = arith.constant 0 : i32
    return %arg0, %c0_i32 : i32, i32
  }
  func.func @transform_3(%arg0: i32, %arg1: i32) -> (i32, i32, i32) {
    %c0_i32 = arith.constant 0 : i32
    %c0_i32_0 = arith.constant 0 : i32
    return %arg1, %arg0, %c0_i32 : i32, i32, i32
  }
}

module attributes {stable_mosaic.version = 14 : i64} {
  func.func @_stage_d_body(%arg0: i32, %arg1: memref<2x1000x128xf32, #tpu.memory_space<vmem>>, %arg2: memref<2x1000x128xf32, #tpu.memory_space<vmem>>, %arg3: memref<1000x1xf32, #tpu.memory_space<vmem>>, %arg4: memref<2x1x128xf32, #tpu.memory_space<vmem>>, %arg5: memref<256x64xf32, #tpu.memory_space<vmem>>, %arg6: memref<1000x128xf32, #tpu.memory_space<vmem>>) attributes {dimension_semantics = [#tpu.dimension_semantics<arbitrary>], iteration_bounds = array<i64: 10>, scalar_prefetch = 0 : i64, scratch_operands = 0 : i64, tpu.core_type = #tpu.core_type<tc>, window_params = [{transform_indices = @transform_0, window_bounds = array<i64: 2, 1000, 128>}, {transform_indices = @transform_1, window_bounds = array<i64: 2, 1000, 128>}, {transform_indices = @transform_2, window_bounds = array<i64: 1000, 1>}, {pipeline_mode = #tpu.pipeline_mode<synchronous>, transform_indices = @transform_3, window_bounds = array<i64: 2, 1, 128>}, {pipeline_mode = #tpu.pipeline_mode<synchronous>, transform_indices = @transform_4, window_bounds = array<i64: 256, 64>}, {transform_indices = @transform_5, window_bounds = array<i64: 1000, 128>}]} {
    %get3A = arith.constant 0 : index
    %get3A_0 = arith.constant 0 : index
    %get3A_1 = vector.load %arg3[%get3A, %get3A_0] : memref<1000x1xf32, #tpu.memory_space<vmem>>, vector<1000x1xf32>
    %get3A_2 = arith.constant 0 : index
    %get3A_3 = arith.constant 0 : index
    %get3A_4 = arith.constant 0 : index
    %get3A_5 = vector.load %arg1[%get3A_2, %get3A_3, %get3A_4] : memref<2x1000x128xf32, #tpu.memory_space<vmem>>, vector<1x1000x128xf32>
    %get3A_6 = vector.shape_cast %get3A_5 : vector<1x1000x128xf32> to vector<1000x128xf32>
    %get3A_7 = arith.constant 0 : index
    %get3A_8 = arith.constant 0 : index
    %get3A_9 = arith.constant 0 : index
    %get3A_10 = vector.load %arg2[%get3A_7, %get3A_8, %get3A_9] : memref<2x1000x128xf32, #tpu.memory_space<vmem>>, vector<1x1000x128xf32>
    %get3A_11 = vector.shape_cast %get3A_10 : vector<1x1000x128xf32> to vector<1000x128xf32>
    %add3A = arith.addf %get3A_6, %get3A_11 : vector<1000x128xf32>
    %mul3A = vector.broadcast %get3A_1 : vector<1000x1xf32> to vector<1000x128xf32>
    %mul3A_12 = arith.mulf %mul3A, %add3A : vector<1000x128xf32>
    %get3A_13 = arith.constant 0 : index
    %get3A_14 = arith.constant 0 : index
    %get3A_15 = arith.constant 0 : index
    %get3A_16 = vector.load %arg4[%get3A_13, %get3A_14, %get3A_15] : memref<2x1x128xf32, #tpu.memory_space<vmem>>, vector<1x1x128xf32>
    %get3A_17 = vector.shape_cast %get3A_16 : vector<1x1x128xf32> to vector<1x128xf32>
    %add3A_18 = vector.broadcast %get3A_17 : vector<1x128xf32> to vector<1000x128xf32>
    %add3A_19 = arith.addf %mul3A_12, %add3A_18 : vector<1000x128xf32>
    %max3A = arith.constant 0.000000e+00 : f32
    %max3A_20 = vector.broadcast %max3A : f32 to vector<1000x128xf32>
    %max3A_21 = arith.maximumf %add3A_19, %max3A_20 : vector<1000x128xf32>
    %get3A_22 = arith.constant 1 : index
    %get3A_23 = arith.constant 0 : index
    %get3A_24 = arith.constant 0 : index
    %get3A_25 = vector.load %arg1[%get3A_22, %get3A_23, %get3A_24] : memref<2x1000x128xf32, #tpu.memory_space<vmem>>, vector<1x1000x128xf32>
    %get3A_26 = vector.shape_cast %get3A_25 : vector<1x1000x128xf32> to vector<1000x128xf32>
    %get3A_27 = arith.constant 1 : index
    %get3A_28 = arith.constant 0 : index
    %get3A_29 = arith.constant 0 : index
    %get3A_30 = vector.load %arg2[%get3A_27, %get3A_28, %get3A_29] : memref<2x1000x128xf32, #tpu.memory_space<vmem>>, vector<1x1000x128xf32>
    %get3A_31 = vector.shape_cast %get3A_30 : vector<1x1000x128xf32> to vector<1000x128xf32>
    %add3A_32 = arith.addf %get3A_26, %get3A_31 : vector<1000x128xf32>
    %mul3A_33 = vector.broadcast %get3A_1 : vector<1000x1xf32> to vector<1000x128xf32>
    %mul3A_34 = arith.mulf %mul3A_33, %add3A_32 : vector<1000x128xf32>
    %get3A_35 = arith.constant 1 : index
    %get3A_36 = arith.constant 0 : index
    %get3A_37 = arith.constant 0 : index
    %get3A_38 = vector.load %arg4[%get3A_35, %get3A_36, %get3A_37] : memref<2x1x128xf32, #tpu.memory_space<vmem>>, vector<1x1x128xf32>
    %get3A_39 = vector.shape_cast %get3A_38 : vector<1x1x128xf32> to vector<1x128xf32>
    %add3A_40 = vector.broadcast %get3A_39 : vector<1x128xf32> to vector<1000x128xf32>
    %add3A_41 = arith.addf %mul3A_34, %add3A_40 : vector<1000x128xf32>
    %max3A_42 = arith.constant 0.000000e+00 : f32
    %max3A_43 = vector.broadcast %max3A_42 : f32 to vector<1000x128xf32>
    %max3A_44 = arith.maximumf %add3A_41, %max3A_43 : vector<1000x128xf32>
    %get3A_45 = arith.constant 0 : index
    %get3A_46 = arith.constant 0 : index
    %get3A_47 = vector.load %arg5[%get3A_45, %get3A_46] : memref<256x64xf32, #tpu.memory_space<vmem>>, vector<128x64xf32>
    %dot_general3A = arith.constant dense<0.000000e+00> : vector<1000x64xf32>
    %dot_general3A_48 = tpu.matmul %max3A_21, %get3A_47, %dot_general3A {dimension_numbers = #tpu.dot_dimension_numbers<[1], [0], [0], [1], [0, 0, 1, 1], [], []>, transpose_lhs_hint = false} : vector<1000x128xf32>, vector<128x64xf32>, vector<1000x64xf32> -> vector<1000x64xf32>
    %get3A_49 = arith.constant 128 : index
    %get3A_50 = arith.constant 0 : index
    %get3A_51 = vector.load %arg5[%get3A_49, %get3A_50] : memref<256x64xf32, #tpu.memory_space<vmem>>, vector<128x64xf32>
    %dot_general3A_52 = arith.constant dense<0.000000e+00> : vector<1000x64xf32>
    %dot_general3A_53 = tpu.matmul %max3A_44, %get3A_51, %dot_general3A_52 {dimension_numbers = #tpu.dot_dimension_numbers<[1], [0], [0], [1], [0, 0, 1, 1], [], []>, transpose_lhs_hint = false} : vector<1000x128xf32>, vector<128x64xf32>, vector<1000x64xf32> -> vector<1000x64xf32>
    %add3A_54 = arith.addf %dot_general3A_48, %dot_general3A_53 : vector<1000x64xf32>
    %mul3A_55 = vector.broadcast %get3A_1 : vector<1000x1xf32> to vector<1000x64xf32>
    %mul3A_56 = arith.mulf %mul3A_55, %add3A_54 : vector<1000x64xf32>
    %broadcast_in_dim3A = arith.constant 0.000000e+00 : f32
    %broadcast_in_dim3A_57 = vector.broadcast %broadcast_in_dim3A : f32 to vector<1000x64xf32>
    %concatenate3A = tpu.concatenate %mul3A_56, %broadcast_in_dim3A_57 in 1 : vector<1000x64xf32>, vector<1000x64xf32> -> vector<1000x128xf32>
    %swap3A = arith.constant 0 : index
    %swap3A_58 = arith.constant 0 : index
    %swap3A_59 = vector.load %arg6[%swap3A, %swap3A_58] : memref<1000x128xf32, #tpu.memory_space<vmem>>, vector<1000x128xf32>
    tpu.vector_store %arg6[%swap3A, %swap3A_58], %concatenate3A {strides = array<i32>} : memref<1000x128xf32, #tpu.memory_space<vmem>>, vector<1000x128xf32>,
    return
  }
  func.func @transform_0(%arg0: i32) -> (i32, i32, i32) {
    %c0_i32 = arith.constant 0 : i32
    %c0_i32_0 = arith.constant 0 : i32
    %c0_i32_1 = arith.constant 0 : i32
    return %c0_i32, %arg0, %c0_i32_0 : i32, i32, i32
  }
  func.func @transform_1(%arg0: i32) -> (i32, i32, i32) {
    %c0_i32 = arith.constant 0 : i32
    %c0_i32_0 = arith.constant 0 : i32
    %c0_i32_1 = arith.constant 0 : i32
    return %c0_i32, %arg0, %c0_i32_0 : i32, i32, i32
  }
  func.func @transform_2(%arg0: i32) -> (i32, i32) {
    %c0_i32 = arith.constant 0 : i32
    %c0_i32_0 = arith.constant 0 : i32
    return %arg0, %c0_i32 : i32, i32
  }
  func.func @transform_3(%arg0: i32) -> (i32, i32, i32) {
    %c0_i32 = arith.constant 0 : i32
    %c0_i32_0 = arith.constant 0 : i32
    %c0_i32_1 = arith.constant 0 : i32
    %c0_i32_2 = arith.constant 0 : i32
    return %c0_i32, %c0_i32_0, %c0_i32_1 : i32, i32, i32
  }
  func.func @transform_4(%arg0: i32) -> (i32, i32) {
    %c0_i32 = arith.constant 0 : i32
    %c0_i32_0 = arith.constant 0 : i32
    %c0_i32_1 = arith.constant 0 : i32
    return %c0_i32, %c0_i32_0 : i32, i32
  }
  func.func @transform_5(%arg0: i32) -> (i32, i32) {
    %c0_i32 = arith.constant 0 : i32
    %c0_i32_0 = arith.constant 0 : i32
    return %arg0, %c0_i32 : i32, i32
  }
}

module attributes {stable_mosaic.version = 14 : i64} {
  func.func @_stage_f_body(%arg0: i32, %arg1: memref<1000x128xf32, #tpu.memory_space<vmem>>, %arg2: memref<1000x128xf32, #tpu.memory_space<vmem>>, %arg3: memref<1000x1xf32, #tpu.memory_space<vmem>>, %arg4: memref<1x64xf32, #tpu.memory_space<vmem>>, %arg5: memref<1000x64xf32, #tpu.memory_space<vmem>>) attributes {dimension_semantics = [#tpu.dimension_semantics<arbitrary>], iteration_bounds = array<i64: 10>, scalar_prefetch = 0 : i64, scratch_operands = 0 : i64, tpu.core_type = #tpu.core_type<tc>, window_params = [{transform_indices = @transform_0, window_bounds = array<i64: 1000, 128>}, {transform_indices = @transform_1, window_bounds = array<i64: 1000, 128>}, {transform_indices = @transform_2, window_bounds = array<i64: 1000, 1>}, {pipeline_mode = #tpu.pipeline_mode<synchronous>, transform_indices = @transform_3, window_bounds = array<i64: 1, 64>}, {transform_indices = @transform_4, window_bounds = array<i64: 1000, 64>}]} {
    %get3A = arith.constant 0 : index
    %get3A_0 = arith.constant 0 : index
    %get3A_1 = vector.load %arg3[%get3A, %get3A_0] : memref<1000x1xf32, #tpu.memory_space<vmem>>, vector<1000x1xf32>
    %get3A_2 = arith.constant 0 : index
    %get3A_3 = arith.constant 0 : index
    %get3A_4 = vector.load %arg2[%get3A_2, %get3A_3] : memref<1000x128xf32, #tpu.memory_space<vmem>>, vector<1000x64xf32>
    %get3A_5 = arith.constant 0 : index
    %get3A_6 = arith.constant 0 : index
    %get3A_7 = vector.load %arg1[%get3A_5, %get3A_6] : memref<1000x128xf32, #tpu.memory_space<vmem>>, vector<1000x64xf32>
    %add3A = arith.addf %get3A_7, %get3A_4 : vector<1000x64xf32>
    %mul3A = vector.broadcast %get3A_1 : vector<1000x1xf32> to vector<1000x64xf32>
    %mul3A_8 = arith.mulf %mul3A, %add3A : vector<1000x64xf32>
    %get3A_9 = arith.constant 0 : index
    %get3A_10 = arith.constant 0 : index
    %get3A_11 = vector.load %arg4[%get3A_9, %get3A_10] : memref<1x64xf32, #tpu.memory_space<vmem>>, vector<1x64xf32>
    %add3A_12 = vector.broadcast %get3A_11 : vector<1x64xf32> to vector<1000x64xf32>
    %add3A_13 = arith.addf %mul3A_8, %add3A_12 : vector<1000x64xf32>
    %swap3A = arith.constant 0 : index
    %swap3A_14 = arith.constant 0 : index
    %swap3A_15 = vector.load %arg5[%swap3A, %swap3A_14] : memref<1000x64xf32, #tpu.memory_space<vmem>>, vector<1000x64xf32>
    tpu.vector_store %arg5[%swap3A, %swap3A_14], %add3A_13 {strides = array<i32>} : memref<1000x64xf32, #tpu.memory_space<vmem>>, vector<1000x64xf32>,
    return
  }
  func.func @transform_0(%arg0: i32) -> (i32, i32) {
    %c0_i32 = arith.constant 0 : i32
    %c0_i32_0 = arith.constant 0 : i32
    return %arg0, %c0_i32 : i32, i32
  }
  func.func @transform_1(%arg0: i32) -> (i32, i32) {
    %c0_i32 = arith.constant 0 : i32
    %c0_i32_0 = arith.constant 0 : i32
    return %arg0, %c0_i32 : i32, i32
  }
  func.func @transform_2(%arg0: i32) -> (i32, i32) {
    %c0_i32 = arith.constant 0 : i32
    %c0_i32_0 = arith.constant 0 : i32
    return %arg0, %c0_i32 : i32, i32
  }
  func.func @transform_3(%arg0: i32) -> (i32, i32) {
    %c0_i32 = arith.constant 0 : i32
    %c0_i32_0 = arith.constant 0 : i32
    %c0_i32_1 = arith.constant 0 : i32
    return %c0_i32, %c0_i32_0 : i32, i32
  }
  func.func @transform_4(%arg0: i32) -> (i32, i32) {
    %c0_i32 = arith.constant 0 : i32
    %c0_i32_0 = arith.constant 0 : i32
    return %arg0, %c0_i32 : i32, i32
  }
}

</mosaic_0001>

<sc_bundles>
// kernel: kernel.12.cloned.1.call-start
scs
__scs_entry_jumppad:
0x0: {  	(pc) =	sbr.rel $0x88, $3  }
0x1: {  	(tag) =	ssettag $0x0;
	lr =	simm.s32 $0x1  }
0x2: {  	[smem:$0x3F9B] =	sst lr;
	_ =	strace $0xD0000000  }
0x3: {  	_ = 	snop  }
0x4: {  	_ = 	snop  }
0x5: {  	_ = 	snop  }
0x6: {  	_ = 	snop  }
0x7: {  	_ = 	snop  }
__scs_overlays_trampoline_lowered:
0x8: {  	[smem:$0x3FAA] =	sst s0  }
0x9: {  	[smem:$0x3FAB] =	sst s1  }
0xa: {  	[smem:$0x3FAC] =	sst s2  }
0xb: {  	[smem:$0x3FAD] =	sst s3  }
0xc: {  	[smem:$0x3FAE] =	sst s4  }
0xd: {  	[smem:$0x3FAF] =	sst s5  }
0xe: {  	[smem:$0x3FB0] =	sst s6  }
0xf: {  	[smem:$0x3FB1] =	sst s7  }
0x10: {  	[smem:$0x3FB2] =	sst s8  }
0x11: {  	[smem:$0x3FB3] =	sst s9;
	s0 =	simm.s32 @!p0 $0x0  }
0x12: {  	s1 =	sld [smem:$0x3F99];
	s0 =	simm.s32 @p0 $0x1  }
0x13: {  	[smem:$0x3FB4] =	sst s0;
	s0 =	simm.s32 @!p1 $0x0  }
0x14: {  	s2 =	sld [smem:$0x3F98];
	s0 =	simm.s32 @p1 $0x1  }
0x15: {  	[smem:$0x3FB5] =	sst s0;
	s0 =	simm.s32 @!p2 $0x0  }
0x16: {  	s3 =	sld [smem:$0x3FDB];
	s0 =	simm.s32 @p2 $0x1  }
0x17: {  	s4 =	simm.s32 $0x1BF5;
	[smem:$0x3FB7] =	sst s0  }
0x18: {  	s0 =	sld [smem:$0x3F9A];
	_ =	swait.ge [sflag:s4], $0x0  }
0x19: {  	s7 =	sld [smem:$0x3F9B]  }
0x1a: {  	s8 =	sadd.s32 $0xFFFFE003, lr  }
0x1b: {  	s9 =	sadd.s32 $0xFFFFFEF7, lr;
	s5 =	simm.s32 $0xFFFFFFFF;
	p2 =	slt.u32 s8, $0xFFFFF086  }
0x1c: {  	p1 =	slt.u32 s9, $0xF7A;
	s5 =	simm.s32 @!p2 $0x0  }
0x1d: {  	s5 =	simm.s32 @p1 $0x1;
	p0 =	seq.s32 s7, s2  }
0x1e: {  	s7 =	smul.u32 @!p0 $0xF7A, s2;
	p2 =	seq.s32 @!p0 s5, $0x0  }
0x1f: {  	s9 =	smul.u32 $0xF7A, s1;
	s8 =	simm.s32 @!p0 $0x1BF5;
	p2 =	por !p2, p0  }
0x20: {  	[sflag:s8] =	ssyncset.s32 @!p0 $0xFFFFF086;
	s6 =	sadd.s32 @!p0 s3, s7;
	s7 =	simm.s32 @!p0 $0x108  }
0x21: {  	s3 =	sadd.s32 s3, s9;
	s6 =	sadd.s32 @!p0 $0x88, s6;
	s7 =	simm.s32 @p2 $0x1082  }
0x22: {  	[simem:s7], [sflag:s8] =	dma.local @!p0 [hbm:s6], $0xF7A  }
0x23: {  	s9 =	sor.u32 $0xD0000000, s2;
	s6 =	simm.s32 $0x108;
	_ =	swait.ge @!p0 [sflag:s8], $0x0  }
0x24: {  	s3 =	sadd.s32 $0x88, s3;
	s6 =	simm.s32 @!p1 $0x1082;
	[sflag:s4] =	ssyncset.s32 $0xFFFFF086  }
0x25: {  	[simem:s6], [sflag:s4] =	dma.local [hbm:s3], $0xF7A  }
0x26: {  	[smem:$0x3F9B] =	sst s1;
	(tag) =	ssettag s2;
	_ =	strace s9  }
0x27: {  	s1 =	sld [smem:$0x3FAB]  }
0x28: {  	s2 =	sld [smem:$0x3FAC]  }
0x29: {  	s4 =	sld [smem:$0x3FAE]  }
0x2a: {  	p0 =	seq.s32 s5, $0x0;
	s5 =	sld [smem:$0x3FAF]  }
0x2b: {  	s6 =	sld [smem:$0x3FB0]  }
0x2c: {  	s7 =	sld [smem:$0x3FB1]  }
0x2d: {  	s3 =	simm.s32 $0x108;
	s8 =	sld [smem:$0x3FB2]  }
0x2e: {  	s3 =	simm.s32 @!p0 $0x1082;
	s9 =	sld [smem:$0x3FB3]  }
0x2f: {  	lr =	sadd.s32 s0, s3;
	s0 =	sld [smem:$0x3FAA]  }
0x30: {  	s3 =	sld [smem:$0x3FAD]  }
0x31: {  	[smem:$0x3FB6] =	sst s10  }
0x32: {  	s10 =	sld [smem:$0x3FB4];
	_ =	sdelay $0x3  }
0x33: {  	p0 =	seq.s32 s10, $0x1;
	s10 =	sld [smem:$0x3FB6];
	_ =	sdelay $0x3  }
0x34: {  	[smem:$0x3FB6] =	sst s10  }
0x35: {  	s10 =	sld [smem:$0x3FB5];
	_ =	sdelay $0x3  }
0x36: {  	p1 =	seq.s32 s10, $0x1;
	s10 =	sld [smem:$0x3FB6];
	_ =	sdelay $0x3  }
0x37: {  	[smem:$0x3FB6] =	sst s10  }
0x38: {  	s10 =	sld [smem:$0x3FB7]  }
0x39: {  	_ = 	snop;
	(pc) =	sbr.ind lr, $3  }
0x3a: {  	_ = 	snop  }
0x3b: {  	_ = 	snop  }
0x3c: {  	p2 =	seq.s32 s10, $0x1;
	s10 =	sld [smem:$0x3FB6]  }
0x3d: {  	_ =	shalt  }
0x3e: {  	_ =	shalt  }
0x3f: {  	_ =	shalt  }
0x40: {  	_ =	shalt  }
0x41: {  	_ =	shalt  }
0x42: {  	_ =	shalt  }
0x43: {  	_ =	shalt  }
0x44: {  	_ =	shalt  }
0x45: {  	_ =	shalt  }
0x46: {  	_ =	shalt  }
0x47: {  	_ =	shalt  }
0x48: {  	_ =	shalt  }
0x49: {  	_ =	shalt  }
0x4a: {  	_ =	shalt  }
0x4b: {  	_ =	shalt  }
0x4c: {  	_ =	shalt  }
0x4d: {  	_ =	shalt  }
0x4e: {  	_ =	shalt  }
0x4f: {  	_ =	shalt  }
0x50: {  	_ =	shalt  }
0x51: {  	_ =	shalt  }
0x52: {  	_ =	shalt  }
0x53: {  	_ =	shalt  }
0x54: {  	_ =	shalt  }
0x55: {  	_ =	shalt  }
0x56: {  	_ =	shalt  }
0x57: {  	_ =	shalt  }
0x58: {  	_ =	shalt  }
0x59: {  	_ =	shalt  }
0x5a: {  	_ =	shalt  }
0x5b: {  	_ =	shalt  }
0x5c: {  	_ =	shalt  }
0x5d: {  	_ =	shalt  }
0x5e: {  	_ =	shalt  }
0x5f: {  	_ =	shalt  }
0x60: {  	_ =	shalt  }
0x61: {  	_ =	shalt  }
0x62: {  	_ =	shalt  }
0x63: {  	_ =	shalt  }
0x64: {  	_ =	shalt  }
0x65: {  	_ =	shalt  }
0x66: {  	_ =	shalt  }
0x67: {  	_ =	shalt  }
0x68: {  	_ =	shalt  }
0x69: {  	_ =	shalt  }
0x6a: {  	_ =	shalt  }
0x6b: {  	_ =	shalt  }
0x6c: {  	_ =	shalt  }
0x6d: {  	_ =	shalt  }
0x6e: {  	_ =	shalt  }
0x6f: {  	_ =	shalt  }
0x70: {  	_ =	shalt  }
0x71: {  	_ =	shalt  }
0x72: {  	_ =	shalt  }
0x73: {  	_ =	shalt  }
0x74: {  	_ =	shalt  }
0x75: {  	_ =	shalt  }
0x76: {  	_ =	shalt  }
0x77: {  	_ =	shalt  }
0x78: {  	_ =	shalt  }
0x79: {  	_ =	shalt  }
0x7a: {  	_ =	shalt  }
0x7b: {  	_ =	shalt  }
0x7c: {  	_ =	shalt  }
0x7d: {  	_ =	shalt  }
0x7e: {  	_ =	shalt  }
0x7f: {  	_ =	shalt  }
0x80: {  	_ =	shalt  }
0x81: {  	_ =	shalt  }
0x82: {  	_ =	shalt  }
0x83: {  	_ =	shalt  }
0x84: {  	_ =	shalt  }
0x85: {  	_ =	shalt  }
0x86: {  	_ =	shalt  }
0x87: {  	_ =	shalt  }
.Lfunc_end0:
.L_simem_size_0:
called_computation.1_lowered:
.L_overlay_start_0:
0x88: {  	s2 =	sld [smem:$0x3FD9]  }
0x89: {  	s3 =	sld [smem:$0x3FFE];
	_ =	sdelay $0x1  }
0x8a: {  	s1 =	srdreg.scid  }
0x8b: {  	s0 =	sand.u32 $0x1, s1  }
0x8c: {  	s17 =	sshll.u32 s0, $0xA;
	s2 =	sadd.s32 s3, s2  }
0x8d: {  	s2 =	sadd.s32 s2, s17  }
0x8e: {  	[smem:$0x3FC2] =	sst s2  }
0x8f: {  	_ = 	snop  }
0x90: {  	s2 =	sld [smem:$0x3FD0];
	(tm) =	ssettm $0x1  }
0x91: {  	s18 =	sld [smem:$0x3FFB];
	_ =	sdelay $0x3  }
0x92: {  	_ =	strace s18  }
0x93: {  	s3 =	sld [smem:$0x3FFC];
	_ =	sdelay $0x3  }
0x94: {  	_ =	strace s3  }
0x95: {  	s3 =	sld [smem:$0x3FFD];
	_ =	sdelay $0x3  }
0x96: {  	_ =	strace s3  }
0x97: {  	_ =	strace $0x8FFFFFFF  }
0x98: {  	s19 =	sld [smem:$0x3FDB];
	_ =	sdelay $0x1  }
0x99: {  	s4 =	simm.s32 $_scs_section_size  }
0x9a: {  	s5 =	simm.s32 $_size__tile_overlayer_lowered;
	s6 =	simm.s32 $_tile_overlayer_lowered  }
0x9b: {  	s22 =	simm.s32 $0x1BFF;
	s21 =	sshll.u32 s6, $0x1;
	s3 =	sadd.s32 s4, s19  }
0x9c: {  	s7 =	simm.s32 $0x0;
	s20 =	sshll.u32 s5, $0x1;
	s5 =	sadd.s32 s21, s3  }
0x9d: {  	[timem:s7], [sflag:s22] =	dma.local [hbm:s5], s20  }
0x9e: {  	_ =	swait.ge [sflag:s22], s20  }
0x9f: {  	s4 =	ssub.s32 $0x0, s20;
	[sflag:s22] =	ssyncset.done $0x0  }
0xa0: {  	[sflag:s22] =	ssyncadd.s32 s4;
	_ =	sdelay $0x1  }
0xa1: {  	s23 =	simm.s32 $0x1B8B  }
0xa2: {  	_ =	swait.ge [sflag:s23], $0x1  }
0xa3: {  	[sflag:s23] =	ssyncset.done $0x0  }
0xa4: {  	s25 =	simm.s32 $0x1B8E;
	s24 =	sld [smem:$0x3FFE];
	[sflag:s23] =	ssyncadd.s32 $0xFFFFFFFF  }
0xa5: {  	s26 =	simm.s32 $execute0_lowered;
	[smem:$0x3FD2] =	sst s25  }
0xa6: {  	s5 =	sshll.u32 s26, $0x1;
	_ =	strace $0x80000049;
	[dreg:$0x1] =	wrdreg $0xFFFFFFFF  }
0xa7: {  	s28 =	simm.s32 $_size_execute0_lowered;
	s3 =	sadd.s32 s3, s5;
	[dreg:$0x0] =	wrdreg $0x0  }
0xa8: {  	s5 =	sshll.u32 s28, $0x1;
	[dreg:$0x2] =	wrdreg s3  }
0xa9: {  	[dreg:$0x3] =	wrdreg s5  }
0xaa: {  	[dreg:$0x4] =	wrdreg $0xC0  }
0xab: {  	_ =	task [dreg:s7], $0x5FFFF  }
0xac: {  	[dreg:$0x1] =	wrdreg $0xFFFFFFFF  }
0xad: {  	[dreg:$0x0] =	wrdreg $0x60  }
0xae: {  	[dreg:$0x2] =	wrdreg s24  }
0xaf: {  	[dreg:$0x3] =	wrdreg s2  }
0xb0: {  	[dreg:$0x4] =	wrdreg $0xF8000  }
0xb1: {  	[dreg:$0x5] =	wrdreg $0x9  }
0xb2: {  	_ =	task.clear_ibuf [dreg:s7], $0x6FFFF;
	_ =	strace $0x90000049  }
0xb3: {  	s29 =	simm.s32 $0x9;
	_ =	strace $0x8000004B  }
0xb4: {  	_ =	swait.ge [sflag:s29], $0x1  }
0xb5: {  	[sflag:s29] =	ssyncadd.s32 $0xFFFFFFFF  }
0xb6: {  	_ =	strace $0x9000004B  }
0xb7: {  	_ =	sfence  }
0xb8: {  	s30 =	sld [smem:$0x0];
	_ =	sdelay $0x2  }
0xb9: {  	s31 =	sshll.u32 s1, $0xD;
	s1 =	sshrl.u32 s1, $0x2  }
0xba: {  	s3 =	sand.u32 $0x4000, s31;
	s1 =	sadd.s32 s1, s30  }
0xbb: {  	s0 =	sor.u32 s3, s0;
	s1 =	sshll.u32 s1, $0x11  }
0xbc: {  	s0 =	sor.u32 s1, s0  }
0xbd: {  	s0 =	sadd.s32 $0x8F2B, s0  }
0xbe: {  	[sflag:s0] =	ssyncadd.remote.s32 $0x1  }
0xbf: {  	_ =	sfence.sel $0xFFFF  }
0xc0: {  	[dreg:$0x0] =	wrdreg $0xFFFFFFFF;
	(pc) =	sbr.abs _section_cstart, $3  }
0xc1: {  	[dreg:$0x1] =	wrdreg $0xFFFFFFFF  }
0xc2: {  	_ =	task.clear_ibuf [dreg:s7], $0x2FFFF;
	_ =	strace $0x9FFFFFFF  }
0xc3: {  	(tm) =	ssettm $0x7FFFFFFF  }
tec
execute0_lowered:
.L_overlay_start_1:
0x0: {  	(tag) =	ssettag $0x1  }
0x1: {  	s5 =	rddreg [dreg:$0x0]  }
0x2: {  	s6 =	rddreg [dreg:$0x1];
	s0 =	srdreg.scid  }
0x3: {  	s2 =	rddreg [dreg:$0x2];
	s1 =	stileid.u32;
	s3 =	simm.s32 $0x0  }
0x4: {  	s15 =	simm.s32 $0x7800;
	s16 =	simm.s32 $0x80;
	s17 =	simm.s32 $0xB800  }
0x5: {  	s18 =	simm.s32 $0x1;
	s19 =	simm.s32 $0x2;
	s8 =	smul.u32 $0x2800, s1  }
0x6: {  	s20 =	simm.s32 $0x2780;
	s21 =	simm.s32 $0x7700;
	s10 =	smul.u32 $0xA400, s1  }
0x7: {  	s22 =	simm.s32 $0x7780;
	s7 =	sand.u32 $0x1, s0;
	s11 =	smul.u32 $0x29000, s1  }
0x8: {  	s23 =	simm.s32 $0x0;
	s0 =	rddreg [dreg:$0x3];
	s4 =	smul.u32 $0x28000, s7  }
0x9: {  	[smem:$0x7FF] =	sst s3;
	s9 =	smul.u32 $0x148000, s7;
	s7 =	ssub.s32 $0x2, s7  }
0xa: {  	_ =	strace $0x8000004A;
	s31 =	sshrl.u32 s7, $0x1;
	s11 =	sshrl.u32 s11, $0x2  }
0xb: {  	s8 =	sadd.s32 s8, s4;
	s4 =	sadd.s32 $0x6600, s5;
	s9 =	sadd.s32 s10, s9  }
0xc: {  	s14 =	ssub.s32 s7, s31;
	s8 =	sshrl.u32 s8, $0x3;
	s9 =	sshrl.u32 s9, $0x3  }
0xd: {  	s12 =	sadd.s32 s8, s5;
	s13 =	sadd.s32 s9, s5;
	s5 =	sadd.s32 s11, s2  }
0xe: {  	s6 =	sadd.s32 s6, s8;
	s7 =	sadd.s32 $0x54800, s12;
	s8 =	sadd.s32 $0x4000, s5  }
0xf: {  	s9 =	sadd.s32 $0x8000, s5;
	s10 =	sadd.s32 $0x5E800, s13;
	s11 =	sadd.s32 $0x73000, s13  }
0x10: {  	v0 =	vimm.f32 $0.0e+00;
	s12 =	smax.u32 s14, $0x1;
	s13 =	simm.s32 $0x3;
	s14 =	simm.s32 $0x2800  }
.LBB2_1:
0x11: {  	[tilespmem:s3], [sflag:$0x3] =	stream.linear.gather [hbm4b:s6+s3], $0x2800, $0x38;
	[tilespmem:$0x19C00] =	vst v63  }
0x12: {  	_ =	swait.ge [sflag:s13], $0x2800  }
0x13: {  	[sflag:s13] =	ssyncset.done $0x0  }
0x14: {  	[sflag:s13] =	ssyncadd.s32 $0xFFFFD800  }
0x15: {  	[tilespmem:s14], [sflag:$0x3] =	stream.linear.gather [hbm4b:s7+s3], $0x2800, $0x38;
	[tilespmem:$0x19C00] =	vst v63  }
0x16: {  	_ =	swait.ge [sflag:s13], $0x2800  }
0x17: {  	[sflag:s13] =	ssyncset.done $0x0  }
0x18: {  	s25 =	simm.s32 $0x0;
	[sflag:s13] =	ssyncadd.s32 $0xFFFFD800  }
0x19: {  	v1 =	vld [tilespmem:s25+$0x2870]  }
0x1a: {  	v3 =	vld [tilespmem:s25+$0x2810]  }
0x1b: {  	v4 =	vld [tilespmem:s25+$0x2820]  }
0x1c: {  	v5 =	vld [tilespmem:s25+$0x2830]  }
0x1d: {  	v8 =	vld [tilespmem:s25+$0x2840]  }
0x1e: {  	v9 =	vld [tilespmem:s25+$0x2850]  }
0x1f: {  	v10 =	vld [tilespmem:s25+$0x2860];
	_ =	sdelay $0x1  }
0x20: {  	v2 =	vld [tilespmem:s25+$0x2800];
	v6 =	vand.u32 $0x7F, v1;
	vm0 =	vlt.u32 v1, $0x1400;
	vm1 =	vlt.u32 v3, $0x1400  }
0x21: {  	v14 =	vand.u32 $0x7F, v5;
	vm2 =	vlt.u32 v4, $0x1400;
	v6 =	vor.u32 $0x1400, v6  }
0x22: {  	v16 =	vand.u32 $0x7F, v8;
	vm3 =	vlt.u32 v5, $0x1400;
	v1 =	vsel vm0, v1, v6  }
0x23: {  	s24 =	simm.s32 $0x80;
	v17 =	vand.u32 $0x7F, v9;
	v62 =	vand.u32 $0x7F, v10;
	vm4 =	vlt.u32 v10, $0x1400;
	[tilespmem:s25+$0x5070] =	vst v1  }
0x24: {  	v14 =	vor.u32 $0x1400, v14;
	v16 =	vor.u32 $0x1400, v16;
	v6 =	vand.u32 $0x7F, v3;
	v11 =	vld [tilespmem:s24+$0x2870]  }
0x25: {  	vm0 =	vlt.u32 v2, $0x1400;
	v1 =	vand.u32 $0x7F, v2;
	v13 =	vor.u32 $0x1400, v6;
	v6 =	vld [tilespmem:s24+$0x2800]  }
0x26: {  	v14 =	vsel vm3, v5, v14;
	v12 =	vor.u32 $0x1400, v1;
	v1 =	vand.u32 $0x7F, v4;
	v7 =	vld [tilespmem:s24+$0x2810]  }
0x27: {  	v13 =	vsel vm1, v3, v13;
	v15 =	vor.u32 $0x1400, v1;
	v1 =	vld [tilespmem:s24+$0x2820];
	v12 =	vsel vm0, v2, v12  }
0x28: {  	vm1 =	vlt.u32 v9, $0x1400;
	v2 =	vld [tilespmem:s24+$0x2830];
	vm0 =	vlt.u32 v8, $0x1400;
	[tilespmem:s25+$0x5000] =	vst v12;
	v12 =	vor.u32 $0x1400, v17  }
0x29: {  	v17 =	vor.u32 $0x1400, v62;
	v3 =	vld [tilespmem:s24+$0x2840];
	[tilespmem:s25+$0x5010] =	vst v13;
	v13 =	vsel vm2, v4, v15;
	v15 =	vsel vm0, v8, v16  }
0x2a: {  	v63 =	vsel vm1, v9, v12;
	v9 =	vsel vm4, v10, v17;
	v5 =	vand.u32 $0x7F, v11  }
0x2b: {  	v4 =	vld [tilespmem:s24+$0x2850];
	[tilespmem:s25+$0x5020] =	vst v13;
	v8 =	vand.u32 $0x7F, v6;
	vm0 =	vlt.u32 v11, $0x1400;
	v10 =	vor.u32 $0x1400, v5  }
0x2c: {  	v12 =	vand.u32 $0x7F, v7;
	vm1 =	vlt.u32 v7, $0x1400;
	v5 =	vld [tilespmem:s24+$0x2860];
	[tilespmem:s25+$0x5030] =	vst v14;
	v11 =	vsel vm0, v11, v10  }
0x2d: {  	v8 =	vor.u32 $0x1400, v8;
	v10 =	vor.u32 $0x1400, v12;
	v12 =	vand.u32 $0x7F, v1;
	[tilespmem:s24+$0x5070] =	vst v11  }
0x2e: {  	vm2 =	vlt.u32 v1, $0x1400;
	v11 =	vor.u32 $0x1400, v12;
	v12 =	vand.u32 $0x7F, v2;
	[tilespmem:s25+$0x5040] =	vst v15  }
0x2f: {  	s26 =	simm.s32 $0x100;
	s28 =	simm.s32 $0x600;
	vm0 =	vlt.u32 v6, $0x1400;
	v13 =	vand.u32 $0x7F, v3;
	v12 =	vor.u32 $0x1400, v12;
	[tilespmem:s25+$0x5050] =	vst v63  }
.LBB2_2:
0x30: {  	p0 =	sne.s32 s28, $0x9E00;
	v14 =	vld [tilespmem:s26+$0x2870];
	vm3 =	vlt.u32 v2, $0x1400;
	v13 =	vor.u32 $0x1400, v13;
	v15 =	vand.u32 $0x7F, v4;
	[tilespmem:s25+$0x5060] =	vst v9;
	s25 =	smov.u32 s24;
	s24 =	smov.u32 s26  }
0x31: {  	vm4 =	vlt.u32 v3, $0x1400;
	v16 =	vld [tilespmem:s24+$0x2800];
	v9 =	vor.u32 $0x1400, v15;
	v15 =	vand.u32 $0x7F, v5  }
0x32: {  	vm5 =	vlt.u32 v4, $0x1400;
	vm6 =	vlt.u32 v5, $0x1400;
	v17 =	vld [tilespmem:s24+$0x2810];
	v15 =	vor.u32 $0x1400, v15  }
0x33: {  	v6 =	vsel vm0, v6, v8;
	v7 =	vsel vm1, v7, v10;
	v8 =	vsel vm2, v1, v11;
	v1 =	vld [tilespmem:s24+$0x2820]  }
0x34: {  	v10 =	vsel vm3, v2, v12;
	v12 =	vsel vm4, v3, v13;
	v18 =	vsel vm5, v4, v9;
	[tilespmem:s25+$0x5000] =	vst v6;
	v2 =	vld [tilespmem:s24+$0x2830]  }
0x35: {  	v9 =	vsel vm6, v5, v15;
	v3 =	vld [tilespmem:s24+$0x2840];
	v11 =	vand.u32 $0x7F, v14;
	[tilespmem:s25+$0x5010] =	vst v7  }
.Ltmp0:
0x36: {  	vm0 =	vlt.u32 v14, $0x1400;
	v5 =	vand.u32 $0x7F, v16;
	v4 =	vld [tilespmem:s24+$0x2850];
	v15 =	vor.u32 $0x1400, v11;
	[tilespmem:s25+$0x5020] =	vst v8;
	v6 =	vmovc v16;
	(pc) =	sbr.rel @p0 .LBB2_2-.Ltmp0, $4  }
0x37: {  	v8 =	vor.u32 $0x1400, v5;
	v11 =	vand.u32 $0x7F, v17;
	v5 =	vld [tilespmem:s24+$0x2860];
	v13 =	vsel vm0, v14, v15;
	[tilespmem:s25+$0x5030] =	vst v10;
	v7 =	vmovc v17  }
0x38: {  	vm0 =	vlt.u32 v6, $0x1400;
	v10 =	vor.u32 $0x1400, v11;
	v11 =	vand.u32 $0x7F, v1;
	[tilespmem:s24+$0x5070] =	vst v13  }
0x39: {  	vm1 =	vlt.u32 v7, $0x1400;
	v11 =	vor.u32 $0x1400, v11;
	v13 =	vand.u32 $0x7F, v2;
	[tilespmem:s25+$0x5040] =	vst v12  }
0x3a: {  	s26 =	sshra.s32 s28, $0x2;
	s28 =	sadd.s32 $0x200, s28;
	vm2 =	vlt.u32 v1, $0x1400;
	v12 =	vor.u32 $0x1400, v13;
	v13 =	vand.u32 $0x7F, v3;
	[tilespmem:s25+$0x5050] =	vst v18  }
0x3b: {  	v14 =	vld [tilespmem:s26+$0x2870];
	[tilespmem:s25+$0x5060] =	vst v9  }
0x3c: {  	v6 =	vsel vm0, v6, v8;
	vm14 =	vlt.u32 v2, $0x1400;
	v9 =	vld [tilespmem:s26+$0x2800]  }
0x3d: {  	v50 =	vor.u32 $0x1400, v13;
	v51 =	vand.u32 $0x7F, v4;
	v7 =	vsel vm1, v7, v10;
	v15 =	vld [tilespmem:s26+$0x2810]  }
0x3e: {  	vm15 =	vlt.u32 v3, $0x1400;
	vm3 =	vlt.u32 v4, $0x1400;
	v1 =	vsel vm2, v1, v11;
	v16 =	vld [tilespmem:s26+$0x2820]  }
0x3f: {  	v49 =	vld [tilespmem:s26+$0x2830];
	[tilespmem:s24+$0x5000] =	vst v6;
	v13 =	vor.u32 $0x1400, v51;
	v17 =	vand.u32 $0x7F, v5;
	vm4 =	vlt.u32 v5, $0x1400  }
0x40: {  	v2 =	vsel vm14, v2, v12;
	v52 =	vld [tilespmem:s26+$0x2840];
	[tilespmem:s24+$0x5010] =	vst v7;
	v53 =	vor.u32 $0x1400, v17;
	v54 =	vand.u32 $0x7F, v14  }
0x41: {  	v7 =	vld [tilespmem:s26+$0x2850];
	[tilespmem:s24+$0x5020] =	vst v1;
	v1 =	vsel vm15, v3, v50;
	vm8 =	vlt.u32 v14, $0x1400;
	v3 =	vor.u32 $0x1400, v54  }
0x42: {  	v4 =	vsel vm3, v4, v13;
	v55 =	vld [tilespmem:s26+$0x2860];
	[tilespmem:s24+$0x5030] =	vst v2;
	v2 =	vsel vm4, v5, v53;
	v3 =	vsel vm8, v14, v3  }
0x43: {  	v56 =	vand.u32 $0x7F, v9;
	v58 =	vand.u32 $0x7F, v15;
	vm9 =	vlt.u32 v9, $0x1400;
	[tilespmem:s26+$0x5070] =	vst v3  }
0x44: {  	v59 =	vand.u32 $0x7F, v16;
	vm10 =	vlt.u32 v15, $0x1400;
	v60 =	vand.u32 $0x7F, v49;
	[tilespmem:s24+$0x5040] =	vst v1  }
0x45: {  	vm11 =	vlt.u32 v16, $0x1400;
	vm12 =	vlt.u32 v49, $0x1400;
	v57 =	vor.u32 $0x1400, v56;
	[tilespmem:s24+$0x5050] =	vst v4  }
0x46: {  	v61 =	vor.u32 $0x1400, v60;
	v3 =	vor.u32 $0x1400, v58;
	[tilespmem:s24+$0x5060] =	vst v2;
	v2 =	vsel vm9, v9, v57  }
0x47: {  	v62 =	vand.u32 $0x7F, v52;
	vm13 =	vlt.u32 v52, $0x1400;
	v3 =	vsel vm10, v15, v3;
	[tilespmem:s26+$0x5000] =	vst v2  }
0x48: {  	v63 =	vand.u32 $0x7F, v7;
	v1 =	vor.u32 $0x1400, v59;
	v4 =	vsel vm12, v49, v61;
	[tilespmem:s26+$0x5010] =	vst v3  }
0x49: {  	vm14 =	vlt.u32 v7, $0x1400;
	v2 =	vor.u32 $0x1400, v62;
	v1 =	vsel vm11, v16, v1;
	[tilespmem:s26+$0x5030] =	vst v4  }
0x4a: {  	v3 =	vor.u32 $0x1400, v63;
	[tilespmem:s26+$0x5020] =	vst v1;
	v1 =	vand.u32 $0x7F, v55;
	v2 =	vsel vm13, v52, v2  }
0x4b: {  	vm15 =	vlt.u32 v55, $0x1400;
	v3 =	vsel vm14, v7, v3;
	v1 =	vor.u32 $0x1400, v1;
	[tilespmem:s26+$0x5040] =	vst v2  }
0x4c: {  	[tilespmem:s26+$0x5050] =	vst v3;
	v1 =	vsel vm15, v55, v1  }
0x4d: {  	s25 =	simm.s32 $0x200;
	s24 =	simm.s32 $0x0;
	[tilespmem:s26+$0x5060] =	vst v1  }
.LBB2_4:
0x4e: {  	p0 =	sne.s32 s25, $0xFE00;
	[tilespmem:s24+$0x7870] =	vst v0  }
0x4f: {  	[tilespmem:s24+$0x7800] =	vst v0  }
0x50: {  	[tilespmem:s24+$0x7810] =	vst v0  }
.Ltmp1:
0x51: {  	[tilespmem:s24+$0x7820] =	vst v0;
	(pc) =	sbr.rel @p0 .LBB2_4-.Ltmp1, $4  }
0x52: {  	[tilespmem:s24+$0x7830] =	vst v0  }
0x53: {  	[tilespmem:s24+$0x7840] =	vst v0  }
0x54: {  	[tilespmem:s24+$0x7850] =	vst v0  }
0x55: {  	[tilespmem:s24+$0x7860] =	vst v0;
	s24 =	sshra.s32 s25, $0x2;
	s25 =	sadd.s32 $0x200, s25  }
0x56: {  	[tilespmem:s24+$0x7870] =	vst v0  }
0x57: {  	[tilespmem:s24+$0x7800] =	vst v0  }
0x58: {  	[tilespmem:s24+$0x7810] =	vst v0  }
0x59: {  	[tilespmem:s24+$0x7820] =	vst v0  }
0x5a: {  	[tilespmem:s24+$0x7830] =	vst v0  }
0x5b: {  	[tilespmem:s24+$0x7840] =	vst v0  }
0x5c: {  	[tilespmem:s24+$0x7850] =	vst v0  }
0x5d: {  	[tilespmem:s24+$0x7860] =	vst v0  }
0x5e: {  	[spmem:s5] =	stream.linear.scatter [tilespmem:s15], [sflag:$0x3], $0x4000, $0x38;
	[tilespmem:$0x19C00] =	vst v63  }
0x5f: {  	_ =	swait.ge [sflag:s13], $0x4000  }
0x60: {  	[sflag:s13] =	ssyncset.done $0x0  }
0x61: {  	[sflag:s13] =	ssyncadd.s32 $0xFFFFC000  }
0x62: {  	[spmem:s8] =	stream.linear.scatter [tilespmem:s15], [sflag:$0x3], $0x4000, $0x38;
	[tilespmem:$0x19C00] =	vst v63  }
0x63: {  	_ =	swait.ge [sflag:s13], $0x4000  }
0x64: {  	[sflag:s13] =	ssyncset.done $0x0  }
0x65: {  	[sflag:s13] =	ssyncadd.s32 $0xFFFFC000  }
0x66: {  	[spmem:s9] =	stream.linear.scatter [tilespmem:s15], [sflag:$0x3], $0x2400, $0x38;
	[tilespmem:$0x19C00] =	vst v63  }
0x67: {  	_ =	swait.ge [sflag:s13], $0x2400  }
0x68: {  	[sflag:s13] =	ssyncset.done $0x0  }
0x69: {  	[sflag:s13] =	ssyncadd.s32 $0xFFFFDC00  }
0x6a: {  	s26 =	simm.s32 $0x0;
	[bflag:$0x0] =	sbarrier.arrive $0xFFFF  }
0x6b: {  	[tilespmem:s15], [sflag:$0x1] =	stream.indirect.gather [hbm4b:s4+s16], $0x80, s26, s16, $0xb8;
	[tilespmem:$0x19C00] =	vst v63  }
0x6c: {  	s28 =	simm.s32 $0x80  }
0x6d: {  	[tilespmem:s17], [sflag:$0x2] =	stream.indirect.gather [hbm4b:s4+s16], $0x80, s28, s16, $0xb8;
	[tilespmem:$0x19C00] =	vst v63  }
0x6e: {  	_ =	swait.ge [sflag:s18], $0x4000  }
0x6f: {  	[sflag:s18] =	ssyncset.done $0x0  }
0x70: {  	s29 =	simm.s32 $0x5000;
	[sflag:s18] =	ssyncadd.s32 $0xFFFFC000  }
0x71: {  	[spmem:s2] =	stream.indirect.scatter.add.f32 [tilespmem:s15], [sflag:$0x3], $0x80, s29, s16, $0xb8;
	[tilespmem:$0x19C00] =	vst v63  }
0x72: {  	_ =	swait.ge [sflag:s13], $0x4000  }
0x73: {  	[sflag:s13] =	ssyncset.done $0x0  }
0x74: {  	s30 =	simm.s32 $0x100;
	[sflag:s13] =	ssyncadd.s32 $0xFFFFC000  }
0x75: {  	[tilespmem:s15], [sflag:$0x1] =	stream.indirect.gather [hbm4b:s4+s16], $0x80, s30, s16, $0xb8;
	[tilespmem:$0x19C00] =	vst v63  }
0x76: {  	_ =	swait.ge [sflag:s19], $0x4000  }
0x77: {  	[sflag:s19] =	ssyncset.done $0x0  }
0x78: {  	s31 =	simm.s32 $0x5080;
	[sflag:s19] =	ssyncadd.s32 $0xFFFFC000  }
0x79: {  	[spmem:s2] =	stream.indirect.scatter.add.f32 [tilespmem:s17], [sflag:$0x3], $0x80, s31, s16, $0xb8;
	[tilespmem:$0x19C00] =	vst v63  }
0x7a: {  	_ =	swait.ge [sflag:s13], $0x4000  }
0x7b: {  	s25 =	simm.s32 $0x800;
	s24 =	simm.s32 $0x100;
	[sflag:s13] =	ssyncset.done $0x0  }
.LBB2_6:
0x7c: {  	s26 =	sadd.s32 $0x80, s24  }
0x7d: {  	[sflag:s13] =	ssyncadd.s32 $0xFFFFC000;
	s28 =	smov.u32 s25;
	s29 =	sadd.s32 $0x400, s25  }
0x7e: {  	[tilespmem:s17], [sflag:$0x2] =	stream.indirect.gather [hbm4b:s4+s16], $0x80, s26, s16, $0xb8;
	[tilespmem:$0x19C00] =	vst v63  }
0x7f: {  	p0 =	sne.s32 s25, $0x9800;
	_ =	swait.ge [sflag:s18], $0x4000  }
0x80: {  	[sflag:s18] =	ssyncset.done $0x0  }
0x81: {  	s25 =	sadd.s32 $0x5000, s24;
	[sflag:s18] =	ssyncadd.s32 $0xFFFFC000  }
0x82: {  	[spmem:s2] =	stream.indirect.scatter.add.f32 [tilespmem:s15], [sflag:$0x3], $0x80, s25, s16, $0xb8;
	[tilespmem:$0x19C00] =	vst v63  }
0x83: {  	_ =	swait.ge [sflag:s13], $0x4000  }
0x84: {  	[sflag:s13] =	ssyncset.done $0x0  }
0x85: {  	s25 =	sadd.s32 $0x100, s24;
	[sflag:s13] =	ssyncadd.s32 $0xFFFFC000  }
0x86: {  	[tilespmem:s15], [sflag:$0x1] =	stream.indirect.gather [hbm4b:s4+s16], $0x80, s25, s16, $0xb8;
	[tilespmem:$0x19C00] =	vst v63  }
0x87: {  	_ =	swait.ge [sflag:s19], $0x4000  }
.Ltmp2:
0x88: {  	[sflag:s19] =	ssyncset.done $0x0;
	(pc) =	sbr.rel @p0 .LBB2_6-.Ltmp2, $4  }
0x89: {  	s24 =	sadd.s32 $0x5080, s24;
	[sflag:s19] =	ssyncadd.s32 $0xFFFFC000  }
0x8a: {  	[spmem:s2] =	stream.indirect.scatter.add.f32 [tilespmem:s17], [sflag:$0x3], $0x80, s24, s16, $0xb8;
	[tilespmem:$0x19C00] =	vst v63  }
0x8b: {  	_ =	swait.ge [sflag:s13], $0x4000  }
0x8c: {  	s25 =	smov.u32 s29;
	s24 =	sshra.s32 s28, $0x2;
	[sflag:s13] =	ssyncset.done $0x0  }
0x8d: {  	s25 =	sadd.s32 $0x80, s24;
	[sflag:s13] =	ssyncadd.s32 $0xFFFFC000  }
0x8e: {  	[tilespmem:s17], [sflag:$0x2] =	stream.indirect.gather [hbm4b:s4+s16], $0x80, s25, s16, $0xb8;
	[tilespmem:$0x19C00] =	vst v63  }
0x8f: {  	_ =	swait.ge [sflag:s18], $0x4000  }
0x90: {  	[sflag:s18] =	ssyncset.done $0x0  }
0x91: {  	s26 =	sadd.s32 $0x5000, s24;
	[sflag:s18] =	ssyncadd.s32 $0xFFFFC000  }
0x92: {  	[spmem:s2] =	stream.indirect.scatter.add.f32 [tilespmem:s15], [sflag:$0x3], $0x80, s26, s16, $0xb8;
	[tilespmem:$0x19C00] =	vst v63  }
0x93: {  	_ =	swait.ge [sflag:s13], $0x4000  }
0x94: {  	[sflag:s13] =	ssyncset.done $0x0  }
0x95: {  	s26 =	sadd.s32 $0x100, s24;
	[sflag:s13] =	ssyncadd.s32 $0xFFFFC000  }
0x96: {  	[tilespmem:s15], [sflag:$0x1] =	stream.indirect.gather [hbm4b:s4+s16], $0x80, s26, s16, $0xb8;
	[tilespmem:$0x19C00] =	vst v63  }
0x97: {  	_ =	swait.ge [sflag:s19], $0x4000  }
0x98: {  	[sflag:s19] =	ssyncset.done $0x0  }
0x99: {  	s25 =	sadd.s32 $0x5080, s24;
	[sflag:s19] =	ssyncadd.s32 $0xFFFFC000  }
0x9a: {  	[spmem:s2] =	stream.indirect.scatter.add.f32 [tilespmem:s17], [sflag:$0x3], $0x80, s25, s16, $0xb8;
	[tilespmem:$0x19C00] =	vst v63  }
0x9b: {  	_ =	swait.ge [sflag:s13], $0x4000  }
0x9c: {  	[sflag:s13] =	ssyncset.done $0x0  }
0x9d: {  	[sflag:s13] =	ssyncadd.s32 $0xFFFFC000  }
0x9e: {  	[tilespmem:s17], [sflag:$0x2] =	stream.indirect.gather [hbm4b:s4+s16], $0x80, s20, s16, $0xb8;
	[tilespmem:$0x19C00] =	vst v63  }
0x9f: {  	_ =	swait.ge [sflag:s18], $0x4000  }
0xa0: {  	[sflag:s18] =	ssyncset.done $0x0  }
0xa1: {  	[sflag:s18] =	ssyncadd.s32 $0xFFFFC000  }
0xa2: {  	[spmem:s2] =	stream.indirect.scatter.add.f32 [tilespmem:s15], [sflag:$0x3], $0x80, s21, s16, $0xb8;
	[tilespmem:$0x19C00] =	vst v63  }
0xa3: {  	_ =	swait.ge [sflag:s13], $0x4000  }
0xa4: {  	[sflag:s13] =	ssyncset.done $0x0  }
0xa5: {  	[sflag:s13] =	ssyncadd.s32 $0xFFFFC000  }
0xa6: {  	_ =	swait.ge [sflag:s19], $0x4000  }
0xa7: {  	[sflag:s19] =	ssyncset.done $0x0  }
0xa8: {  	[sflag:s19] =	ssyncadd.s32 $0xFFFFC000  }
0xa9: {  	[spmem:s2] =	stream.indirect.scatter.add.f32 [tilespmem:s17], [sflag:$0x3], $0x80, s22, s16, $0xb8;
	[tilespmem:$0x19C00] =	vst v63  }
0xaa: {  	_ =	swait.ge [sflag:s13], $0x4000  }
0xab: {  	[sflag:s13] =	ssyncset.done $0x0  }
0xac: {  	s26 =	sshll.u32 s1, $0x6;
	[sflag:s13] =	ssyncadd.s32 $0xFFFFC000  }
0xad: {  	s24 =	sor.u32 $0x1C03, s26;
	s25 =	sshrl.u32 s5, $0x3;
	[bflag:$0x0] =	sbarrier.arrive $0xFFFF  }
0xae: {  	[hbm:s10], [sflag:s24] =	dma.local [spmem:s25], $0x1480  }
0xaf: {  	_ =	swait.ge [sflag:s13], $0x1480  }
0xb0: {  	[sflag:s13] =	ssyncset.done $0x0  }
0xb1: {  	[sflag:s13] =	ssyncadd.s32 $0xFFFFEB80  }
0xb2: {  	s26 =	simm.s32 $0x0;
	[bflag:$0x0] =	sbarrier.arrive $0xFFFF  }
0xb3: {  	v1 =	vld [tilespmem:s26+$0x2870]  }
0xb4: {  	v2 =	vld [tilespmem:s26+$0x2800]  }
0xb5: {  	v4 =	vld [tilespmem:s26+$0x2810]  }
0xb6: {  	v5 =	vld [tilespmem:s26+$0x2820]  }
0xb7: {  	v7 =	vld [tilespmem:s26+$0x2840]  }
0xb8: {  	v11 =	vld [tilespmem:s26+$0x2850]  }
0xb9: {  	v6 =	vld [tilespmem:s26+$0x2830]  }
0xba: {  	v8 =	vadd.s32 $0xFFFFEC00, v1;
	v3 =	vand.u32 $0x7F, v1  }
0xbb: {  	v1 =	vadd.s32 $0xFFFFEC00, v2;
	v10 =	vand.u32 $0x7F, v2;
	v13 =	vand.u32 $0x7F, v4  }
0xbc: {  	v14 =	vld [tilespmem:s26+$0x2860];
	v2 =	vadd.s32 $0xFFFFEC00, v5;
	v16 =	vand.u32 $0x7F, v5;
	v5 =	vadd.s32 $0xFFFFEC00, v7  }
0xbd: {  	v12 =	vand.u32 $0x7F, v11;
	vm0 =	vlt.u32 v8, $0x1400;
	v9 =	vor.u32 $0x1400, v3  }
0xbe: {  	v3 =	vadd.s32 $0xFFFFEC00, v4;
	v4 =	vadd.s32 $0xFFFFEC00, v6;
	v13 =	vor.u32 $0x1400, v13  }
0xbf: {  	vm2 =	vlt.u32 v2, $0x1400;
	v15 =	vsel vm0, v8, v9;
	vm0 =	vlt.u32 v1, $0x1400  }
0xc0: {  	v9 =	vand.u32 $0x7F, v6;
	v8 =	vor.u32 $0x1400, v10;
	v10 =	vand.u32 $0x7F, v7  }
0xc1: {  	s28 =	simm.s32 $0x200;
	vm1 =	vlt.u32 v3, $0x1400;
	v6 =	vadd.s32 $0xFFFFEC00, v11;
	v7 =	vadd.s32 $0xFFFFEC00, v14  }
0xc2: {  	s29 =	simm.s32 $0x80;
	s31 =	simm.s32 $0x400;
	s30 =	simm.s32 $0x0;
	v11 =	vand.u32 $0x7F, v14;
	v14 =	vor.u32 $0x1400, v16;
	vm3 =	vlt.u32 v4, $0x1400;
	[tilespmem:s26+$0x5070] =	vst v15  }
.LBB2_8:
0xc3: {  	p0 =	sne.s32 s31, $0x9E00;
	v15 =	vld [tilespmem:s29+$0x2870];
	v9 =	vor.u32 $0x1400, v9;
	vm4 =	vlt.u32 v5, $0x1400;
	v10 =	vor.u32 $0x1400, v10  }
0xc4: {  	vm5 =	vlt.u32 v6, $0x1400;
	v12 =	vor.u32 $0x1400, v12;
	vm6 =	vlt.u32 v7, $0x1400;
	v16 =	vld [tilespmem:s29+$0x2800]  }
0xc5: {  	v1 =	vsel vm0, v1, v8;
	v3 =	vsel vm1, v3, v13;
	v8 =	vor.u32 $0x1400, v11;
	v17 =	vld [tilespmem:s29+$0x2810]  }
0xc6: {  	v11 =	vld [tilespmem:s29+$0x2820];
	[tilespmem:s30+$0x5000] =	vst v1;
	v1 =	vsel vm2, v2, v14;
	v2 =	vsel vm3, v4, v9;
	v4 =	vsel vm4, v5, v10  }
0xc7: {  	v6 =	vsel vm5, v6, v12;
	v7 =	vsel vm6, v7, v8;
	v5 =	vld [tilespmem:s29+$0x2830];
	[tilespmem:s30+$0x5010] =	vst v3  }
0xc8: {  	v10 =	vld [tilespmem:s29+$0x2840];
	v8 =	vadd.s32 $0xFFFFEC00, v15;
	v3 =	vand.u32 $0x7F, v15;
	[tilespmem:s30+$0x5020] =	vst v1  }
0xc9: {  	v1 =	vadd.s32 $0xFFFFEC00, v16;
	v12 =	vld [tilespmem:s29+$0x2850];
	vm0 =	vlt.u32 v8, $0x1400;
	v9 =	vor.u32 $0x1400, v3;
	[tilespmem:s30+$0x5030] =	vst v2  }
0xca: {  	v13 =	vand.u32 $0x7F, v16;
	v3 =	vadd.s32 $0xFFFFEC00, v17;
	v14 =	vld [tilespmem:s29+$0x2860];
	v8 =	vsel vm0, v8, v9;
	[tilespmem:s30+$0x5040] =	vst v4  }
0xcb: {  	v15 =	vand.u32 $0x7F, v17;
	v2 =	vadd.s32 $0xFFFFEC00, v11;
	v16 =	vand.u32 $0x7F, v11;
	[tilespmem:s29+$0x5070] =	vst v8  }
.Ltmp3:
0xcc: {  	vm0 =	vlt.u32 v1, $0x1400;
	v4 =	vadd.s32 $0xFFFFEC00, v5;
	v9 =	vand.u32 $0x7F, v5;
	[tilespmem:s30+$0x5050] =	vst v6;
	(pc) =	sbr.rel @p0 .LBB2_8-.Ltmp3, $4  }
0xcd: {  	v8 =	vor.u32 $0x1400, v13;
	v5 =	vadd.s32 $0xFFFFEC00, v10;
	v10 =	vand.u32 $0x7F, v10;
	[tilespmem:s30+$0x5060] =	vst v7;
	s30 =	smov.u32 s29  }
0xce: {  	vm1 =	vlt.u32 v3, $0x1400;
	v6 =	vadd.s32 $0xFFFFEC00, v12;
	v12 =	vand.u32 $0x7F, v12  }
0xcf: {  	v13 =	vor.u32 $0x1400, v15;
	v7 =	vadd.s32 $0xFFFFEC00, v14;
	v11 =	vand.u32 $0x7F, v14  }
0xd0: {  	vm2 =	vlt.u32 v2, $0x1400;
	s29 =	sshra.s32 s31, $0x2;
	s31 =	sadd.s32 $0x200, s31;
	vm3 =	vlt.u32 v4, $0x1400;
	v14 =	vor.u32 $0x1400, v16  }
0xd1: {  	v15 =	vld [tilespmem:s29+$0x2870]  }
0xd2: {  	v16 =	vld [tilespmem:s29+$0x2800];
	v1 =	vsel vm0, v1, v8;
	v9 =	vor.u32 $0x1400, v9  }
0xd3: {  	v17 =	vld [tilespmem:s29+$0x2810];
	vm14 =	vlt.u32 v5, $0x1400;
	v3 =	vsel vm1, v3, v13;
	vm15 =	vlt.u32 v6, $0x1400  }
0xd4: {  	v47 =	vld [tilespmem:s29+$0x2820];
	v12 =	vor.u32 $0x1400, v12;
	vm4 =	vlt.u32 v7, $0x1400;
	v2 =	vsel vm2, v2, v14;
	[tilespmem:s30+$0x5000] =	vst v1  }
0xd5: {  	v1 =	vor.u32 $0x1400, v10;
	v4 =	vsel vm3, v4, v9;
	v48 =	vld [tilespmem:s29+$0x2830];
	[tilespmem:s30+$0x5010] =	vst v3;
	v3 =	vor.u32 $0x1400, v11  }
0xd6: {  	v50 =	vsel vm15, v6, v12;
	v1 =	vsel vm14, v5, v1;
	v3 =	vsel vm4, v7, v3  }
0xd7: {  	v49 =	vld [tilespmem:s29+$0x2840];
	[tilespmem:s30+$0x5020] =	vst v2;
	v2 =	vadd.s32 $0xFFFFEC00, v15;
	v51 =	vand.u32 $0x7F, v15;
	v52 =	vadd.s32 $0xFFFFEC00, v16  }
0xd8: {  	v54 =	vand.u32 $0x7F, v16;
	v55 =	vadd.s32 $0xFFFFEC00, v17;
	v57 =	vand.u32 $0x7F, v17  }
0xd9: {  	v58 =	vadd.s32 $0xFFFFEC00, v47;
	v8 =	vand.u32 $0x7F, v47;
	vm8 =	vlt.u32 v2, $0x1400  }
0xda: {  	v53 =	vld [tilespmem:s29+$0x2850];
	[tilespmem:s30+$0x5030] =	vst v4;
	v6 =	vor.u32 $0x1400, v51;
	vm9 =	vlt.u32 v52, $0x1400;
	v4 =	vor.u32 $0x1400, v54  }
0xdb: {  	v56 =	vld [tilespmem:s29+$0x2860];
	[tilespmem:s30+$0x5040] =	vst v1;
	vm10 =	vlt.u32 v55, $0x1400;
	vm11 =	vlt.u32 v58, $0x1400;
	v2 =	vsel vm8, v2, v6  }
0xdc: {  	v60 =	vor.u32 $0x1400, v8;
	v1 =	vadd.s32 $0xFFFFEC00, v48;
	v10 =	vand.u32 $0x7F, v48;
	[tilespmem:s29+$0x5070] =	vst v2  }
0xdd: {  	v6 =	vor.u32 $0x1400, v57;
	v4 =	vsel vm9, v52, v4;
	v7 =	vsel vm11, v58, v60;
	[tilespmem:s30+$0x5050] =	vst v50  }
0xde: {  	v2 =	vadd.s32 $0xFFFFEC00, v49;
	v9 =	vand.u32 $0x7F, v49;
	v6 =	vsel vm10, v55, v6;
	[tilespmem:s30+$0x5060] =	vst v3  }
0xdf: {  	vm12 =	vlt.u32 v1, $0x1400;
	v61 =	vor.u32 $0x1400, v10;
	v59 =	vadd.s32 $0xFFFFEC00, v53;
	[tilespmem:s29+$0x5000] =	vst v4  }
0xe0: {  	v11 =	vand.u32 $0x7F, v53;
	vm13 =	vlt.u32 v2, $0x1400;
	v62 =	vor.u32 $0x1400, v9;
	[tilespmem:s29+$0x5010] =	vst v6  }
0xe1: {  	v1 =	vsel vm12, v1, v61;
	v3 =	vadd.s32 $0xFFFFEC00, v56;
	v13 =	vand.u32 $0x7F, v56;
	[tilespmem:s29+$0x5020] =	vst v7  }
0xe2: {  	vm14 =	vlt.u32 v59, $0x1400;
	v63 =	vor.u32 $0x1400, v11;
	v2 =	vsel vm13, v2, v62;
	[tilespmem:s29+$0x5030] =	vst v1  }
0xe3: {  	vm15 =	vlt.u32 v3, $0x1400;
	v1 =	vor.u32 $0x1400, v13;
	v4 =	vsel vm14, v59, v63;
	[tilespmem:s29+$0x5040] =	vst v2  }
0xe4: {  	v1 =	vsel vm15, v3, v1;
	[tilespmem:s29+$0x5050] =	vst v4  }
0xe5: {  	[tilespmem:s29+$0x5060] =	vst v1  }
.LBB2_10:
0xe6: {  	p0 =	sne.s32 s28, $0xFE00;
	[tilespmem:s26+$0x7870] =	vst v0  }
0xe7: {  	[tilespmem:s26+$0x7800] =	vst v0  }
0xe8: {  	[tilespmem:s26+$0x7810] =	vst v0  }
.Ltmp4:
0xe9: {  	[tilespmem:s26+$0x7820] =	vst v0;
	(pc) =	sbr.rel @p0 .LBB2_10-.Ltmp4, $4  }
0xea: {  	[tilespmem:s26+$0x7830] =	vst v0  }
0xeb: {  	[tilespmem:s26+$0x7840] =	vst v0  }
0xec: {  	[tilespmem:s26+$0x7850] =	vst v0  }
0xed: {  	[tilespmem:s26+$0x7860] =	vst v0;
	s26 =	sshra.s32 s28, $0x2;
	s28 =	sadd.s32 $0x200, s28  }
0xee: {  	[tilespmem:s26+$0x7870] =	vst v0  }
0xef: {  	[tilespmem:s26+$0x7800] =	vst v0  }
0xf0: {  	[tilespmem:s26+$0x7810] =	vst v0  }
0xf1: {  	[tilespmem:s26+$0x7820] =	vst v0  }
0xf2: {  	[tilespmem:s26+$0x7830] =	vst v0  }
0xf3: {  	[tilespmem:s26+$0x7840] =	vst v0  }
0xf4: {  	[tilespmem:s26+$0x7850] =	vst v0  }
0xf5: {  	[tilespmem:s26+$0x7860] =	vst v0  }
0xf6: {  	[spmem:s5] =	stream.linear.scatter [tilespmem:s15], [sflag:$0x3], $0x4000, $0x38;
	[tilespmem:$0x19C00] =	vst v63  }
0xf7: {  	_ =	swait.ge [sflag:s13], $0x4000  }
0xf8: {  	[sflag:s13] =	ssyncset.done $0x0  }
0xf9: {  	[sflag:s13] =	ssyncadd.s32 $0xFFFFC000  }
0xfa: {  	[spmem:s8] =	stream.linear.scatter [tilespmem:s15], [sflag:$0x3], $0x4000, $0x38;
	[tilespmem:$0x19C00] =	vst v63  }
0xfb: {  	_ =	swait.ge [sflag:s13], $0x4000  }
0xfc: {  	[sflag:s13] =	ssyncset.done $0x0  }
0xfd: {  	[sflag:s13] =	ssyncadd.s32 $0xFFFFC000  }
0xfe: {  	[spmem:s9] =	stream.linear.scatter [tilespmem:s15], [sflag:$0x3], $0x2400, $0x38;
	[tilespmem:$0x19C00] =	vst v63  }
0xff: {  	_ =	swait.ge [sflag:s13], $0x2400  }
0x100: {  	[sflag:s13] =	ssyncset.done $0x0  }
0x101: {  	[sflag:s13] =	ssyncadd.s32 $0xFFFFDC00  }
0x102: {  	s30 =	simm.s32 $0x0;
	[bflag:$0x0] =	sbarrier.arrive $0xFFFF  }
0x103: {  	[tilespmem:s15], [sflag:$0x1] =	stream.indirect.gather [hbm4b:s4+s16], $0x80, s30, s16, $0xb8;
	[tilespmem:$0x19C00] =	vst v63  }
0x104: {  	s31 =	simm.s32 $0x80  }
0x105: {  	[tilespmem:s17], [sflag:$0x2] =	stream.indirect.gather [hbm4b:s4+s16], $0x80, s31, s16, $0xb8;
	[tilespmem:$0x19C00] =	vst v63  }
0x106: {  	_ =	swait.ge [sflag:s18], $0x4000  }
0x107: {  	[sflag:s18] =	ssyncset.done $0x0  }
0x108: {  	s29 =	simm.s32 $0x5000;
	[sflag:s18] =	ssyncadd.s32 $0xFFFFC000  }
0x109: {  	[spmem:s2] =	stream.indirect.scatter.add.f32 [tilespmem:s15], [sflag:$0x3], $0x80, s29, s16, $0xb8;
	[tilespmem:$0x19C00] =	vst v63  }
0x10a: {  	_ =	swait.ge [sflag:s13], $0x4000  }
0x10b: {  	[sflag:s13] =	ssyncset.done $0x0  }
0x10c: {  	s30 =	simm.s32 $0x100;
	[sflag:s13] =	ssyncadd.s32 $0xFFFFC000  }
0x10d: {  	[tilespmem:s15], [sflag:$0x1] =	stream.indirect.gather [hbm4b:s4+s16], $0x80, s30, s16, $0xb8;
	[tilespmem:$0x19C00] =	vst v63  }
0x10e: {  	_ =	swait.ge [sflag:s19], $0x4000  }
0x10f: {  	[sflag:s19] =	ssyncset.done $0x0  }
0x110: {  	s31 =	simm.s32 $0x5080;
	[sflag:s19] =	ssyncadd.s32 $0xFFFFC000  }
0x111: {  	[spmem:s2] =	stream.indirect.scatter.add.f32 [tilespmem:s17], [sflag:$0x3], $0x80, s31, s16, $0xb8;
	[tilespmem:$0x19C00] =	vst v63  }
0x112: {  	_ =	swait.ge [sflag:s13], $0x4000  }
0x113: {  	s28 =	simm.s32 $0x800;
	s26 =	simm.s32 $0x100;
	[sflag:s13] =	ssyncset.done $0x0  }
.LBB2_12:
0x114: {  	s29 =	sadd.s32 $0x80, s26  }
0x115: {  	[sflag:s13] =	ssyncadd.s32 $0xFFFFC000;
	s30 =	smov.u32 s28;
	s31 =	sadd.s32 $0x400, s28  }
0x116: {  	[tilespmem:s17], [sflag:$0x2] =	stream.indirect.gather [hbm4b:s4+s16], $0x80, s29, s16, $0xb8;
	[tilespmem:$0x19C00] =	vst v63  }
0x117: {  	p0 =	sne.s32 s28, $0x9800;
	_ =	swait.ge [sflag:s18], $0x4000  }
0x118: {  	[sflag:s18] =	ssyncset.done $0x0  }
0x119: {  	s28 =	sadd.s32 $0x5000, s26;
	[sflag:s18] =	ssyncadd.s32 $0xFFFFC000  }
0x11a: {  	[spmem:s2] =	stream.indirect.scatter.add.f32 [tilespmem:s15], [sflag:$0x3], $0x80, s28, s16, $0xb8;
	[tilespmem:$0x19C00] =	vst v63  }
0x11b: {  	_ =	swait.ge [sflag:s13], $0x4000  }
0x11c: {  	[sflag:s13] =	ssyncset.done $0x0  }
0x11d: {  	s28 =	sadd.s32 $0x100, s26;
	[sflag:s13] =	ssyncadd.s32 $0xFFFFC000  }
0x11e: {  	[tilespmem:s15], [sflag:$0x1] =	stream.indirect.gather [hbm4b:s4+s16], $0x80, s28, s16, $0xb8;
	[tilespmem:$0x19C00] =	vst v63  }
0x11f: {  	_ =	swait.ge [sflag:s19], $0x4000  }
.Ltmp5:
0x120: {  	[sflag:s19] =	ssyncset.done $0x0;
	(pc) =	sbr.rel @p0 .LBB2_12-.Ltmp5, $4  }
0x121: {  	s26 =	sadd.s32 $0x5080, s26;
	[sflag:s19] =	ssyncadd.s32 $0xFFFFC000  }
0x122: {  	[spmem:s2] =	stream.indirect.scatter.add.f32 [tilespmem:s17], [sflag:$0x3], $0x80, s26, s16, $0xb8;
	[tilespmem:$0x19C00] =	vst v63  }
0x123: {  	_ =	swait.ge [sflag:s13], $0x4000  }
0x124: {  	s28 =	smov.u32 s31;
	s26 =	sshra.s32 s30, $0x2;
	[sflag:s13] =	ssyncset.done $0x0  }
0x125: {  	s28 =	sadd.s32 $0x80, s26;
	[sflag:s13] =	ssyncadd.s32 $0xFFFFC000  }
0x126: {  	[tilespmem:s17], [sflag:$0x2] =	stream.indirect.gather [hbm4b:s4+s16], $0x80, s28, s16, $0xb8;
	[tilespmem:$0x19C00] =	vst v63  }
0x127: {  	_ =	swait.ge [sflag:s18], $0x4000  }
0x128: {  	[sflag:s18] =	ssyncset.done $0x0  }
0x129: {  	s29 =	sadd.s32 $0x5000, s26;
	[sflag:s18] =	ssyncadd.s32 $0xFFFFC000  }
0x12a: {  	[spmem:s2] =	stream.indirect.scatter.add.f32 [tilespmem:s15], [sflag:$0x3], $0x80, s29, s16, $0xb8;
	[tilespmem:$0x19C00] =	vst v63  }
0x12b: {  	_ =	swait.ge [sflag:s13], $0x4000  }
0x12c: {  	[sflag:s13] =	ssyncset.done $0x0  }
0x12d: {  	s30 =	sadd.s32 $0x100, s26;
	[sflag:s13] =	ssyncadd.s32 $0xFFFFC000  }
0x12e: {  	[tilespmem:s15], [sflag:$0x1] =	stream.indirect.gather [hbm4b:s4+s16], $0x80, s30, s16, $0xb8;
	[tilespmem:$0x19C00] =	vst v63  }
0x12f: {  	_ =	swait.ge [sflag:s19], $0x4000  }
0x130: {  	[sflag:s19] =	ssyncset.done $0x0  }
0x131: {  	s31 =	sadd.s32 $0x5080, s26;
	[sflag:s19] =	ssyncadd.s32 $0xFFFFC000  }
0x132: {  	[spmem:s2] =	stream.indirect.scatter.add.f32 [tilespmem:s17], [sflag:$0x3], $0x80, s31, s16, $0xb8;
	[tilespmem:$0x19C00] =	vst v63  }
0x133: {  	_ =	swait.ge [sflag:s13], $0x4000  }
0x134: {  	[sflag:s13] =	ssyncset.done $0x0  }
0x135: {  	[sflag:s13] =	ssyncadd.s32 $0xFFFFC000  }
0x136: {  	[tilespmem:s17], [sflag:$0x2] =	stream.indirect.gather [hbm4b:s4+s16], $0x80, s20, s16, $0xb8;
	[tilespmem:$0x19C00] =	vst v63  }
0x137: {  	_ =	swait.ge [sflag:s18], $0x4000  }
0x138: {  	[sflag:s18] =	ssyncset.done $0x0  }
0x139: {  	[sflag:s18] =	ssyncadd.s32 $0xFFFFC000  }
0x13a: {  	[spmem:s2] =	stream.indirect.scatter.add.f32 [tilespmem:s15], [sflag:$0x3], $0x80, s21, s16, $0xb8;
	[tilespmem:$0x19C00] =	vst v63  }
0x13b: {  	_ =	swait.ge [sflag:s13], $0x4000  }
0x13c: {  	[sflag:s13] =	ssyncset.done $0x0  }
0x13d: {  	[sflag:s13] =	ssyncadd.s32 $0xFFFFC000  }
0x13e: {  	_ =	swait.ge [sflag:s19], $0x4000  }
0x13f: {  	[sflag:s19] =	ssyncset.done $0x0  }
0x140: {  	[sflag:s19] =	ssyncadd.s32 $0xFFFFC000  }
0x141: {  	[spmem:s2] =	stream.indirect.scatter.add.f32 [tilespmem:s17], [sflag:$0x3], $0x80, s22, s16, $0xb8;
	[tilespmem:$0x19C00] =	vst v63  }
0x142: {  	_ =	swait.ge [sflag:s13], $0x4000  }
0x143: {  	[sflag:s13] =	ssyncset.done $0x0  }
0x144: {  	s23 =	sadd.s32 $0x1, s23;
	[sflag:s13] =	ssyncadd.s32 $0xFFFFC000  }
0x145: {  	p0 =	sne.s32 s23, s12;
	[bflag:$0x0] =	sbarrier.arrive $0xFFFF  }
0x146: {  	[hbm:s11], [sflag:s24] =	dma.local [spmem:s25], $0x1480  }
.Ltmp6:
0x147: {  	_ =	swait.ge [sflag:s13], $0x1480;
	(pc) =	sbr.rel @p0 .LBB2_1-.Ltmp6, $3  }
0x148: {  	[sflag:s13] =	ssyncset.done $0x0  }
0x149: {  	[sflag:s13] =	ssyncadd.s32 $0xFFFFEB80  }
0x14a: {  	[bflag:$0x0] =	sbarrier.arrive $0xFFFF;
	_ =	sdelay $0x1  }
0x14b: {  	_ =	sfence.sel $0x180000  }
0x14c: {  	[bflag:$0x0] =	sbarrier.arrive $0xFFFF  }
0x14d: {  	p0 =	sne.s32 s1, $0x0;
	_ =	strace $0x9000004A  }
0x14e: {  	s0 =	sadd.s32 @!p0 $0x100000, s0;
	[bflag:$0x2] =	sbarrier.arrive $0xFFFF  }
0x14f: {  	[sflag:s0] =	ssyncadd.tile.s32 @!p0 $0x1;
	_ =	shalt  }
.Lfunc_end2:
_tile_overlayer_lowered:
.L_overlay_start_2:
0x150: {  	(tag) =	ssettag $0x2  }
0x151: {  	s0 =	rddreg [dreg:$0x0];
	s2 =	stileid.u32  }
0x152: {  	s1 =	rddreg [dreg:$0x1];
	p0 =	sne.s32 s2, $0x0  }
0x153: {  	s3 =	rddreg [dreg:$0x2];
	[bflag:$0x3] =	sbarrier.arrive $0xFFFF;
	s2 =	simm.s32 @!p0 $0x1C03  }
0x154: {  	[timem:s3], [sflag:s2] =	dma.local @!p0 [hbm:s0], s1  }
0x155: {  	s0 =	simm.s32 @!p0 $0x3  }
0x156: {  	_ =	swait.ge @!p0 [sflag:s0], s1  }
0x157: {  	s1 =	ssub.s32 @!p0 $0x0, s1;
	[sflag:s0] =	ssyncset.done @!p0 $0x0  }
0x158: {  	[sflag:s0] =	ssyncadd.s32 @!p0 s1  }
0x159: {  	[bflag:$0x3] =	sbarrier.arrive $0xFFFF  }
0x15a: {  	_ =	shalt  }

// kernel: kernel.15.cloned.1.call-start
scs
__scs_entry_jumppad:
0x0: {  	(pc) =	sbr.rel $0x88, $3  }
0x1: {  	(tag) =	ssettag $0x0;
	lr =	simm.s32 $0x1  }
0x2: {  	[smem:$0x3F9B] =	sst lr;
	_ =	strace $0xD0000000  }
0x3: {  	_ = 	snop  }
0x4: {  	_ = 	snop  }
0x5: {  	_ = 	snop  }
0x6: {  	_ = 	snop  }
0x7: {  	_ = 	snop  }
__scs_overlays_trampoline_lowered:
0x8: {  	[smem:$0x3FAA] =	sst s0  }
0x9: {  	[smem:$0x3FAB] =	sst s1  }
0xa: {  	[smem:$0x3FAC] =	sst s2  }
0xb: {  	[smem:$0x3FAD] =	sst s3  }
0xc: {  	[smem:$0x3FAE] =	sst s4  }
0xd: {  	[smem:$0x3FAF] =	sst s5  }
0xe: {  	[smem:$0x3FB0] =	sst s6  }
0xf: {  	[smem:$0x3FB1] =	sst s7  }
0x10: {  	[smem:$0x3FB2] =	sst s8  }
0x11: {  	[smem:$0x3FB3] =	sst s9;
	s0 =	simm.s32 @!p0 $0x0  }
0x12: {  	s1 =	sld [smem:$0x3F99];
	s0 =	simm.s32 @p0 $0x1  }
0x13: {  	[smem:$0x3FB4] =	sst s0;
	s0 =	simm.s32 @!p1 $0x0  }
0x14: {  	s2 =	sld [smem:$0x3F98];
	s0 =	simm.s32 @p1 $0x1  }
0x15: {  	[smem:$0x3FB5] =	sst s0;
	s0 =	simm.s32 @!p2 $0x0  }
0x16: {  	s3 =	sld [smem:$0x3FDB];
	s0 =	simm.s32 @p2 $0x1  }
0x17: {  	s4 =	simm.s32 $0x1BF5;
	[smem:$0x3FB7] =	sst s0  }
0x18: {  	s0 =	sld [smem:$0x3F9A];
	_ =	swait.ge [sflag:s4], $0x0  }
0x19: {  	s7 =	sld [smem:$0x3F9B]  }
0x1a: {  	s8 =	sadd.s32 $0xFFFFE003, lr  }
0x1b: {  	s9 =	sadd.s32 $0xFFFFFEF7, lr;
	s5 =	simm.s32 $0xFFFFFFFF;
	p2 =	slt.u32 s8, $0xFFFFF086  }
0x1c: {  	p1 =	slt.u32 s9, $0xF7A;
	s5 =	simm.s32 @!p2 $0x0  }
0x1d: {  	s5 =	simm.s32 @p1 $0x1;
	p0 =	seq.s32 s7, s2  }
0x1e: {  	s7 =	smul.u32 @!p0 $0xF7A, s2;
	p2 =	seq.s32 @!p0 s5, $0x0  }
0x1f: {  	s9 =	smul.u32 $0xF7A, s1;
	s8 =	simm.s32 @!p0 $0x1BF5;
	p2 =	por !p2, p0  }
0x20: {  	[sflag:s8] =	ssyncset.s32 @!p0 $0xFFFFF086;
	s6 =	sadd.s32 @!p0 s3, s7;
	s7 =	simm.s32 @!p0 $0x108  }
0x21: {  	s3 =	sadd.s32 s3, s9;
	s6 =	sadd.s32 @!p0 $0x88, s6;
	s7 =	simm.s32 @p2 $0x1082  }
0x22: {  	[simem:s7], [sflag:s8] =	dma.local @!p0 [hbm:s6], $0xF7A  }
0x23: {  	s9 =	sor.u32 $0xD0000000, s2;
	s6 =	simm.s32 $0x108;
	_ =	swait.ge @!p0 [sflag:s8], $0x0  }
0x24: {  	s3 =	sadd.s32 $0x88, s3;
	s6 =	simm.s32 @!p1 $0x1082;
	[sflag:s4] =	ssyncset.s32 $0xFFFFF086  }
0x25: {  	[simem:s6], [sflag:s4] =	dma.local [hbm:s3], $0xF7A  }
0x26: {  	[smem:$0x3F9B] =	sst s1;
	(tag) =	ssettag s2;
	_ =	strace s9  }
0x27: {  	s1 =	sld [smem:$0x3FAB]  }
0x28: {  	s2 =	sld [smem:$0x3FAC]  }
0x29: {  	s4 =	sld [smem:$0x3FAE]  }
0x2a: {  	p0 =	seq.s32 s5, $0x0;
	s5 =	sld [smem:$0x3FAF]  }
0x2b: {  	s6 =	sld [smem:$0x3FB0]  }
0x2c: {  	s7 =	sld [smem:$0x3FB1]  }
0x2d: {  	s3 =	simm.s32 $0x108;
	s8 =	sld [smem:$0x3FB2]  }
0x2e: {  	s3 =	simm.s32 @!p0 $0x1082;
	s9 =	sld [smem:$0x3FB3]  }
0x2f: {  	lr =	sadd.s32 s0, s3;
	s0 =	sld [smem:$0x3FAA]  }
0x30: {  	s3 =	sld [smem:$0x3FAD]  }
0x31: {  	[smem:$0x3FB6] =	sst s10  }
0x32: {  	s10 =	sld [smem:$0x3FB4];
	_ =	sdelay $0x3  }
0x33: {  	p0 =	seq.s32 s10, $0x1;
	s10 =	sld [smem:$0x3FB6];
	_ =	sdelay $0x3  }
0x34: {  	[smem:$0x3FB6] =	sst s10  }
0x35: {  	s10 =	sld [smem:$0x3FB5];
	_ =	sdelay $0x3  }
0x36: {  	p1 =	seq.s32 s10, $0x1;
	s10 =	sld [smem:$0x3FB6];
	_ =	sdelay $0x3  }
0x37: {  	[smem:$0x3FB6] =	sst s10  }
0x38: {  	s10 =	sld [smem:$0x3FB7]  }
0x39: {  	_ = 	snop;
	(pc) =	sbr.ind lr, $3  }
0x3a: {  	_ = 	snop  }
0x3b: {  	_ = 	snop  }
0x3c: {  	p2 =	seq.s32 s10, $0x1;
	s10 =	sld [smem:$0x3FB6]  }
0x3d: {  	_ =	shalt  }
0x3e: {  	_ =	shalt  }
0x3f: {  	_ =	shalt  }
0x40: {  	_ =	shalt  }
0x41: {  	_ =	shalt  }
0x42: {  	_ =	shalt  }
0x43: {  	_ =	shalt  }
0x44: {  	_ =	shalt  }
0x45: {  	_ =	shalt  }
0x46: {  	_ =	shalt  }
0x47: {  	_ =	shalt  }
0x48: {  	_ =	shalt  }
0x49: {  	_ =	shalt  }
0x4a: {  	_ =	shalt  }
0x4b: {  	_ =	shalt  }
0x4c: {  	_ =	shalt  }
0x4d: {  	_ =	shalt  }
0x4e: {  	_ =	shalt  }
0x4f: {  	_ =	shalt  }
0x50: {  	_ =	shalt  }
0x51: {  	_ =	shalt  }
0x52: {  	_ =	shalt  }
0x53: {  	_ =	shalt  }
0x54: {  	_ =	shalt  }
0x55: {  	_ =	shalt  }
0x56: {  	_ =	shalt  }
0x57: {  	_ =	shalt  }
0x58: {  	_ =	shalt  }
0x59: {  	_ =	shalt  }
0x5a: {  	_ =	shalt  }
0x5b: {  	_ =	shalt  }
0x5c: {  	_ =	shalt  }
0x5d: {  	_ =	shalt  }
0x5e: {  	_ =	shalt  }
0x5f: {  	_ =	shalt  }
0x60: {  	_ =	shalt  }
0x61: {  	_ =	shalt  }
0x62: {  	_ =	shalt  }
0x63: {  	_ =	shalt  }
0x64: {  	_ =	shalt  }
0x65: {  	_ =	shalt  }
0x66: {  	_ =	shalt  }
0x67: {  	_ =	shalt  }
0x68: {  	_ =	shalt  }
0x69: {  	_ =	shalt  }
0x6a: {  	_ =	shalt  }
0x6b: {  	_ =	shalt  }
0x6c: {  	_ =	shalt  }
0x6d: {  	_ =	shalt  }
0x6e: {  	_ =	shalt  }
0x6f: {  	_ =	shalt  }
0x70: {  	_ =	shalt  }
0x71: {  	_ =	shalt  }
0x72: {  	_ =	shalt  }
0x73: {  	_ =	shalt  }
0x74: {  	_ =	shalt  }
0x75: {  	_ =	shalt  }
0x76: {  	_ =	shalt  }
0x77: {  	_ =	shalt  }
0x78: {  	_ =	shalt  }
0x79: {  	_ =	shalt  }
0x7a: {  	_ =	shalt  }
0x7b: {  	_ =	shalt  }
0x7c: {  	_ =	shalt  }
0x7d: {  	_ =	shalt  }
0x7e: {  	_ =	shalt  }
0x7f: {  	_ =	shalt  }
0x80: {  	_ =	shalt  }
0x81: {  	_ =	shalt  }
0x82: {  	_ =	shalt  }
0x83: {  	_ =	shalt  }
0x84: {  	_ =	shalt  }
0x85: {  	_ =	shalt  }
0x86: {  	_ =	shalt  }
0x87: {  	_ =	shalt  }
.Lfunc_end0:
.L_simem_size_0:
called_computation.2_lowered:
.L_overlay_start_0:
0x88: {  	s2 =	sld [smem:$0x3FD9]  }
0x89: {  	s3 =	sld [smem:$0x3FFE];
	_ =	sdelay $0x1  }
0x8a: {  	s1 =	srdreg.scid  }
0x8b: {  	s0 =	sand.u32 $0x1, s1  }
0x8c: {  	s17 =	sshll.u32 s0, $0xA;
	s2 =	sadd.s32 s3, s2  }
0x8d: {  	s2 =	sadd.s32 s2, s17  }
0x8e: {  	[smem:$0x3FC2] =	sst s2  }
0x8f: {  	_ = 	snop  }
0x90: {  	s2 =	sld [smem:$0x3FD0];
	(tm) =	ssettm $0x1  }
0x91: {  	s18 =	sld [smem:$0x3FFB];
	_ =	sdelay $0x3  }
0x92: {  	_ =	strace s18  }
0x93: {  	s3 =	sld [smem:$0x3FFC];
	_ =	sdelay $0x3  }
0x94: {  	_ =	strace s3  }
0x95: {  	s3 =	sld [smem:$0x3FFD];
	_ =	sdelay $0x3  }
0x96: {  	_ =	strace s3  }
0x97: {  	_ =	strace $0x8FFFFFFF  }
0x98: {  	s19 =	sld [smem:$0x3FDB];
	_ =	sdelay $0x1  }
0x99: {  	s4 =	simm.s32 $_scs_section_size  }
0x9a: {  	s5 =	simm.s32 $_size__tile_overlayer_lowered;
	s6 =	simm.s32 $_tile_overlayer_lowered  }
0x9b: {  	s22 =	simm.s32 $0x1BFF;
	s21 =	sshll.u32 s6, $0x1;
	s3 =	sadd.s32 s4, s19  }
0x9c: {  	s7 =	simm.s32 $0x0;
	s20 =	sshll.u32 s5, $0x1;
	s5 =	sadd.s32 s21, s3  }
0x9d: {  	[timem:s7], [sflag:s22] =	dma.local [hbm:s5], s20  }
0x9e: {  	_ =	swait.ge [sflag:s22], s20  }
0x9f: {  	s4 =	ssub.s32 $0x0, s20;
	[sflag:s22] =	ssyncset.done $0x0  }
0xa0: {  	[sflag:s22] =	ssyncadd.s32 s4;
	_ =	sdelay $0x1  }
0xa1: {  	s23 =	simm.s32 $0x1B8B  }
0xa2: {  	_ =	swait.ge [sflag:s23], $0x1  }
0xa3: {  	[sflag:s23] =	ssyncset.done $0x0  }
0xa4: {  	s25 =	simm.s32 $0x1B8E;
	s24 =	sld [smem:$0x3FFE];
	[sflag:s23] =	ssyncadd.s32 $0xFFFFFFFF  }
0xa5: {  	s26 =	simm.s32 $execute0_lowered;
	[smem:$0x3FD2] =	sst s25  }
0xa6: {  	s5 =	sshll.u32 s26, $0x1;
	_ =	strace $0x8000004C;
	[dreg:$0x1] =	wrdreg $0xFFFFFFFF  }
0xa7: {  	s28 =	simm.s32 $_size_execute0_lowered;
	s3 =	sadd.s32 s3, s5;
	[dreg:$0x0] =	wrdreg $0x0  }
0xa8: {  	s5 =	sshll.u32 s28, $0x1;
	[dreg:$0x2] =	wrdreg s3  }
0xa9: {  	[dreg:$0x3] =	wrdreg s5  }
0xaa: {  	[dreg:$0x4] =	wrdreg $0xC0  }
0xab: {  	_ =	task [dreg:s7], $0x5FFFF  }
0xac: {  	[dreg:$0x1] =	wrdreg $0xFFFFFFFF  }
0xad: {  	[dreg:$0x0] =	wrdreg $0x60  }
0xae: {  	[dreg:$0x2] =	wrdreg s24  }
0xaf: {  	[dreg:$0x3] =	wrdreg s2  }
0xb0: {  	[dreg:$0x4] =	wrdreg $0xF8000  }
0xb1: {  	[dreg:$0x5] =	wrdreg $0x9  }
0xb2: {  	_ =	task.clear_ibuf [dreg:s7], $0x6FFFF;
	_ =	strace $0x9000004C  }
0xb3: {  	s29 =	simm.s32 $0x9;
	_ =	strace $0x8000004E  }
0xb4: {  	_ =	swait.ge [sflag:s29], $0x1  }
0xb5: {  	[sflag:s29] =	ssyncadd.s32 $0xFFFFFFFF  }
0xb6: {  	_ =	strace $0x9000004E  }
0xb7: {  	_ =	sfence  }
0xb8: {  	s30 =	sld [smem:$0x0];
	_ =	sdelay $0x2  }
0xb9: {  	s31 =	sshll.u32 s1, $0xD;
	s1 =	sshrl.u32 s1, $0x2  }
0xba: {  	s3 =	sand.u32 $0x4000, s31;
	s1 =	sadd.s32 s1, s30  }
0xbb: {  	s0 =	sor.u32 s3, s0;
	s1 =	sshll.u32 s1, $0x11  }
0xbc: {  	s0 =	sor.u32 s1, s0  }
0xbd: {  	s0 =	sadd.s32 $0x8F2B, s0  }
0xbe: {  	[sflag:s0] =	ssyncadd.remote.s32 $0x1  }
0xbf: {  	_ =	sfence.sel $0xFFFF  }
0xc0: {  	[dreg:$0x0] =	wrdreg $0xFFFFFFFF;
	(pc) =	sbr.abs _section_cstart, $3  }
0xc1: {  	[dreg:$0x1] =	wrdreg $0xFFFFFFFF  }
0xc2: {  	_ =	task.clear_ibuf [dreg:s7], $0x2FFFF;
	_ =	strace $0x9FFFFFFF  }
0xc3: {  	(tm) =	ssettm $0x7FFFFFFF  }
tec
execute0_lowered:
.L_overlay_start_1:
0x0: {  	(tag) =	ssettag $0x1  }
0x1: {  	s5 =	rddreg [dreg:$0x0]  }
0x2: {  	s6 =	rddreg [dreg:$0x1]  }
0x3: {  	s0 =	srdreg.scid;
	s2 =	rddreg [dreg:$0x2]  }
0x4: {  	s1 =	rddreg [dreg:$0x3];
	s7 =	sand.u32 $0x1, s0  }
0x5: {  	s3 =	simm.s32 $0x0;
	s0 =	stileid.u32;
	s4 =	smul.u32 $0x28000, s7  }
0x6: {  	s15 =	simm.s32 $0x80;
	s16 =	simm.s32 $0xB800;
	s8 =	smul.u32 $0x2800, s0  }
0x7: {  	s17 =	simm.s32 $0x1;
	s18 =	simm.s32 $0x2;
	s9 =	smul.u32 $0xA4000, s7  }
0x8: {  	s19 =	simm.s32 $0x2780;
	s21 =	simm.s32 $0x7780;
	s10 =	smul.u32 $0xA400, s0  }
0x9: {  	s22 =	simm.s32 $0x0;
	[smem:$0x7FF] =	sst s3;
	s11 =	smul.u32 $0x29000, s0  }
0xa: {  	_ =	strace $0x8000004D;
	s29 =	ssub.s32 $0x2, s7;
	s20 =	smul.u32 $0x1400, s7  }
0xb: {  	s30 =	sshrl.u32 s29, $0x1;
	s8 =	sadd.s32 s8, s4;
	s4 =	sadd.s32 $0x1600, s5  }
0xc: {  	s9 =	sadd.s32 s10, s9;
	s14 =	ssub.s32 s29, s30;
	s31 =	sshrl.u32 s11, $0x2  }
0xd: {  	v0 =	vmov s20;
	s20 =	simm.s32 $0x7700;
	s8 =	sshrl.u32 s8, $0x3;
	s9 =	sshrl.u32 s9, $0x3  }
0xe: {  	s7 =	sadd.s32 s31, s2;
	s11 =	smax.u32 s14, $0x1;
	s14 =	simm.s32 $0x7800  }
0xf: {  	s12 =	sadd.s32 s8, s5;
	s13 =	sadd.s32 s9, s5;
	s5 =	sadd.s32 s6, s8  }
0x10: {  	s8 =	sadd.s32 $0x4000, s7;
	s9 =	sadd.s32 $0x8000, s7;
	s6 =	sadd.s32 $0x54800, s12  }
0x11: {  	v1 =	vimm.f32 $0.0e+00;
	s10 =	sadd.s32 $0x28800, s13;
	s12 =	simm.s32 $0x3;
	s13 =	simm.s32 $0x2800  }
.LBB2_1:
0x12: {  	[tilespmem:s3], [sflag:$0x3] =	stream.linear.gather [hbm4b:s5+s3], $0x2800, $0x38;
	[tilespmem:$0x19C00] =	vst v63  }
0x13: {  	_ =	swait.ge [sflag:s12], $0x2800  }
0x14: {  	[sflag:s12] =	ssyncset.done $0x0  }
0x15: {  	[sflag:s12] =	ssyncadd.s32 $0xFFFFD800  }
0x16: {  	[tilespmem:s13], [sflag:$0x3] =	stream.linear.gather [hbm4b:s6+s3], $0x2800, $0x38;
	[tilespmem:$0x19C00] =	vst v63  }
0x17: {  	_ =	swait.ge [sflag:s12], $0x2800  }
0x18: {  	[sflag:s12] =	ssyncset.done $0x0  }
0x19: {  	s23 =	simm.s32 $0x0;
	[sflag:s12] =	ssyncadd.s32 $0xFFFFD800  }
0x1a: {  	v2 =	vld [tilespmem:s23+$0x2870]  }
0x1b: {  	v3 =	vld [tilespmem:s23+$0x2800]  }
0x1c: {  	v5 =	vld [tilespmem:s23+$0x2810]  }
0x1d: {  	v6 =	vld [tilespmem:s23+$0x2820]  }
0x1e: {  	v8 =	vld [tilespmem:s23+$0x2840]  }
0x1f: {  	v11 =	vld [tilespmem:s23+$0x2850]  }
0x20: {  	v7 =	vld [tilespmem:s23+$0x2830]  }
0x21: {  	v9 =	vsub.s32 v2, v0;
	v4 =	vand.u32 $0x7F, v2  }
0x22: {  	v2 =	vsub.s32 v3, v0;
	v12 =	vand.u32 $0x7F, v3;
	v14 =	vand.u32 $0x7F, v5  }
0x23: {  	v15 =	vld [tilespmem:s23+$0x2860];
	v3 =	vsub.s32 v6, v0;
	v17 =	vand.u32 $0x7F, v6;
	v6 =	vsub.s32 v8, v0  }
0x24: {  	v13 =	vand.u32 $0x7F, v11;
	vm0 =	vlt.u32 v9, $0x1400;
	v10 =	vor.u32 $0x1400, v4  }
0x25: {  	v4 =	vsub.s32 v5, v0;
	v5 =	vsub.s32 v7, v0;
	v14 =	vor.u32 $0x1400, v14  }
0x26: {  	vm2 =	vlt.u32 v3, $0x1400;
	v16 =	vsel vm0, v9, v10;
	vm0 =	vlt.u32 v2, $0x1400  }
0x27: {  	v10 =	vand.u32 $0x7F, v7;
	v9 =	vor.u32 $0x1400, v12;
	v12 =	vand.u32 $0x7F, v8  }
0x28: {  	vm1 =	vlt.u32 v4, $0x1400;
	v7 =	vsub.s32 v11, v0;
	v8 =	vsub.s32 v15, v0  }
0x29: {  	s24 =	simm.s32 $0x80;
	s25 =	simm.s32 $0x400;
	v11 =	vand.u32 $0x7F, v15;
	v15 =	vor.u32 $0x1400, v17;
	vm3 =	vlt.u32 v5, $0x1400;
	[tilespmem:s23+$0x5070] =	vst v16  }
.LBB2_2:
0x2a: {  	p0 =	sne.s32 s25, $0x9E00;
	v16 =	vld [tilespmem:s24+$0x2870];
	v10 =	vor.u32 $0x1400, v10;
	vm4 =	vlt.u32 v6, $0x1400;
	v12 =	vor.u32 $0x1400, v12  }
0x2b: {  	vm5 =	vlt.u32 v7, $0x1400;
	v13 =	vor.u32 $0x1400, v13;
	vm6 =	vlt.u32 v8, $0x1400;
	v17 =	vld [tilespmem:s24+$0x2800]  }
0x2c: {  	v2 =	vsel vm0, v2, v9;
	v4 =	vsel vm1, v4, v14;
	v9 =	vor.u32 $0x1400, v11;
	v18 =	vld [tilespmem:s24+$0x2810]  }
0x2d: {  	v11 =	vld [tilespmem:s24+$0x2820];
	[tilespmem:s23+$0x5000] =	vst v2;
	v2 =	vsel vm2, v3, v15;
	v3 =	vsel vm3, v5, v10;
	v5 =	vsel vm4, v6, v12  }
0x2e: {  	v7 =	vsel vm5, v7, v13;
	v8 =	vsel vm6, v8, v9;
	v6 =	vld [tilespmem:s24+$0x2830];
	[tilespmem:s23+$0x5010] =	vst v4  }
0x2f: {  	v12 =	vld [tilespmem:s24+$0x2840];
	v9 =	vsub.s32 v16, v0;
	v4 =	vand.u32 $0x7F, v16;
	[tilespmem:s23+$0x5020] =	vst v2  }
0x30: {  	v2 =	vsub.s32 v17, v0;
	v13 =	vld [tilespmem:s24+$0x2850];
	vm0 =	vlt.u32 v9, $0x1400;
	v10 =	vor.u32 $0x1400, v4;
	[tilespmem:s23+$0x5030] =	vst v3  }
0x31: {  	v14 =	vand.u32 $0x7F, v17;
	v4 =	vsub.s32 v18, v0;
	v15 =	vld [tilespmem:s24+$0x2860];
	v9 =	vsel vm0, v9, v10;
	[tilespmem:s23+$0x5040] =	vst v5  }
0x32: {  	v16 =	vand.u32 $0x7F, v18;
	v3 =	vsub.s32 v11, v0;
	v17 =	vand.u32 $0x7F, v11;
	[tilespmem:s24+$0x5070] =	vst v9  }
.Ltmp0:
0x33: {  	vm0 =	vlt.u32 v2, $0x1400;
	v5 =	vsub.s32 v6, v0;
	v10 =	vand.u32 $0x7F, v6;
	[tilespmem:s23+$0x5050] =	vst v7;
	(pc) =	sbr.rel @p0 .LBB2_2-.Ltmp0, $4  }
0x34: {  	v9 =	vor.u32 $0x1400, v14;
	v6 =	vsub.s32 v12, v0;
	v12 =	vand.u32 $0x7F, v12;
	[tilespmem:s23+$0x5060] =	vst v8;
	s23 =	smov.u32 s24  }
0x35: {  	vm1 =	vlt.u32 v4, $0x1400;
	v7 =	vsub.s32 v13, v0;
	v13 =	vand.u32 $0x7F, v13  }
0x36: {  	v14 =	vor.u32 $0x1400, v16;
	v8 =	vsub.s32 v15, v0;
	v11 =	vand.u32 $0x7F, v15  }
0x37: {  	vm2 =	vlt.u32 v3, $0x1400;
	s24 =	sshra.s32 s25, $0x2;
	s25 =	sadd.s32 $0x200, s25;
	vm3 =	vlt.u32 v5, $0x1400;
	v15 =	vor.u32 $0x1400, v17  }
0x38: {  	v16 =	vld [tilespmem:s24+$0x2870]  }
0x39: {  	v17 =	vld [tilespmem:s24+$0x2800];
	v2 =	vsel vm0, v2, v9;
	v10 =	vor.u32 $0x1400, v10  }
0x3a: {  	v18 =	vld [tilespmem:s24+$0x2810];
	vm14 =	vlt.u32 v6, $0x1400;
	v4 =	vsel vm1, v4, v14;
	vm15 =	vlt.u32 v7, $0x1400  }
0x3b: {  	v45 =	vld [tilespmem:s24+$0x2820];
	v13 =	vor.u32 $0x1400, v13;
	vm4 =	vlt.u32 v8, $0x1400;
	v47 =	vor.u32 $0x1400, v11  }
0x3c: {  	v3 =	vsel vm2, v3, v15;
	[tilespmem:s23+$0x5000] =	vst v2;
	v2 =	vor.u32 $0x1400, v12;
	v5 =	vsel vm3, v5, v10  }
0x3d: {  	v49 =	vsel vm15, v7, v13;
	v46 =	vld [tilespmem:s24+$0x2830];
	[tilespmem:s23+$0x5010] =	vst v4;
	v2 =	vsel vm14, v6, v2;
	v4 =	vsel vm4, v8, v47  }
0x3e: {  	v48 =	vld [tilespmem:s24+$0x2840];
	[tilespmem:s23+$0x5020] =	vst v3;
	v3 =	vsub.s32 v16, v0;
	v50 =	vand.u32 $0x7F, v16;
	v51 =	vsub.s32 v17, v0  }
0x3f: {  	v53 =	vand.u32 $0x7F, v17;
	v54 =	vsub.s32 v18, v0;
	v56 =	vand.u32 $0x7F, v18  }
0x40: {  	v57 =	vsub.s32 v45, v0;
	v9 =	vand.u32 $0x7F, v45;
	vm8 =	vlt.u32 v3, $0x1400  }
0x41: {  	v52 =	vld [tilespmem:s24+$0x2850];
	[tilespmem:s23+$0x5030] =	vst v5;
	v7 =	vor.u32 $0x1400, v50;
	vm9 =	vlt.u32 v51, $0x1400;
	v5 =	vor.u32 $0x1400, v53  }
0x42: {  	v55 =	vld [tilespmem:s24+$0x2860];
	[tilespmem:s23+$0x5040] =	vst v2;
	vm10 =	vlt.u32 v54, $0x1400;
	vm11 =	vlt.u32 v57, $0x1400;
	v3 =	vsel vm8, v3, v7  }
0x43: {  	v60 =	vor.u32 $0x1400, v9;
	v2 =	vsub.s32 v46, v0;
	v12 =	vand.u32 $0x7F, v46;
	[tilespmem:s24+$0x5070] =	vst v3  }
0x44: {  	v7 =	vor.u32 $0x1400, v56;
	v5 =	vsel vm9, v51, v5;
	v8 =	vsel vm11, v57, v60;
	[tilespmem:s23+$0x5050] =	vst v49  }
0x45: {  	v3 =	vsub.s32 v48, v0;
	v10 =	vand.u32 $0x7F, v48;
	v7 =	vsel vm10, v54, v7;
	[tilespmem:s23+$0x5060] =	vst v4  }
0x46: {  	vm12 =	vlt.u32 v2, $0x1400;
	v61 =	vor.u32 $0x1400, v12;
	v58 =	vsub.s32 v52, v0;
	[tilespmem:s24+$0x5000] =	vst v5  }
0x47: {  	v11 =	vand.u32 $0x7F, v52;
	vm13 =	vlt.u32 v3, $0x1400;
	v62 =	vor.u32 $0x1400, v10;
	[tilespmem:s24+$0x5010] =	vst v7  }
0x48: {  	v2 =	vsel vm12, v2, v61;
	v59 =	vsub.s32 v55, v0;
	v14 =	vand.u32 $0x7F, v55;
	[tilespmem:s24+$0x5020] =	vst v8  }
0x49: {  	vm14 =	vlt.u32 v58, $0x1400;
	v63 =	vor.u32 $0x1400, v11;
	v3 =	vsel vm13, v3, v62;
	[tilespmem:s24+$0x5030] =	vst v2  }
0x4a: {  	vm15 =	vlt.u32 v59, $0x1400;
	v2 =	vor.u32 $0x1400, v14;
	v5 =	vsel vm14, v58, v63;
	[tilespmem:s24+$0x5040] =	vst v3  }
0x4b: {  	v2 =	vsel vm15, v59, v2;
	[tilespmem:s24+$0x5050] =	vst v5  }
0x4c: {  	s23 =	simm.s32 $0x0;
	[tilespmem:s24+$0x5060] =	vst v2;
	s24 =	simm.s32 $0x200  }
.LBB2_4:
0x4d: {  	p0 =	sne.s32 s24, $0xFE00;
	[tilespmem:s23+$0x7870] =	vst v1  }
0x4e: {  	[tilespmem:s23+$0x7800] =	vst v1  }
0x4f: {  	[tilespmem:s23+$0x7810] =	vst v1  }
.Ltmp1:
0x50: {  	[tilespmem:s23+$0x7820] =	vst v1;
	(pc) =	sbr.rel @p0 .LBB2_4-.Ltmp1, $4  }
0x51: {  	[tilespmem:s23+$0x7830] =	vst v1  }
0x52: {  	[tilespmem:s23+$0x7840] =	vst v1  }
0x53: {  	[tilespmem:s23+$0x7850] =	vst v1  }
0x54: {  	[tilespmem:s23+$0x7860] =	vst v1;
	s23 =	sshra.s32 s24, $0x2;
	s24 =	sadd.s32 $0x200, s24  }
0x55: {  	[tilespmem:s23+$0x7870] =	vst v1  }
0x56: {  	[tilespmem:s23+$0x7800] =	vst v1  }
0x57: {  	[tilespmem:s23+$0x7810] =	vst v1  }
0x58: {  	[tilespmem:s23+$0x7820] =	vst v1  }
0x59: {  	[tilespmem:s23+$0x7830] =	vst v1  }
0x5a: {  	[tilespmem:s23+$0x7840] =	vst v1  }
0x5b: {  	[tilespmem:s23+$0x7850] =	vst v1  }
0x5c: {  	[tilespmem:s23+$0x7860] =	vst v1  }
0x5d: {  	[spmem:s7] =	stream.linear.scatter [tilespmem:s14], [sflag:$0x3], $0x4000, $0x38;
	[tilespmem:$0x19C00] =	vst v63  }
0x5e: {  	_ =	swait.ge [sflag:s12], $0x4000  }
0x5f: {  	[sflag:s12] =	ssyncset.done $0x0  }
0x60: {  	[sflag:s12] =	ssyncadd.s32 $0xFFFFC000  }
0x61: {  	[spmem:s8] =	stream.linear.scatter [tilespmem:s14], [sflag:$0x3], $0x4000, $0x38;
	[tilespmem:$0x19C00] =	vst v63  }
0x62: {  	_ =	swait.ge [sflag:s12], $0x4000  }
0x63: {  	[sflag:s12] =	ssyncset.done $0x0  }
0x64: {  	[sflag:s12] =	ssyncadd.s32 $0xFFFFC000  }
0x65: {  	[spmem:s9] =	stream.linear.scatter [tilespmem:s14], [sflag:$0x3], $0x2400, $0x38;
	[tilespmem:$0x19C00] =	vst v63  }
0x66: {  	_ =	swait.ge [sflag:s12], $0x2400  }
0x67: {  	[sflag:s12] =	ssyncset.done $0x0  }
0x68: {  	[sflag:s12] =	ssyncadd.s32 $0xFFFFDC00  }
0x69: {  	s26 =	simm.s32 $0x0;
	[bflag:$0x0] =	sbarrier.arrive $0xFFFF  }
0x6a: {  	[tilespmem:s14], [sflag:$0x1] =	stream.indirect.gather [hbm4b:s4+s15], $0x80, s26, s15, $0xb8;
	[tilespmem:$0x19C00] =	vst v63  }
0x6b: {  	s28 =	simm.s32 $0x80  }
0x6c: {  	[tilespmem:s16], [sflag:$0x2] =	stream.indirect.gather [hbm4b:s4+s15], $0x80, s28, s15, $0xb8;
	[tilespmem:$0x19C00] =	vst v63  }
0x6d: {  	_ =	swait.ge [sflag:s17], $0x4000  }
0x6e: {  	[sflag:s17] =	ssyncset.done $0x0  }
0x6f: {  	s29 =	simm.s32 $0x5000;
	[sflag:s17] =	ssyncadd.s32 $0xFFFFC000  }
0x70: {  	[spmem:s2] =	stream.indirect.scatter.add.f32 [tilespmem:s14], [sflag:$0x3], $0x80, s29, s15, $0xb8;
	[tilespmem:$0x19C00] =	vst v63  }
0x71: {  	_ =	swait.ge [sflag:s12], $0x4000  }
0x72: {  	[sflag:s12] =	ssyncset.done $0x0  }
0x73: {  	s30 =	simm.s32 $0x100;
	[sflag:s12] =	ssyncadd.s32 $0xFFFFC000  }
0x74: {  	[tilespmem:s14], [sflag:$0x1] =	stream.indirect.gather [hbm4b:s4+s15], $0x80, s30, s15, $0xb8;
	[tilespmem:$0x19C00] =	vst v63  }
0x75: {  	_ =	swait.ge [sflag:s18], $0x4000  }
0x76: {  	[sflag:s18] =	ssyncset.done $0x0  }
0x77: {  	s31 =	simm.s32 $0x5080;
	[sflag:s18] =	ssyncadd.s32 $0xFFFFC000  }
0x78: {  	[spmem:s2] =	stream.indirect.scatter.add.f32 [tilespmem:s16], [sflag:$0x3], $0x80, s31, s15, $0xb8;
	[tilespmem:$0x19C00] =	vst v63  }
0x79: {  	_ =	swait.ge [sflag:s12], $0x4000  }
0x7a: {  	s24 =	simm.s32 $0x800;
	s23 =	simm.s32 $0x100;
	[sflag:s12] =	ssyncset.done $0x0  }
.LBB2_6:
0x7b: {  	s25 =	sadd.s32 $0x80, s23  }
0x7c: {  	[sflag:s12] =	ssyncadd.s32 $0xFFFFC000;
	s26 =	smov.u32 s24;
	s28 =	sadd.s32 $0x400, s24  }
0x7d: {  	[tilespmem:s16], [sflag:$0x2] =	stream.indirect.gather [hbm4b:s4+s15], $0x80, s25, s15, $0xb8;
	[tilespmem:$0x19C00] =	vst v63  }
0x7e: {  	p0 =	sne.s32 s24, $0x9800;
	_ =	swait.ge [sflag:s17], $0x4000  }
0x7f: {  	[sflag:s17] =	ssyncset.done $0x0  }
0x80: {  	s24 =	sadd.s32 $0x5000, s23;
	[sflag:s17] =	ssyncadd.s32 $0xFFFFC000  }
0x81: {  	[spmem:s2] =	stream.indirect.scatter.add.f32 [tilespmem:s14], [sflag:$0x3], $0x80, s24, s15, $0xb8;
	[tilespmem:$0x19C00] =	vst v63  }
0x82: {  	_ =	swait.ge [sflag:s12], $0x4000  }
0x83: {  	[sflag:s12] =	ssyncset.done $0x0  }
0x84: {  	s24 =	sadd.s32 $0x100, s23;
	[sflag:s12] =	ssyncadd.s32 $0xFFFFC000  }
0x85: {  	[tilespmem:s14], [sflag:$0x1] =	stream.indirect.gather [hbm4b:s4+s15], $0x80, s24, s15, $0xb8;
	[tilespmem:$0x19C00] =	vst v63  }
0x86: {  	_ =	swait.ge [sflag:s18], $0x4000  }
.Ltmp2:
0x87: {  	[sflag:s18] =	ssyncset.done $0x0;
	(pc) =	sbr.rel @p0 .LBB2_6-.Ltmp2, $4  }
0x88: {  	s23 =	sadd.s32 $0x5080, s23;
	[sflag:s18] =	ssyncadd.s32 $0xFFFFC000  }
0x89: {  	[spmem:s2] =	stream.indirect.scatter.add.f32 [tilespmem:s16], [sflag:$0x3], $0x80, s23, s15, $0xb8;
	[tilespmem:$0x19C00] =	vst v63  }
0x8a: {  	_ =	swait.ge [sflag:s12], $0x4000  }
0x8b: {  	s24 =	smov.u32 s28;
	s23 =	sshra.s32 s26, $0x2;
	[sflag:s12] =	ssyncset.done $0x0  }
0x8c: {  	s24 =	sadd.s32 $0x80, s23;
	[sflag:s12] =	ssyncadd.s32 $0xFFFFC000  }
0x8d: {  	[tilespmem:s16], [sflag:$0x2] =	stream.indirect.gather [hbm4b:s4+s15], $0x80, s24, s15, $0xb8;
	[tilespmem:$0x19C00] =	vst v63  }
0x8e: {  	_ =	swait.ge [sflag:s17], $0x4000  }
0x8f: {  	[sflag:s17] =	ssyncset.done $0x0  }
0x90: {  	s26 =	sadd.s32 $0x5000, s23;
	[sflag:s17] =	ssyncadd.s32 $0xFFFFC000  }
0x91: {  	[spmem:s2] =	stream.indirect.scatter.add.f32 [tilespmem:s14], [sflag:$0x3], $0x80, s26, s15, $0xb8;
	[tilespmem:$0x19C00] =	vst v63  }
0x92: {  	_ =	swait.ge [sflag:s12], $0x4000  }
0x93: {  	[sflag:s12] =	ssyncset.done $0x0  }
0x94: {  	s28 =	sadd.s32 $0x100, s23;
	[sflag:s12] =	ssyncadd.s32 $0xFFFFC000  }
0x95: {  	[tilespmem:s14], [sflag:$0x1] =	stream.indirect.gather [hbm4b:s4+s15], $0x80, s28, s15, $0xb8;
	[tilespmem:$0x19C00] =	vst v63  }
0x96: {  	_ =	swait.ge [sflag:s18], $0x4000  }
0x97: {  	[sflag:s18] =	ssyncset.done $0x0  }
0x98: {  	s29 =	sadd.s32 $0x5080, s23;
	[sflag:s18] =	ssyncadd.s32 $0xFFFFC000  }
0x99: {  	[spmem:s2] =	stream.indirect.scatter.add.f32 [tilespmem:s16], [sflag:$0x3], $0x80, s29, s15, $0xb8;
	[tilespmem:$0x19C00] =	vst v63  }
0x9a: {  	_ =	swait.ge [sflag:s12], $0x4000  }
0x9b: {  	[sflag:s12] =	ssyncset.done $0x0  }
0x9c: {  	[sflag:s12] =	ssyncadd.s32 $0xFFFFC000  }
0x9d: {  	[tilespmem:s16], [sflag:$0x2] =	stream.indirect.gather [hbm4b:s4+s15], $0x80, s19, s15, $0xb8;
	[tilespmem:$0x19C00] =	vst v63  }
0x9e: {  	_ =	swait.ge [sflag:s17], $0x4000  }
0x9f: {  	[sflag:s17] =	ssyncset.done $0x0  }
0xa0: {  	[sflag:s17] =	ssyncadd.s32 $0xFFFFC000  }
0xa1: {  	[spmem:s2] =	stream.indirect.scatter.add.f32 [tilespmem:s14], [sflag:$0x3], $0x80, s20, s15, $0xb8;
	[tilespmem:$0x19C00] =	vst v63  }
0xa2: {  	_ =	swait.ge [sflag:s12], $0x4000  }
0xa3: {  	[sflag:s12] =	ssyncset.done $0x0  }
0xa4: {  	[sflag:s12] =	ssyncadd.s32 $0xFFFFC000  }
0xa5: {  	_ =	swait.ge [sflag:s18], $0x4000  }
0xa6: {  	[sflag:s18] =	ssyncset.done $0x0  }
0xa7: {  	[sflag:s18] =	ssyncadd.s32 $0xFFFFC000  }
0xa8: {  	[spmem:s2] =	stream.indirect.scatter.add.f32 [tilespmem:s16], [sflag:$0x3], $0x80, s21, s15, $0xb8;
	[tilespmem:$0x19C00] =	vst v63  }
0xa9: {  	_ =	swait.ge [sflag:s12], $0x4000  }
0xaa: {  	s30 =	sshll.u32 s0, $0x6;
	[sflag:s12] =	ssyncset.done $0x0  }
0xab: {  	s31 =	sshrl.u32 s7, $0x3;
	s22 =	sadd.s32 $0x1, s22;
	[sflag:s12] =	ssyncadd.s32 $0xFFFFC000  }
0xac: {  	s23 =	sor.u32 $0x1C03, s30;
	p0 =	sne.s32 s22, s11;
	[bflag:$0x0] =	sbarrier.arrive $0xFFFF  }
0xad: {  	[hbm:s10], [sflag:s23] =	dma.local [spmem:s31], $0x1480  }
.Ltmp3:
0xae: {  	_ =	swait.ge [sflag:s12], $0x1480;
	(pc) =	sbr.rel @p0 .LBB2_1-.Ltmp3, $3  }
0xaf: {  	[sflag:s12] =	ssyncset.done $0x0  }
0xb0: {  	[sflag:s12] =	ssyncadd.s32 $0xFFFFEB80  }
0xb1: {  	[bflag:$0x0] =	sbarrier.arrive $0xFFFF;
	_ =	sdelay $0x1  }
0xb2: {  	_ =	sfence.sel $0x180000  }
0xb3: {  	[bflag:$0x0] =	sbarrier.arrive $0xFFFF  }
0xb4: {  	p0 =	sne.s32 s0, $0x0;
	_ =	strace $0x9000004D  }
0xb5: {  	s0 =	sadd.s32 @!p0 $0x100000, s1;
	[bflag:$0x2] =	sbarrier.arrive $0xFFFF  }
0xb6: {  	[sflag:s0] =	ssyncadd.tile.s32 @!p0 $0x1;
	_ =	shalt  }
.Lfunc_end2:
_tile_overlayer_lowered:
.L_overlay_start_2:
0xb7: {  	(tag) =	ssettag $0x2  }
0xb8: {  	s0 =	rddreg [dreg:$0x0];
	s2 =	stileid.u32  }
0xb9: {  	s1 =	rddreg [dreg:$0x1];
	p0 =	sne.s32 s2, $0x0  }
0xba: {  	s3 =	rddreg [dreg:$0x2];
	[bflag:$0x3] =	sbarrier.arrive $0xFFFF;
	s2 =	simm.s32 @!p0 $0x1C03  }
0xbb: {  	[timem:s3], [sflag:s2] =	dma.local @!p0 [hbm:s0], s1  }
0xbc: {  	s0 =	simm.s32 @!p0 $0x3  }
0xbd: {  	_ =	swait.ge @!p0 [sflag:s0], s1  }
0xbe: {  	s1 =	ssub.s32 @!p0 $0x0, s1;
	[sflag:s0] =	ssyncset.done @!p0 $0x0  }
0xbf: {  	[sflag:s0] =	ssyncadd.s32 @!p0 s1  }
0xc0: {  	[bflag:$0x3] =	sbarrier.arrive $0xFFFF  }
0xc1: {  	_ =	shalt  }

// kernel: kernel.9.cloned.1.call-start
scs
__scs_entry_jumppad:
0x0: {  	(pc) =	sbr.rel $0x88, $3  }
0x1: {  	(tag) =	ssettag $0x0;
	lr =	simm.s32 $0x1  }
0x2: {  	[smem:$0x3F9B] =	sst lr;
	_ =	strace $0xD0000000  }
0x3: {  	_ = 	snop  }
0x4: {  	_ = 	snop  }
0x5: {  	_ = 	snop  }
0x6: {  	_ = 	snop  }
0x7: {  	_ = 	snop  }
__scs_overlays_trampoline_lowered:
0x8: {  	[smem:$0x3FAA] =	sst s0  }
0x9: {  	[smem:$0x3FAB] =	sst s1  }
0xa: {  	[smem:$0x3FAC] =	sst s2  }
0xb: {  	[smem:$0x3FAD] =	sst s3  }
0xc: {  	[smem:$0x3FAE] =	sst s4  }
0xd: {  	[smem:$0x3FAF] =	sst s5  }
0xe: {  	[smem:$0x3FB0] =	sst s6  }
0xf: {  	[smem:$0x3FB1] =	sst s7  }
0x10: {  	[smem:$0x3FB2] =	sst s8  }
0x11: {  	[smem:$0x3FB3] =	sst s9;
	s0 =	simm.s32 @!p0 $0x0  }
0x12: {  	s1 =	sld [smem:$0x3F99];
	s0 =	simm.s32 @p0 $0x1  }
0x13: {  	[smem:$0x3FB4] =	sst s0;
	s0 =	simm.s32 @!p1 $0x0  }
0x14: {  	s2 =	sld [smem:$0x3F98];
	s0 =	simm.s32 @p1 $0x1  }
0x15: {  	[smem:$0x3FB5] =	sst s0;
	s0 =	simm.s32 @!p2 $0x0  }
0x16: {  	s3 =	sld [smem:$0x3FDB];
	s0 =	simm.s32 @p2 $0x1  }
0x17: {  	s4 =	simm.s32 $0x1BF5;
	[smem:$0x3FB7] =	sst s0  }
0x18: {  	s0 =	sld [smem:$0x3F9A];
	_ =	swait.ge [sflag:s4], $0x0  }
0x19: {  	s7 =	sld [smem:$0x3F9B]  }
0x1a: {  	s8 =	sadd.s32 $0xFFFFE003, lr  }
0x1b: {  	s9 =	sadd.s32 $0xFFFFFEF7, lr;
	s5 =	simm.s32 $0xFFFFFFFF;
	p2 =	slt.u32 s8, $0xFFFFF086  }
0x1c: {  	p1 =	slt.u32 s9, $0xF7A;
	s5 =	simm.s32 @!p2 $0x0  }
0x1d: {  	s5 =	simm.s32 @p1 $0x1;
	p0 =	seq.s32 s7, s2  }
0x1e: {  	s7 =	smul.u32 @!p0 $0xF7A, s2;
	p2 =	seq.s32 @!p0 s5, $0x0  }
0x1f: {  	s9 =	smul.u32 $0xF7A, s1;
	s8 =	simm.s32 @!p0 $0x1BF5;
	p2 =	por !p2, p0  }
0x20: {  	[sflag:s8] =	ssyncset.s32 @!p0 $0xFFFFF086;
	s6 =	sadd.s32 @!p0 s3, s7;
	s7 =	simm.s32 @!p0 $0x108  }
0x21: {  	s3 =	sadd.s32 s3, s9;
	s6 =	sadd.s32 @!p0 $0x88, s6;
	s7 =	simm.s32 @p2 $0x1082  }
0x22: {  	[simem:s7], [sflag:s8] =	dma.local @!p0 [hbm:s6], $0xF7A  }
0x23: {  	s9 =	sor.u32 $0xD0000000, s2;
	s6 =	simm.s32 $0x108;
	_ =	swait.ge @!p0 [sflag:s8], $0x0  }
0x24: {  	s3 =	sadd.s32 $0x88, s3;
	s6 =	simm.s32 @!p1 $0x1082;
	[sflag:s4] =	ssyncset.s32 $0xFFFFF086  }
0x25: {  	[simem:s6], [sflag:s4] =	dma.local [hbm:s3], $0xF7A  }
0x26: {  	[smem:$0x3F9B] =	sst s1;
	(tag) =	ssettag s2;
	_ =	strace s9  }
0x27: {  	s1 =	sld [smem:$0x3FAB]  }
0x28: {  	s2 =	sld [smem:$0x3FAC]  }
0x29: {  	s4 =	sld [smem:$0x3FAE]  }
0x2a: {  	p0 =	seq.s32 s5, $0x0;
	s5 =	sld [smem:$0x3FAF]  }
0x2b: {  	s6 =	sld [smem:$0x3FB0]  }
0x2c: {  	s7 =	sld [smem:$0x3FB1]  }
0x2d: {  	s3 =	simm.s32 $0x108;
	s8 =	sld [smem:$0x3FB2]  }
0x2e: {  	s3 =	simm.s32 @!p0 $0x1082;
	s9 =	sld [smem:$0x3FB3]  }
0x2f: {  	lr =	sadd.s32 s0, s3;
	s0 =	sld [smem:$0x3FAA]  }
0x30: {  	s3 =	sld [smem:$0x3FAD]  }
0x31: {  	[smem:$0x3FB6] =	sst s10  }
0x32: {  	s10 =	sld [smem:$0x3FB4];
	_ =	sdelay $0x3  }
0x33: {  	p0 =	seq.s32 s10, $0x1;
	s10 =	sld [smem:$0x3FB6];
	_ =	sdelay $0x3  }
0x34: {  	[smem:$0x3FB6] =	sst s10  }
0x35: {  	s10 =	sld [smem:$0x3FB5];
	_ =	sdelay $0x3  }
0x36: {  	p1 =	seq.s32 s10, $0x1;
	s10 =	sld [smem:$0x3FB6];
	_ =	sdelay $0x3  }
0x37: {  	[smem:$0x3FB6] =	sst s10  }
0x38: {  	s10 =	sld [smem:$0x3FB7]  }
0x39: {  	_ = 	snop;
	(pc) =	sbr.ind lr, $3  }
0x3a: {  	_ = 	snop  }
0x3b: {  	_ = 	snop  }
0x3c: {  	p2 =	seq.s32 s10, $0x1;
	s10 =	sld [smem:$0x3FB6]  }
0x3d: {  	_ =	shalt  }
0x3e: {  	_ =	shalt  }
0x3f: {  	_ =	shalt  }
0x40: {  	_ =	shalt  }
0x41: {  	_ =	shalt  }
0x42: {  	_ =	shalt  }
0x43: {  	_ =	shalt  }
0x44: {  	_ =	shalt  }
0x45: {  	_ =	shalt  }
0x46: {  	_ =	shalt  }
0x47: {  	_ =	shalt  }
0x48: {  	_ =	shalt  }
0x49: {  	_ =	shalt  }
0x4a: {  	_ =	shalt  }
0x4b: {  	_ =	shalt  }
0x4c: {  	_ =	shalt  }
0x4d: {  	_ =	shalt  }
0x4e: {  	_ =	shalt  }
0x4f: {  	_ =	shalt  }
0x50: {  	_ =	shalt  }
0x51: {  	_ =	shalt  }
0x52: {  	_ =	shalt  }
0x53: {  	_ =	shalt  }
0x54: {  	_ =	shalt  }
0x55: {  	_ =	shalt  }
0x56: {  	_ =	shalt  }
0x57: {  	_ =	shalt  }
0x58: {  	_ =	shalt  }
0x59: {  	_ =	shalt  }
0x5a: {  	_ =	shalt  }
0x5b: {  	_ =	shalt  }
0x5c: {  	_ =	shalt  }
0x5d: {  	_ =	shalt  }
0x5e: {  	_ =	shalt  }
0x5f: {  	_ =	shalt  }
0x60: {  	_ =	shalt  }
0x61: {  	_ =	shalt  }
0x62: {  	_ =	shalt  }
0x63: {  	_ =	shalt  }
0x64: {  	_ =	shalt  }
0x65: {  	_ =	shalt  }
0x66: {  	_ =	shalt  }
0x67: {  	_ =	shalt  }
0x68: {  	_ =	shalt  }
0x69: {  	_ =	shalt  }
0x6a: {  	_ =	shalt  }
0x6b: {  	_ =	shalt  }
0x6c: {  	_ =	shalt  }
0x6d: {  	_ =	shalt  }
0x6e: {  	_ =	shalt  }
0x6f: {  	_ =	shalt  }
0x70: {  	_ =	shalt  }
0x71: {  	_ =	shalt  }
0x72: {  	_ =	shalt  }
0x73: {  	_ =	shalt  }
0x74: {  	_ =	shalt  }
0x75: {  	_ =	shalt  }
0x76: {  	_ =	shalt  }
0x77: {  	_ =	shalt  }
0x78: {  	_ =	shalt  }
0x79: {  	_ =	shalt  }
0x7a: {  	_ =	shalt  }
0x7b: {  	_ =	shalt  }
0x7c: {  	_ =	shalt  }
0x7d: {  	_ =	shalt  }
0x7e: {  	_ =	shalt  }
0x7f: {  	_ =	shalt  }
0x80: {  	_ =	shalt  }
0x81: {  	_ =	shalt  }
0x82: {  	_ =	shalt  }
0x83: {  	_ =	shalt  }
0x84: {  	_ =	shalt  }
0x85: {  	_ =	shalt  }
0x86: {  	_ =	shalt  }
0x87: {  	_ =	shalt  }
.Lfunc_end0:
.L_simem_size_0:
called_computation_lowered:
.L_overlay_start_0:
0x88: {  	s2 =	sld [smem:$0x3FD9]  }
0x89: {  	s3 =	sld [smem:$0x3FFE];
	_ =	sdelay $0x1  }
0x8a: {  	s1 =	srdreg.scid  }
0x8b: {  	s0 =	sand.u32 $0x1, s1  }
0x8c: {  	s16 =	sshll.u32 s0, $0xA;
	s2 =	sadd.s32 s3, s2  }
0x8d: {  	s2 =	sadd.s32 s2, s16  }
0x8e: {  	[smem:$0x3FC2] =	sst s2  }
0x8f: {  	_ = 	snop  }
0x90: {  	(tm) =	ssettm $0x1  }
0x91: {  	s17 =	sld [smem:$0x3FFB];
	_ =	sdelay $0x3  }
0x92: {  	_ =	strace s17  }
0x93: {  	s2 =	sld [smem:$0x3FFC];
	_ =	sdelay $0x3  }
0x94: {  	_ =	strace s2  }
0x95: {  	s2 =	sld [smem:$0x3FFD];
	_ =	sdelay $0x3  }
0x96: {  	_ =	strace s2  }
0x97: {  	_ =	strace $0x8FFFFFFF  }
0x98: {  	s18 =	sld [smem:$0x3FDB];
	_ =	sdelay $0x1  }
0x99: {  	s19 =	simm.s32 $_scs_section_size  }
0x9a: {  	s4 =	simm.s32 $_size__tile_overlayer_lowered;
	s5 =	simm.s32 $_tile_overlayer_lowered  }
0x9b: {  	s22 =	simm.s32 $0x1BFF;
	s21 =	sshll.u32 s5, $0x1;
	s2 =	sadd.s32 s19, s18  }
0x9c: {  	s6 =	simm.s32 $0x0;
	s20 =	sshll.u32 s4, $0x1;
	s4 =	sadd.s32 s21, s2  }
0x9d: {  	[timem:s6], [sflag:s22] =	dma.local [hbm:s4], s20  }
0x9e: {  	_ =	swait.ge [sflag:s22], s20  }
0x9f: {  	s3 =	ssub.s32 $0x0, s20;
	[sflag:s22] =	ssyncset.done $0x0  }
0xa0: {  	[sflag:s22] =	ssyncadd.s32 s3;
	_ =	sdelay $0x1  }
0xa1: {  	s23 =	simm.s32 $0x1B8B  }
0xa2: {  	_ =	swait.ge [sflag:s23], $0x1  }
0xa3: {  	[sflag:s23] =	ssyncset.done $0x0  }
0xa4: {  	s25 =	simm.s32 $0x1B8E;
	s24 =	sld [smem:$0x3FFE];
	[sflag:s23] =	ssyncadd.s32 $0xFFFFFFFF  }
0xa5: {  	s26 =	simm.s32 $execute0_lowered;
	[smem:$0x3FD2] =	sst s25  }
0xa6: {  	s4 =	sshll.u32 s26, $0x1;
	_ =	strace $0x80000046;
	[dreg:$0x1] =	wrdreg $0xFFFFFFFF  }
0xa7: {  	s28 =	simm.s32 $_size_execute0_lowered;
	s2 =	sadd.s32 s2, s4;
	[dreg:$0x0] =	wrdreg $0x0  }
0xa8: {  	s4 =	sshll.u32 s28, $0x1;
	[dreg:$0x2] =	wrdreg s2  }
0xa9: {  	[dreg:$0x3] =	wrdreg s4  }
0xaa: {  	[dreg:$0x4] =	wrdreg $0xC0  }
0xab: {  	_ =	task [dreg:s6], $0x5FFFF  }
0xac: {  	[dreg:$0x1] =	wrdreg $0xFFFFFFFF  }
0xad: {  	[dreg:$0x0] =	wrdreg $0x60  }
0xae: {  	[dreg:$0x2] =	wrdreg s24  }
0xaf: {  	[dreg:$0x3] =	wrdreg $0xA8800  }
0xb0: {  	[dreg:$0x4] =	wrdreg $0x9  }
0xb1: {  	_ =	task.clear_ibuf [dreg:s6], $0x5FFFF;
	_ =	strace $0x90000046  }
0xb2: {  	s29 =	simm.s32 $0x9;
	_ =	strace $0x80000048  }
0xb3: {  	_ =	swait.ge [sflag:s29], $0x1  }
0xb4: {  	[sflag:s29] =	ssyncadd.s32 $0xFFFFFFFF  }
0xb5: {  	_ =	strace $0x90000048  }
0xb6: {  	_ =	sfence  }
0xb7: {  	s30 =	sld [smem:$0x0];
	_ =	sdelay $0x2  }
0xb8: {  	s31 =	sshll.u32 s1, $0xD;
	s1 =	sshrl.u32 s1, $0x2  }
0xb9: {  	s3 =	sand.u32 $0x4000, s31;
	s1 =	sadd.s32 s1, s30  }
0xba: {  	s0 =	sor.u32 s3, s0;
	s1 =	sshll.u32 s1, $0x11  }
0xbb: {  	s0 =	sor.u32 s1, s0  }
0xbc: {  	s0 =	sadd.s32 $0x8F2B, s0  }
0xbd: {  	[sflag:s0] =	ssyncadd.remote.s32 $0x1  }
0xbe: {  	_ =	sfence.sel $0xFFFF  }
0xbf: {  	[dreg:$0x0] =	wrdreg $0xFFFFFFFF;
	(pc) =	sbr.abs _section_cstart, $3  }
0xc0: {  	[dreg:$0x1] =	wrdreg $0xFFFFFFFF  }
0xc1: {  	_ =	task.clear_ibuf [dreg:s6], $0x2FFFF;
	_ =	strace $0x9FFFFFFF  }
0xc2: {  	(tm) =	ssettm $0x7FFFFFFF  }
0xc3: {  	_ =	shalt  }
tec
execute0_lowered:
.L_overlay_start_1:
0x0: {  	(tag) =	ssettag $0x1  }
0x1: {  	s4 =	rddreg [dreg:$0x0];
	s0 =	stileid.u32  }
0x2: {  	s1 =	srdreg.scid;
	s2 =	rddreg [dreg:$0x1]  }
0x3: {  	s3 =	simm.s32 $0x0;
	s12 =	simm.s32 $0x80;
	s13 =	simm.s32 $0x2800  }
0x4: {  	s14 =	simm.s32 $0x2880;
	s17 =	simm.s32 $0x0;
	s5 =	smul.u32 $0x500, s0  }
0x5: {  	s6 =	sand.u32 $0x1, s1;
	s1 =	rddreg [dreg:$0x2];
	s8 =	smul.u32 $0xA400, s0  }
0x6: {  	[smem:$0x7FF] =	sst s3;
	s9 =	smul.u32 $0x29000, s0;
	s16 =	sshll.u32 s0, $0x6  }
0x7: {  	s7 =	smul.u32 $0xA4000, s6;
	_ =	strace $0x80000047;
	s31 =	ssub.s32 $0x2, s6  }
0x8: {  	s15 =	smul.u32 $0x1400, s6;
	s5 =	sadd.s32 s5, s4;
	s10 =	sshrl.u32 s31, $0x1  }
0x9: {  	s9 =	sshrl.u32 s9, $0x2;
	s7 =	sadd.s32 s8, s7;
	s10 =	ssub.s32 s31, s10  }
0xa: {  	s5 =	sadd.s32 $0x1600, s5;
	v0 =	vmov s15;
	s15 =	sor.u32 $0x1C01, s16;
	s7 =	sshrl.u32 s7, $0x3  }
0xb: {  	s11 =	sadd.s32 s7, s4;
	s4 =	sadd.s32 s9, s2;
	s9 =	smax.u32 s10, $0x1  }
0xc: {  	s10 =	simm.s32 $0x1;
	s6 =	sadd.s32 $0x4000, s4;
	s7 =	sadd.s32 $0x8000, s4  }
0xd: {  	v1 =	vimm.f32 $1.000000000e+00;
	v2 =	vimm.f32 $0.0e+00;
	s8 =	sadd.s32 $0x6600, s11;
	s11 =	simm.s32 $0x6880;
	s16 =	sshrl.u32 s4, $0x3  }
.LBB2_1:
0xe: {  	[tilespmem:s3], [sflag:$0x1] =	stream.linear.gather [hbm4b:s5+s3], $0x2800, $0x38;
	[tilespmem:$0xBD00] =	vst v63  }
0xf: {  	_ =	swait.ge [sflag:s10], $0x2800  }
0x10: {  	[sflag:s10] =	ssyncset.done $0x0  }
0x11: {  	s18 =	simm.s32 $0x200;
	s19 =	simm.s32 $0x0;
	[sflag:s10] =	ssyncadd.s32 $0xFFFFD800  }
.LBB2_2:
0x12: {  	p0 =	sne.s32 s18, $0xFE00;
	[tilespmem:s19+$0x2880] =	vst v1;
	s20 =	smov.u32 s18;
	s18 =	sadd.s32 $0x200, s18  }
.Ltmp0:
0x13: {  	[tilespmem:s19+$0x6880] =	vst v2;
	(pc) =	sbr.rel @p0 .LBB2_2-.Ltmp0, $2  }
0x14: {  	_ =	sdelay $0x2  }
0x15: {  	s19 =	sshra.s32 s20, $0x2  }
0x16: {  	[tilespmem:s19+$0x2880] =	vst v1  }
0x17: {  	[tilespmem:s19+$0x6880] =	vst v2  }
0x18: {  	[spmem:s4] =	stream.linear.scatter [tilespmem:s11], [sflag:$0x1], $0x4000, $0x38;
	[tilespmem:$0xBD00] =	vst v63  }
0x19: {  	_ =	swait.ge [sflag:s10], $0x4000  }
0x1a: {  	[sflag:s10] =	ssyncset.done $0x0  }
0x1b: {  	[sflag:s10] =	ssyncadd.s32 $0xFFFFC000  }
0x1c: {  	[spmem:s6] =	stream.linear.scatter [tilespmem:s11], [sflag:$0x1], $0x4000, $0x38;
	[tilespmem:$0xBD00] =	vst v63  }
0x1d: {  	_ =	swait.ge [sflag:s10], $0x4000  }
0x1e: {  	[sflag:s10] =	ssyncset.done $0x0  }
0x1f: {  	[sflag:s10] =	ssyncadd.s32 $0xFFFFC000  }
0x20: {  	[spmem:s7] =	stream.linear.scatter [tilespmem:s11], [sflag:$0x1], $0x2400, $0x38;
	[tilespmem:$0xBD00] =	vst v63  }
0x21: {  	_ =	swait.ge [sflag:s10], $0x2400  }
0x22: {  	[sflag:s10] =	ssyncset.done $0x0  }
0x23: {  	[sflag:s10] =	ssyncadd.s32 $0xFFFFDC00  }
0x24: {  	s18 =	simm.s32 $0x0;
	[bflag:$0x0] =	sbarrier.arrive $0xFFFF  }
0x25: {  	v3 =	vld [tilespmem:s18+$0x0];
	_ =	sdelay $0x4  }
0x26: {  	v3 =	vsub.s32 v3, v0  }
0x27: {  	v3 =	vmin.u32 v3, $0x1400  }
0x28: {  	[tilespmem:$0x2800] =	vst v3  }
0x29: {  	v3 =	vld [tilespmem:s18+$0x10];
	_ =	sdelay $0x4  }
0x2a: {  	v3 =	vsub.s32 v3, v0  }
0x2b: {  	v3 =	vmin.u32 v3, $0x1400  }
0x2c: {  	[tilespmem:$0x2810] =	vst v3  }
0x2d: {  	v3 =	vld [tilespmem:s18+$0x20];
	_ =	sdelay $0x4  }
0x2e: {  	v3 =	vsub.s32 v3, v0  }
0x2f: {  	v3 =	vmin.u32 v3, $0x1400  }
0x30: {  	[tilespmem:$0x2820] =	vst v3  }
0x31: {  	v3 =	vld [tilespmem:s18+$0x30];
	_ =	sdelay $0x4  }
0x32: {  	v3 =	vsub.s32 v3, v0  }
0x33: {  	v3 =	vmin.u32 v3, $0x1400  }
0x34: {  	[tilespmem:$0x2830] =	vst v3  }
0x35: {  	v3 =	vld [tilespmem:s18+$0x40];
	_ =	sdelay $0x4  }
0x36: {  	v3 =	vsub.s32 v3, v0  }
0x37: {  	v3 =	vmin.u32 v3, $0x1400  }
0x38: {  	[tilespmem:$0x2840] =	vst v3  }
0x39: {  	v3 =	vld [tilespmem:s18+$0x50];
	_ =	sdelay $0x4  }
0x3a: {  	v3 =	vsub.s32 v3, v0  }
0x3b: {  	v3 =	vmin.u32 v3, $0x1400  }
0x3c: {  	[tilespmem:$0x2850] =	vst v3  }
0x3d: {  	v3 =	vld [tilespmem:s18+$0x60];
	_ =	sdelay $0x4  }
0x3e: {  	v3 =	vsub.s32 v3, v0  }
0x3f: {  	v3 =	vmin.u32 v3, $0x1400  }
0x40: {  	[tilespmem:$0x2860] =	vst v3  }
0x41: {  	v3 =	vld [tilespmem:s18+$0x70];
	_ =	sdelay $0x4  }
0x42: {  	v3 =	vsub.s32 v3, v0  }
0x43: {  	v3 =	vmin.u32 v3, $0x1400  }
0x44: {  	[tilespmem:$0x2870] =	vst v3  }
0x45: {  	[spmem:s2] =	stream.indirect.scatter.add.f32 [tilespmem:s14], [sflag:$0x1], $0x10, s13, s12, $0xb8;
	[tilespmem:$0xBD00] =	vst v63  }
0x46: {  	_ =	swait.ge [sflag:s10], $0x800  }
0x47: {  	s21 =	simm.s32 $0x400;
	s18 =	simm.s32 $0x200;
	[sflag:s10] =	ssyncset.done $0x0  }
.LBB2_4:
0x48: {  	s20 =	sshra.s32 s18, $0x2  }
0x49: {  	[sflag:s10] =	ssyncadd.s32 $0xFFFFF800;
	s18 =	smov.u32 s21;
	s19 =	sadd.s32 $0x200, s21  }
0x4a: {  	p0 =	sne.s32 s21, $0x9E00;
	v3 =	vld [tilespmem:s20+$0x0];
	_ =	sdelay $0x4  }
0x4b: {  	v3 =	vsub.s32 v3, v0  }
0x4c: {  	v3 =	vmin.u32 v3, $0x1400  }
0x4d: {  	[tilespmem:$0x2800] =	vst v3  }
0x4e: {  	v3 =	vld [tilespmem:s20+$0x10];
	_ =	sdelay $0x4  }
0x4f: {  	v3 =	vsub.s32 v3, v0  }
0x50: {  	v3 =	vmin.u32 v3, $0x1400  }
0x51: {  	[tilespmem:$0x2810] =	vst v3  }
0x52: {  	v3 =	vld [tilespmem:s20+$0x20];
	_ =	sdelay $0x4  }
0x53: {  	v3 =	vsub.s32 v3, v0  }
0x54: {  	v3 =	vmin.u32 v3, $0x1400  }
0x55: {  	[tilespmem:$0x2820] =	vst v3  }
0x56: {  	v3 =	vld [tilespmem:s20+$0x30];
	_ =	sdelay $0x4  }
0x57: {  	v3 =	vsub.s32 v3, v0  }
0x58: {  	v3 =	vmin.u32 v3, $0x1400  }
0x59: {  	[tilespmem:$0x2830] =	vst v3  }
0x5a: {  	v3 =	vld [tilespmem:s20+$0x40];
	_ =	sdelay $0x4  }
0x5b: {  	v3 =	vsub.s32 v3, v0  }
0x5c: {  	v3 =	vmin.u32 v3, $0x1400  }
0x5d: {  	[tilespmem:$0x2840] =	vst v3  }
0x5e: {  	v3 =	vld [tilespmem:s20+$0x50];
	_ =	sdelay $0x4  }
0x5f: {  	v3 =	vsub.s32 v3, v0  }
0x60: {  	v3 =	vmin.u32 v3, $0x1400  }
0x61: {  	[tilespmem:$0x2850] =	vst v3  }
0x62: {  	v3 =	vld [tilespmem:s20+$0x60];
	_ =	sdelay $0x4  }
0x63: {  	v3 =	vsub.s32 v3, v0  }
0x64: {  	v3 =	vmin.u32 v3, $0x1400  }
0x65: {  	[tilespmem:$0x2860] =	vst v3  }
0x66: {  	v3 =	vld [tilespmem:s20+$0x70];
	_ =	sdelay $0x4  }
0x67: {  	v3 =	vsub.s32 v3, v0  }
.Ltmp1:
0x68: {  	v3 =	vmin.u32 v3, $0x1400;
	(pc) =	sbr.rel @p0 .LBB2_4-.Ltmp1, $4  }
0x69: {  	[tilespmem:$0x2870] =	vst v3  }
0x6a: {  	[spmem:s2] =	stream.indirect.scatter.add.f32 [tilespmem:s14], [sflag:$0x1], $0x10, s13, s12, $0xb8;
	[tilespmem:$0xBD00] =	vst v63  }
0x6b: {  	_ =	swait.ge [sflag:s10], $0x800  }
0x6c: {  	s21 =	smov.u32 s19;
	[sflag:s10] =	ssyncset.done $0x0  }
0x6d: {  	s18 =	sshra.s32 s18, $0x2;
	[sflag:s10] =	ssyncadd.s32 $0xFFFFF800  }
0x6e: {  	v3 =	vld [tilespmem:s18+$0x0];
	_ =	sdelay $0x4  }
0x6f: {  	v3 =	vsub.s32 v3, v0  }
0x70: {  	v3 =	vmin.u32 v3, $0x1400  }
0x71: {  	[tilespmem:$0x2800] =	vst v3  }
0x72: {  	v3 =	vld [tilespmem:s18+$0x10];
	_ =	sdelay $0x4  }
0x73: {  	v3 =	vsub.s32 v3, v0  }
0x74: {  	v3 =	vmin.u32 v3, $0x1400  }
0x75: {  	[tilespmem:$0x2810] =	vst v3  }
0x76: {  	v3 =	vld [tilespmem:s18+$0x20];
	_ =	sdelay $0x4  }
0x77: {  	v3 =	vsub.s32 v3, v0  }
0x78: {  	v3 =	vmin.u32 v3, $0x1400  }
0x79: {  	[tilespmem:$0x2820] =	vst v3  }
0x7a: {  	v3 =	vld [tilespmem:s18+$0x30];
	_ =	sdelay $0x4  }
0x7b: {  	v3 =	vsub.s32 v3, v0  }
0x7c: {  	v3 =	vmin.u32 v3, $0x1400  }
0x7d: {  	[tilespmem:$0x2830] =	vst v3  }
0x7e: {  	v3 =	vld [tilespmem:s18+$0x40];
	_ =	sdelay $0x4  }
0x7f: {  	v3 =	vsub.s32 v3, v0  }
0x80: {  	v3 =	vmin.u32 v3, $0x1400  }
0x81: {  	[tilespmem:$0x2840] =	vst v3  }
0x82: {  	v3 =	vld [tilespmem:s18+$0x50];
	_ =	sdelay $0x4  }
0x83: {  	v3 =	vsub.s32 v3, v0  }
0x84: {  	v3 =	vmin.u32 v3, $0x1400  }
0x85: {  	[tilespmem:$0x2850] =	vst v3  }
0x86: {  	v3 =	vld [tilespmem:s18+$0x60];
	_ =	sdelay $0x4  }
0x87: {  	v3 =	vsub.s32 v3, v0  }
0x88: {  	v3 =	vmin.u32 v3, $0x1400  }
0x89: {  	[tilespmem:$0x2860] =	vst v3  }
0x8a: {  	v3 =	vld [tilespmem:s18+$0x70];
	_ =	sdelay $0x4  }
0x8b: {  	v3 =	vsub.s32 v3, v0  }
0x8c: {  	v3 =	vmin.u32 v3, $0x1400  }
0x8d: {  	[tilespmem:$0x2870] =	vst v3  }
0x8e: {  	[spmem:s2] =	stream.indirect.scatter.add.f32 [tilespmem:s14], [sflag:$0x1], $0x10, s13, s12, $0xb8;
	[tilespmem:$0xBD00] =	vst v63  }
0x8f: {  	_ =	swait.ge [sflag:s10], $0x800  }
0x90: {  	s17 =	sadd.s32 $0x1, s17;
	[sflag:s10] =	ssyncset.done $0x0  }
0x91: {  	p0 =	sne.s32 s17, s9;
	[sflag:s10] =	ssyncadd.s32 $0xFFFFF800  }
.Ltmp2:
0x92: {  	[bflag:$0x0] =	sbarrier.arrive $0xFFFF;
	(pc) =	sbr.rel @p0 .LBB2_1-.Ltmp2, $4  }
0x93: {  	[hbm:s8], [sflag:s15] =	dma.local [spmem:s16], $0x1480  }
0x94: {  	_ =	swait.ge [sflag:s10], $0x1480  }
0x95: {  	[sflag:s10] =	ssyncset.done $0x0  }
0x96: {  	[sflag:s10] =	ssyncadd.s32 $0xFFFFEB80  }
0x97: {  	_ =	sfence.sel $0x180000  }
0x98: {  	[bflag:$0x0] =	sbarrier.arrive $0xFFFF  }
0x99: {  	p0 =	sne.s32 s0, $0x0;
	_ =	strace $0x90000047  }
0x9a: {  	s0 =	sadd.s32 @!p0 $0x100000, s1;
	[bflag:$0x2] =	sbarrier.arrive $0xFFFF  }
0x9b: {  	[sflag:s0] =	ssyncadd.tile.s32 @!p0 $0x1;
	_ =	shalt  }
.Lfunc_end2:
_tile_overlayer_lowered:
.L_overlay_start_2:
0x9c: {  	(tag) =	ssettag $0x2  }
0x9d: {  	s0 =	rddreg [dreg:$0x0];
	s2 =	stileid.u32  }
0x9e: {  	s1 =	rddreg [dreg:$0x1];
	p0 =	sne.s32 s2, $0x0  }
0x9f: {  	s3 =	rddreg [dreg:$0x2];
	[bflag:$0x3] =	sbarrier.arrive $0xFFFF;
	s2 =	simm.s32 @!p0 $0x1C01  }
0xa0: {  	[timem:s3], [sflag:s2] =	dma.local @!p0 [hbm:s0], s1  }
0xa1: {  	s0 =	simm.s32 @!p0 $0x1  }
0xa2: {  	_ =	swait.ge @!p0 [sflag:s0], s1  }
0xa3: {  	s1 =	ssub.s32 @!p0 $0x0, s1;
	[sflag:s0] =	ssyncset.done @!p0 $0x0  }
0xa4: {  	[sflag:s0] =	ssyncadd.s32 @!p0 s1  }
0xa5: {  	[bflag:$0x3] =	sbarrier.arrive $0xFFFF  }
0xa6: {  	_ =	shalt  }

</sc_bundles>
